<compile_context>
chip_gen: v7x
topology: tpu7x:2x2x1
jax: 0.10.2.dev20260603
libtpu: 0.0.44.dev20260713+nightly
codegen_flags: <defaults>
</compile_context>

<pallas_src>
import functools

import jax
import jax.numpy as jnp
from jax import lax
from jax.experimental import pallas as pl
from jax.experimental.pallas import tpu as pltpu
from jax.experimental.pallas import tpu_sc as plsc

NC = 2
NS = 16
NW = NC * NS
LANES = 16

D = 64
YD = 16
NG = 8
NT = 20

CHUNK = 64
CONV_CB = 8192

M_GRID = 62
T_GRID = 7
M_SPLIT = CONV_CB * M_GRID
T_SPLIT = CONV_CB * T_GRID


def _conv_body(a_ref, b_ref, eye_ref, out_ref):
  f32 = jnp.float32
  dn = (((0,), (0,)), ((), ()))
  at = lax.dot_general(a_ref[...], eye_ref[...], dimension_numbers=dn,
                       preferred_element_type=f32)
  bt = lax.dot_general(b_ref[...], eye_ref[...], dimension_numbers=dn,
                       preferred_element_type=f32)
  out_ref[...] = jnp.concatenate([at, bt], axis=1)


def _table_convert(table_t, grid):
  split = CONV_CB * grid
  n = table_t.shape[1]
  last_blk = (n - 1) // CONV_CB
  eye = jnp.eye(D, dtype=jnp.float32)
  out = pl.pallas_call(
      _conv_body,
      grid=(grid,),
      in_specs=[
          pl.BlockSpec((D, CONV_CB), lambda i: (0, i)),
          pl.BlockSpec((D, CONV_CB),
                       lambda i, g=grid, lb=last_blk:
                       (0, jnp.minimum(i + g, lb))),
          pl.BlockSpec((D, D), lambda i: (0, 0)),
      ],
      out_specs=pl.BlockSpec((CONV_CB, 2 * D), lambda i: (i, 0)),
      out_shape=jax.ShapeDtypeStruct((split, 2 * D), jnp.float32),
  )(table_t, table_t, eye)
  return out.reshape(2 * split, D)


def _remap(v, split):
  v2 = v + v
  return jnp.where(v < split, v2, v2 - 2 * split + 1)


def _accumulate(rows_ref, acc_ref, n_per, n_samples):

  def body(i, carry):
    for cc in range(D // LANES):
      v = rows_ref[i, pl.ds(cc * LANES, LANES)]
      for j in range(1, n_per):
        v = v + rows_ref[j * n_samples + i, pl.ds(cc * LANES, LANES)]
      acc_ref[i, pl.ds(cc * LANES, LANES)] = v
    return carry

  lax.fori_loop(0, n_samples, body, 0)


def _sc_rows(B):
  bpw = B // NW
  mesh = plsc.VectorSubcoreMesh(core_axis_name="c", subcore_axis_name="s")

  @functools.partial(
      pl.kernel,
      mesh=mesh,
      compiler_params=pltpu.CompilerParams(use_tc_tiling_on_sc=False),
      out_type=[
          jax.ShapeDtypeStruct((B, D), jnp.float32),
          jax.ShapeDtypeStruct((B, YD), jnp.float32),
      ],
      scratch_types=[
          pltpu.VMEM((B // NW, D), jnp.float32),
          pltpu.VMEM((B // NW, YD), jnp.float32),
          pltpu.VMEM((B // NW,), jnp.int32),
          pltpu.VMEM((B // NW,), jnp.int32),
          pltpu.SemaphoreType.DMA,
          pltpu.SemaphoreType.DMA,
      ],
  )
  def sc_kernel(movie_id, year_idx, movie_lin, year_table,
                m_out, y_out, m_rows, y_rows, idx_m, idx_y, sem, sem2):
    wid = lax.axis_index("s") * NC + lax.axis_index("c")
    base = wid * bpw
    pltpu.sync_copy(movie_id.at[pl.ds(base, bpw)], idx_m)
    pltpu.sync_copy(year_idx.at[pl.ds(base, bpw)], idx_y)
    hs = []
    for g in range(bpw // 128):
      hs.append(pltpu.async_copy(
          movie_lin.at[idx_m.at[pl.ds(g * 128, 128)]],
          m_rows.at[pl.ds(g * 128, 128), :], sem))
      hs.append(pltpu.async_copy(
          year_table.at[idx_y.at[pl.ds(g * 128, 128)]],
          y_rows.at[pl.ds(g * 128, 128), :], sem2))
    for h in hs:
      h.wait()
    pltpu.sync_copy(m_rows, m_out.at[pl.ds(base, bpw)])
    pltpu.sync_copy(y_rows, y_out.at[pl.ds(base, bpw)])

  return sc_kernel


def _sc_gather_pool(B):
  bpw = B // NW
  nch = bpw // CHUNK

  mesh = plsc.VectorSubcoreMesh(core_axis_name="c", subcore_axis_name="s")

  @functools.partial(
      pl.kernel,
      mesh=mesh,
      compiler_params=pltpu.CompilerParams(use_tc_tiling_on_sc=False),
      out_type=[
          jax.ShapeDtypeStruct((B, D), jnp.float32),
          jax.ShapeDtypeStruct((B, D), jnp.float32),
      ],
      scratch_types=[
          pltpu.VMEM((CHUNK * NT, D), jnp.float32),
          pltpu.VMEM((CHUNK, D), jnp.float32),
          pltpu.VMEM((CHUNK, D), jnp.float32),
          pltpu.VMEM((NT, bpw), jnp.int32),
          pltpu.VMEM((NG, bpw), jnp.int32),
          pltpu.SemaphoreType.DMA,
      ],
  )
  def sc_kernel(g_idx_t, t_idx_t, genre_table, tag_lin,
                g_out, t_out,
                rows, g_acc, t_acc, idx_t, idx_g, sem):
    wid = lax.axis_index("s") * NC + lax.axis_index("c")
    base = wid * bpw

    pltpu.sync_copy(g_idx_t.at[:, pl.ds(base, bpw)], idx_g)
    pltpu.sync_copy(t_idx_t.at[:, pl.ds(base, bpw)], idx_t)

    def chunk_body(c, carry):
      off = c * CHUNK
      start = base + off

      hs = []
      for j in range(NG):
        hs.append(pltpu.async_copy(
            genre_table.at[idx_g.at[j, pl.ds(off, CHUNK)]],
            rows.at[pl.ds(j * CHUNK, CHUNK), :], sem))
      for h in hs:
        h.wait()
      _accumulate(rows, g_acc, NG, CHUNK)
      pltpu.sync_copy(g_acc, g_out.at[pl.ds(start, CHUNK)])

      hs = []
      for j in range(NT):
        hs.append(pltpu.async_copy(
            tag_lin.at[idx_t.at[j, pl.ds(off, CHUNK)]],
            rows.at[pl.ds(j * CHUNK, CHUNK), :], sem))
      for h in hs:
        h.wait()
      _accumulate(rows, t_acc, NT, CHUNK)
      pltpu.sync_copy(t_acc, t_out.at[pl.ds(start, CHUNK)])
      return carry

    lax.fori_loop(0, nch, chunk_body, 0)

  return sc_kernel


def _mlp_body(gidx_ref, tidx_ref, m_ref, g_ref, y_ref, t_ref,
              w1a_ref, w1b_ref, w1c_ref, w1d_ref, b1_ref,
              w2_ref, b2_ref, w3_ref, b3_ref, out_ref):
  cnt_g = jnp.sum((gidx_ref[...] != 0).astype(jnp.float32), axis=1,
                  keepdims=True)
  cnt_t = jnp.sum((tidx_ref[...] != 0).astype(jnp.float32), axis=1,
                  keepdims=True)
  g = g_ref[...] / jnp.maximum(cnt_g, 1e-9)
  t = t_ref[...] / jnp.maximum(cnt_t, 1e-9)
  f32 = jnp.float32
  x = (jnp.dot(m_ref[...], w1a_ref[...], preferred_element_type=f32)
       + jnp.dot(g, w1b_ref[...], preferred_element_type=f32)
       + jnp.dot(y_ref[...], w1c_ref[...], preferred_element_type=f32)
       + jnp.dot(t, w1d_ref[...], preferred_element_type=f32)
       + b1_ref[...])
  x = jnp.maximum(x, 0.0)
  x = jnp.maximum(jnp.dot(x, w2_ref[...], preferred_element_type=f32)
                  + b2_ref[...], 0.0)
  out_ref[...] = lax.dot_general(
      w3_ref[...], x, dimension_numbers=(((0,), (1,)), ((), ())),
      preferred_element_type=f32) + b3_ref[...]


def _mlp(B, H, gidx, tidx, m, g_sum, y, t_sum, W1, b1, W2, b2, W3, b3):
  R = 2048
  grid = B // R
  w1a = W1[:D]
  w1b = W1[D:2 * D]
  w1c = W1[2 * D:2 * D + YD]
  w1d = W1[2 * D + YD:]
  row = lambda i: (i, 0)
  rep = lambda i: (0, 0)
  return pl.pallas_call(
      _mlp_body,
      grid=(grid,),
      in_specs=[
          pl.BlockSpec((R, NG), row),
          pl.BlockSpec((R, NT), row),
          pl.BlockSpec((R, D), row),
          pl.BlockSpec((R, D), row),
          pl.BlockSpec((R, YD), row),
          pl.BlockSpec((R, D), row),
          pl.BlockSpec(w1a.shape, rep),
          pl.BlockSpec(w1b.shape, rep),
          pl.BlockSpec(w1c.shape, rep),
          pl.BlockSpec(w1d.shape, rep),
          pl.BlockSpec((1, H), rep),
          pl.BlockSpec(W2.shape, rep),
          pl.BlockSpec((1, H // 2), rep),
          pl.BlockSpec(W3.shape, rep),
          pl.BlockSpec((D, 1), rep),
      ],
      out_specs=pl.BlockSpec((D, R), lambda i: (0, i)),
      out_shape=jax.ShapeDtypeStruct((D, B), jnp.float32),
  )(gidx, tidx, m, g_sum, y, t_sum, w1a, w1b, w1c, w1d,
    b1.reshape(1, H), W2, b2.reshape(1, H // 2), W3,
    b3.reshape(D, 1)).T


def kernel(movie_id, padded_genre_indices, year_idx, padded_tag_indices,
           movie_table, genre_table, tag_table, year_table,
           W1, b1, W2, b2, W3, b3):
  B = movie_id.shape[0]
  H = W1.shape[1]
  mid = movie_id.astype(jnp.int32)
  gid_t = padded_genre_indices.astype(jnp.int32).T
  yid = year_idx.astype(jnp.int32)
  mid_lin = _remap(mid, M_SPLIT)
  tid_lin_t = _remap(padded_tag_indices.astype(jnp.int32), T_SPLIT).T

  tag_lin = _table_convert(tag_table.T, T_GRID)
  movie_lin = _table_convert(movie_table.T, M_GRID)

  g_sum, t_sum = _sc_gather_pool(B)(gid_t, tid_lin_t, genre_table, tag_lin)
  m_rows, y_rows = _sc_rows(B)(mid_lin, yid, movie_lin, year_table)

  return _mlp(B, H, padded_genre_indices.astype(jnp.int32),
              padded_tag_indices.astype(jnp.int32),
              m_rows, g_sum, y_rows, t_sum, W1, b1, W2, b2, W3, b3)

# --- scband reference (transcript-rebuilt; emitter-appended) ---
"""Pipeline reference for scband-movie-tower-51110110823010 (READ-ONLY COPY).

The authoritative reference and input builder live on the scoring server;
editing this copy changes nothing except your own understanding.
"""

import jax, jax.numpy as jnp
import numpy as np

B = 16384
NUM_MOVIES = 1000000
NUM_GENRES = 1000
NUM_TAGS = 100000
NUM_YEARS = 1000
D = 64
YD = 16
H = 128


def setup_inputs(seed: int = 0) -> dict:
    key = jax.random.key(seed)
    ks = jax.random.split(key, 16)
    movie_id = jax.random.randint(ks[0], (B,), 0, NUM_MOVIES)
    padded_genre_indices = jax.random.randint(ks[1], (B, 8), 0, NUM_GENRES)
    year_idx = jax.random.randint(ks[2], (B,), 0, NUM_YEARS)
    padded_tag_indices = jax.random.randint(ks[3], (B, 20), 0, NUM_TAGS)
    movie_table = jax.random.normal(ks[4], (NUM_MOVIES, D), dtype=jnp.float32) * 0.02
    genre_table = (jax.random.normal(ks[5], (NUM_GENRES, D), dtype=jnp.float32) * 0.02).at[0].set(0.0)
    tag_table = (jax.random.normal(ks[6], (NUM_TAGS, D), dtype=jnp.float32) * 0.02).at[0].set(0.0)
    year_table = (jax.random.normal(ks[7], (NUM_YEARS, YD), dtype=jnp.float32) * 0.02).at[0].set(0.0)
    C = D + D + YD + D
    W1 = jax.random.normal(ks[8], (C, H), dtype=jnp.float32) * (1.0 / np.sqrt(C))
    b1 = jnp.zeros((H,), dtype=jnp.float32)
    W2 = jax.random.normal(ks[9], (H, H // 2), dtype=jnp.float32) * (1.0 / np.sqrt(H))
    b2 = jnp.zeros((H // 2,), dtype=jnp.float32)
    W3 = jax.random.normal(ks[10], (H // 2, D), dtype=jnp.float32) * (1.0 / np.sqrt(H // 2))
    b3 = jnp.zeros((D,), dtype=jnp.float32)
    return {"movie_id": movie_id, "padded_genre_indices": padded_genre_indices, "year_idx": year_idx, "padded_tag_indices": padded_tag_indices, "movie_table": movie_table, "genre_table": genre_table, "tag_table": tag_table, "year_table": year_table, "W1": W1, "b1": b1, "W2": W2, "b2": b2, "W3": W3, "b3": b3}


def reference(movie_id, padded_genre_indices, year_idx, padded_tag_indices, movie_table, genre_table, tag_table, year_table, W1, b1, W2, b2, W3, b3):
    m_embed = jnp.take(movie_table, movie_id, axis=0)
    y_embed = jnp.take(year_table, year_idx, axis=0)
    genre_embeds = jnp.take(genre_table, padded_genre_indices, axis=0)
    genre_mask = (padded_genre_indices != 0).astype(jnp.float32)[..., None]
    g_agg = (genre_embeds * genre_mask).sum(axis=1) / jnp.clip(genre_mask.sum(axis=1), 1e-09, None)
    tag_embeds = jnp.take(tag_table, padded_tag_indices, axis=0)
    tag_mask = (padded_tag_indices != 0).astype(jnp.float32)[..., None]
    t_agg = (tag_embeds * tag_mask).sum(axis=1) / jnp.clip(tag_mask.sum(axis=1), 1e-09, None)
    combined = jnp.concatenate([m_embed, g_agg, y_embed, t_agg], axis=1)
    x = jax.nn.relu(combined @ W1 + b1)
    x = jax.nn.relu(x @ W2 + b2)
    return x @ W3 + b3

if __name__ == "__main__":
    import jax
    _d = setup_inputs()
    print(jax.jit(kernel)(*tuple(_d.values())))

</pallas_src>

<mosaic_0001>
#map = affine_map<(d0, d1) -> (0, 0)>
module attributes {stable_mosaic.version = 14 : i64} {
  func.func @sc_kernel(%arg0: i32, %arg1: i32, %arg2: memref<8x16384xi32, #tpu.memory_space<hbm>>, %arg3: memref<20x16384xi32, #tpu.memory_space<hbm>>, %arg4: memref<1000x64xf32, #tpu.memory_space<hbm>>, %arg5: memref<114688x64xf32, #tpu.memory_space<hbm>>, %arg6: memref<16384x64xf32, #tpu.memory_space<hbm>>, %arg7: memref<16384x64xf32, #tpu.memory_space<hbm>>, %arg8: memref<1280x64xf32, #tpu.memory_space<vmem>>, %arg9: memref<64x64xf32, #tpu.memory_space<vmem>>, %arg10: memref<64x64xf32, #tpu.memory_space<vmem>>, %arg11: memref<20x512xi32, #tpu.memory_space<vmem>>, %arg12: memref<8x512xi32, #tpu.memory_space<vmem>>, %arg13: memref<!tpu.dma_semaphore, #tpu.memory_space<semaphore_mem>>) attributes {dimension_semantics = [#tpu.dimension_semantics<core_parallel>, #tpu.dimension_semantics<subcore_parallel>], iteration_bounds = array<i64: 2, 16>, scalar_prefetch = 0 : i64, scratch_operands = 6 : i64, tpu.core_type = #tpu.core_type<sc_vector_subcore>, window_params = [{transform_indices = #map}, {transform_indices = #map}, {transform_indices = #map}, {transform_indices = #map}, {transform_indices = #map}, {transform_indices = #map}]} {
    %mul3A = arith.constant 2 : i32
    %mul3A_0 = arith.muli %arg1, %mul3A : i32
    %add3A = arith.addi %mul3A_0, %arg0 : i32
    %mul3A_1 = arith.constant 512 : i32
    %mul3A_2 = arith.muli %add3A, %mul3A_1 : i32
    "tpu.region"() ({
      %run_scoped3A = tpu.sem_alloc : memref<!tpu.dma_semaphore, #tpu.memory_space<semaphore_mem>>
      %dma_start3A = arith.constant 0 : i32
      %dma_start3A_8 = tpu.memref_slice %arg2[%dma_start3A, %mul3A_2] : memref<8x16384xi32, #tpu.memory_space<hbm>> -> memref<8x512xi32, #tpu.memory_space<hbm>>
      %dma_start3A_9 = arith.constant 0 : i32
      %dma_start3A_10 = tpu.memref_slice %arg2[%dma_start3A_9, %mul3A_2] : memref<8x16384xi32, #tpu.memory_space<hbm>> -> memref<8x512xi32, #tpu.memory_space<hbm>>
      tpu.enqueue_dma source(%dma_start3A_10 : memref<8x512xi32, #tpu.memory_space<hbm>>) target(%arg12 : memref<8x512xi32, #tpu.memory_space<vmem>>) target_semaphore(%run_scoped3A : memref<!tpu.dma_semaphore, #tpu.memory_space<semaphore_mem>>)
      %dma_wait3A = arith.constant 0 : i32
      %dma_wait3A_11 = tpu.memref_slice %arg2[%dma_wait3A, %mul3A_2] : memref<8x16384xi32, #tpu.memory_space<hbm>> -> memref<8x512xi32, #tpu.memory_space<hbm>>
      %dma_wait3A_12 = arith.constant 0 : i32
      %dma_wait3A_13 = tpu.memref_slice %arg2[%dma_wait3A_12, %mul3A_2] : memref<8x16384xi32, #tpu.memory_space<hbm>> -> memref<8x512xi32, #tpu.memory_space<hbm>>
      tpu.wait_dma2 semaphore(%run_scoped3A : memref<!tpu.dma_semaphore, #tpu.memory_space<semaphore_mem>>) src(%dma_wait3A_13 : memref<8x512xi32, #tpu.memory_space<hbm>>) dst(%arg12 : memref<8x512xi32, #tpu.memory_space<vmem>>)
      tpu.yield
    }) : () -> ()
    "tpu.region"() ({
      %run_scoped3A = tpu.sem_alloc : memref<!tpu.dma_semaphore, #tpu.memory_space<semaphore_mem>>
      %dma_start3A = arith.constant 0 : i32
      %dma_start3A_8 = tpu.memref_slice %arg3[%dma_start3A, %mul3A_2] : memref<20x16384xi32, #tpu.memory_space<hbm>> -> memref<20x512xi32, #tpu.memory_space<hbm>>
      %dma_start3A_9 = arith.constant 0 : i32
      %dma_start3A_10 = tpu.memref_slice %arg3[%dma_start3A_9, %mul3A_2] : memref<20x16384xi32, #tpu.memory_space<hbm>> -> memref<20x512xi32, #tpu.memory_space<hbm>>
      tpu.enqueue_dma source(%dma_start3A_10 : memref<20x512xi32, #tpu.memory_space<hbm>>) target(%arg11 : memref<20x512xi32, #tpu.memory_space<vmem>>) target_semaphore(%run_scoped3A : memref<!tpu.dma_semaphore, #tpu.memory_space<semaphore_mem>>)
      %dma_wait3A = arith.constant 0 : i32
      %dma_wait3A_11 = tpu.memref_slice %arg3[%dma_wait3A, %mul3A_2] : memref<20x16384xi32, #tpu.memory_space<hbm>> -> memref<20x512xi32, #tpu.memory_space<hbm>>
      %dma_wait3A_12 = arith.constant 0 : i32
      %dma_wait3A_13 = tpu.memref_slice %arg3[%dma_wait3A_12, %mul3A_2] : memref<20x16384xi32, #tpu.memory_space<hbm>> -> memref<20x512xi32, #tpu.memory_space<hbm>>
      tpu.wait_dma2 semaphore(%run_scoped3A : memref<!tpu.dma_semaphore, #tpu.memory_space<semaphore_mem>>) src(%dma_wait3A_13 : memref<20x512xi32, #tpu.memory_space<hbm>>) dst(%arg11 : memref<20x512xi32, #tpu.memory_space<vmem>>)
      tpu.yield
    }) : () -> ()
    %scan3A = arith.constant 0 : i32
    %scan3A_3 = arith.constant 0 : i32
    %scan3A_4 = arith.constant 8 : i32
    %scan3A_5 = arith.addi %scan3A_3, %scan3A_4 : i32
    %scan3A_6 = arith.constant 1 : i32
    scf.for %scan3A_8 = %scan3A_3 to %scan3A_5 step %scan3A_6  : i32 {
      %mul3A_9 = arith.constant 64 : i32
      %mul3A_10 = arith.muli %scan3A_8, %mul3A_9 : i32
      %add3A_11 = arith.addi %mul3A_2, %mul3A_10 : i32
      %dma_start3A = arith.constant 0 : i32
      %dma_start3A_12 = arith.constant 0 : i32
      %dma_start3A_13 = arith.constant 0 : i32
      %dma_start3A_14 = tpu.memref_slice %arg8[%dma_start3A_12, %dma_start3A_13] : memref<1280x64xf32, #tpu.memory_space<vmem>> -> memref<64x64xf32, #tpu.memory_space<vmem>>
      %dma_start3A_15 = tpu.memref_slice %arg12[%dma_start3A, %mul3A_10] : memref<8x512xi32, #tpu.memory_space<vmem>> -> memref<1x64xi32, #tpu.memory_space<vmem>>
      %dma_start3A_16 = tpu.memref_squeeze %dma_start3A_15 : memref<1x64xi32, #tpu.memory_space<vmem>> -> memref<64xi32, #tpu.memory_space<vmem>>
      %dma_start3A_17 = arith.constant 0 : i32
      %dma_start3A_18 = arith.constant 0 : i32
      %dma_start3A_19 = tpu.memref_slice %arg4[%dma_start3A_17, %dma_start3A_18] : memref<1000x64xf32, #tpu.memory_space<hbm>> -> memref<1000x64xf32, #tpu.memory_space<hbm>>
      tpu.enqueue_indirect_dma source(%dma_start3A_19 : memref<1000x64xf32, #tpu.memory_space<hbm>>) target(%dma_start3A_14 : memref<64x64xf32, #tpu.memory_space<vmem>>) offsets(%dma_start3A_16 : memref<64xi32, #tpu.memory_space<vmem>>) semaphore(%arg13 : memref<!tpu.dma_semaphore, #tpu.memory_space<semaphore_mem>>)
      %dma_start3A_20 = arith.constant 1 : i32
      %dma_start3A_21 = arith.constant 64 : i32
      %dma_start3A_22 = arith.constant 0 : i32
      %dma_start3A_23 = tpu.memref_slice %arg8[%dma_start3A_21, %dma_start3A_22] : memref<1280x64xf32, #tpu.memory_space<vmem>> -> memref<64x64xf32, #tpu.memory_space<vmem>>
      %dma_start3A_24 = tpu.memref_slice %arg12[%dma_start3A_20, %mul3A_10] : memref<8x512xi32, #tpu.memory_space<vmem>> -> memref<1x64xi32, #tpu.memory_space<vmem>>
      %dma_start3A_25 = tpu.memref_squeeze %dma_start3A_24 : memref<1x64xi32, #tpu.memory_space<vmem>> -> memref<64xi32, #tpu.memory_space<vmem>>
      %dma_start3A_26 = arith.constant 0 : i32
      %dma_start3A_27 = arith.constant 0 : i32
      %dma_start3A_28 = tpu.memref_slice %arg4[%dma_start3A_26, %dma_start3A_27] : memref<1000x64xf32, #tpu.memory_space<hbm>> -> memref<1000x64xf32, #tpu.memory_space<hbm>>
      tpu.enqueue_indirect_dma source(%dma_start3A_28 : memref<1000x64xf32, #tpu.memory_space<hbm>>) target(%dma_start3A_23 : memref<64x64xf32, #tpu.memory_space<vmem>>) offsets(%dma_start3A_25 : memref<64xi32, #tpu.memory_space<vmem>>) semaphore(%arg13 : memref<!tpu.dma_semaphore, #tpu.memory_space<semaphore_mem>>)
      %dma_start3A_29 = arith.constant 2 : i32
      %dma_start3A_30 = arith.constant 128 : i32
      %dma_start3A_31 = arith.constant 0 : i32
      %dma_start3A_32 = tpu.memref_slice %arg8[%dma_start3A_30, %dma_start3A_31] : memref<1280x64xf32, #tpu.memory_space<vmem>> -> memref<64x64xf32, #tpu.memory_space<vmem>>
      %dma_start3A_33 = tpu.memref_slice %arg12[%dma_start3A_29, %mul3A_10] : memref<8x512xi32, #tpu.memory_space<vmem>> -> memref<1x64xi32, #tpu.memory_space<vmem>>
      %dma_start3A_34 = tpu.memref_squeeze %dma_start3A_33 : memref<1x64xi32, #tpu.memory_space<vmem>> -> memref<64xi32, #tpu.memory_space<vmem>>
      %dma_start3A_35 = arith.constant 0 : i32
      %dma_start3A_36 = arith.constant 0 : i32
      %dma_start3A_37 = tpu.memref_slice %arg4[%dma_start3A_35, %dma_start3A_36] : memref<1000x64xf32, #tpu.memory_space<hbm>> -> memref<1000x64xf32, #tpu.memory_space<hbm>>
      tpu.enqueue_indirect_dma source(%dma_start3A_37 : memref<1000x64xf32, #tpu.memory_space<hbm>>) target(%dma_start3A_32 : memref<64x64xf32, #tpu.memory_space<vmem>>) offsets(%dma_start3A_34 : memref<64xi32, #tpu.memory_space<vmem>>) semaphore(%arg13 : memref<!tpu.dma_semaphore, #tpu.memory_space<semaphore_mem>>)
      %dma_start3A_38 = arith.constant 3 : i32
      %dma_start3A_39 = arith.constant 192 : i32
      %dma_start3A_40 = arith.constant 0 : i32
      %dma_start3A_41 = tpu.memref_slice %arg8[%dma_start3A_39, %dma_start3A_40] : memref<1280x64xf32, #tpu.memory_space<vmem>> -> memref<64x64xf32, #tpu.memory_space<vmem>>
      %dma_start3A_42 = tpu.memref_slice %arg12[%dma_start3A_38, %mul3A_10] : memref<8x512xi32, #tpu.memory_space<vmem>> -> memref<1x64xi32, #tpu.memory_space<vmem>>
      %dma_start3A_43 = tpu.memref_squeeze %dma_start3A_42 : memref<1x64xi32, #tpu.memory_space<vmem>> -> memref<64xi32, #tpu.memory_space<vmem>>
      %dma_start3A_44 = arith.constant 0 : i32
      %dma_start3A_45 = arith.constant 0 : i32
      %dma_start3A_46 = tpu.memref_slice %arg4[%dma_start3A_44, %dma_start3A_45] : memref<1000x64xf32, #tpu.memory_space<hbm>> -> memref<1000x64xf32, #tpu.memory_space<hbm>>
      tpu.enqueue_indirect_dma source(%dma_start3A_46 : memref<1000x64xf32, #tpu.memory_space<hbm>>) target(%dma_start3A_41 : memref<64x64xf32, #tpu.memory_space<vmem>>) offsets(%dma_start3A_43 : memref<64xi32, #tpu.memory_space<vmem>>) semaphore(%arg13 : memref<!tpu.dma_semaphore, #tpu.memory_space<semaphore_mem>>)
      %dma_start3A_47 = arith.constant 4 : i32
      %dma_start3A_48 = arith.constant 256 : i32
      %dma_start3A_49 = arith.constant 0 : i32
      %dma_start3A_50 = tpu.memref_slice %arg8[%dma_start3A_48, %dma_start3A_49] : memref<1280x64xf32, #tpu.memory_space<vmem>> -> memref<64x64xf32, #tpu.memory_space<vmem>>
      %dma_start3A_51 = tpu.memref_slice %arg12[%dma_start3A_47, %mul3A_10] : memref<8x512xi32, #tpu.memory_space<vmem>> -> memref<1x64xi32, #tpu.memory_space<vmem>>
      %dma_start3A_52 = tpu.memref_squeeze %dma_start3A_51 : memref<1x64xi32, #tpu.memory_space<vmem>> -> memref<64xi32, #tpu.memory_space<vmem>>
      %dma_start3A_53 = arith.constant 0 : i32
      %dma_start3A_54 = arith.constant 0 : i32
      %dma_start3A_55 = tpu.memref_slice %arg4[%dma_start3A_53, %dma_start3A_54] : memref<1000x64xf32, #tpu.memory_space<hbm>> -> memref<1000x64xf32, #tpu.memory_space<hbm>>
      tpu.enqueue_indirect_dma source(%dma_start3A_55 : memref<1000x64xf32, #tpu.memory_space<hbm>>) target(%dma_start3A_50 : memref<64x64xf32, #tpu.memory_space<vmem>>) offsets(%dma_start3A_52 : memref<64xi32, #tpu.memory_space<vmem>>) semaphore(%arg13 : memref<!tpu.dma_semaphore, #tpu.memory_space<semaphore_mem>>)
      %dma_start3A_56 = arith.constant 5 : i32
      %dma_start3A_57 = arith.constant 320 : i32
      %dma_start3A_58 = arith.constant 0 : i32
      %dma_start3A_59 = tpu.memref_slice %arg8[%dma_start3A_57, %dma_start3A_58] : memref<1280x64xf32, #tpu.memory_space<vmem>> -> memref<64x64xf32, #tpu.memory_space<vmem>>
      %dma_start3A_60 = tpu.memref_slice %arg12[%dma_start3A_56, %mul3A_10] : memref<8x512xi32, #tpu.memory_space<vmem>> -> memref<1x64xi32, #tpu.memory_space<vmem>>
      %dma_start3A_61 = tpu.memref_squeeze %dma_start3A_60 : memref<1x64xi32, #tpu.memory_space<vmem>> -> memref<64xi32, #tpu.memory_space<vmem>>
      %dma_start3A_62 = arith.constant 0 : i32
      %dma_start3A_63 = arith.constant 0 : i32
      %dma_start3A_64 = tpu.memref_slice %arg4[%dma_start3A_62, %dma_start3A_63] : memref<1000x64xf32, #tpu.memory_space<hbm>> -> memref<1000x64xf32, #tpu.memory_space<hbm>>
      tpu.enqueue_indirect_dma source(%dma_start3A_64 : memref<1000x64xf32, #tpu.memory_space<hbm>>) target(%dma_start3A_59 : memref<64x64xf32, #tpu.memory_space<vmem>>) offsets(%dma_start3A_61 : memref<64xi32, #tpu.memory_space<vmem>>) semaphore(%arg13 : memref<!tpu.dma_semaphore, #tpu.memory_space<semaphore_mem>>)
      %dma_start3A_65 = arith.constant 6 : i32
      %dma_start3A_66 = arith.constant 384 : i32
      %dma_start3A_67 = arith.constant 0 : i32
      %dma_start3A_68 = tpu.memref_slice %arg8[%dma_start3A_66, %dma_start3A_67] : memref<1280x64xf32, #tpu.memory_space<vmem>> -> memref<64x64xf32, #tpu.memory_space<vmem>>
      %dma_start3A_69 = tpu.memref_slice %arg12[%dma_start3A_65, %mul3A_10] : memref<8x512xi32, #tpu.memory_space<vmem>> -> memref<1x64xi32, #tpu.memory_space<vmem>>
      %dma_start3A_70 = tpu.memref_squeeze %dma_start3A_69 : memref<1x64xi32, #tpu.memory_space<vmem>> -> memref<64xi32, #tpu.memory_space<vmem>>
      %dma_start3A_71 = arith.constant 0 : i32
      %dma_start3A_72 = arith.constant 0 : i32
      %dma_start3A_73 = tpu.memref_slice %arg4[%dma_start3A_71, %dma_start3A_72] : memref<1000x64xf32, #tpu.memory_space<hbm>> -> memref<1000x64xf32, #tpu.memory_space<hbm>>
      tpu.enqueue_indirect_dma source(%dma_start3A_73 : memref<1000x64xf32, #tpu.memory_space<hbm>>) target(%dma_start3A_68 : memref<64x64xf32, #tpu.memory_space<vmem>>) offsets(%dma_start3A_70 : memref<64xi32, #tpu.memory_space<vmem>>) semaphore(%arg13 : memref<!tpu.dma_semaphore, #tpu.memory_space<semaphore_mem>>)
      %dma_start3A_74 = arith.constant 7 : i32
      %dma_start3A_75 = arith.constant 448 : i32
      %dma_start3A_76 = arith.constant 0 : i32
      %dma_start3A_77 = tpu.memref_slice %arg8[%dma_start3A_75, %dma_start3A_76] : memref<1280x64xf32, #tpu.memory_space<vmem>> -> memref<64x64xf32, #tpu.memory_space<vmem>>
      %dma_start3A_78 = tpu.memref_slice %arg12[%dma_start3A_74, %mul3A_10] : memref<8x512xi32, #tpu.memory_space<vmem>> -> memref<1x64xi32, #tpu.memory_space<vmem>>
      %dma_start3A_79 = tpu.memref_squeeze %dma_start3A_78 : memref<1x64xi32, #tpu.memory_space<vmem>> -> memref<64xi32, #tpu.memory_space<vmem>>
      %dma_start3A_80 = arith.constant 0 : i32
      %dma_start3A_81 = arith.constant 0 : i32
      %dma_start3A_82 = tpu.memref_slice %arg4[%dma_start3A_80, %dma_start3A_81] : memref<1000x64xf32, #tpu.memory_space<hbm>> -> memref<1000x64xf32, #tpu.memory_space<hbm>>
      tpu.enqueue_indirect_dma source(%dma_start3A_82 : memref<1000x64xf32, #tpu.memory_space<hbm>>) target(%dma_start3A_77 : memref<64x64xf32, #tpu.memory_space<vmem>>) offsets(%dma_start3A_79 : memref<64xi32, #tpu.memory_space<vmem>>) semaphore(%arg13 : memref<!tpu.dma_semaphore, #tpu.memory_space<semaphore_mem>>)
      %dma_wait3A = arith.constant 0 : i32
      %dma_wait3A_83 = arith.constant 0 : i32
      %dma_wait3A_84 = arith.constant 0 : i32
      %dma_wait3A_85 = tpu.memref_slice %arg8[%dma_wait3A_83, %dma_wait3A_84] : memref<1280x64xf32, #tpu.memory_space<vmem>> -> memref<64x64xf32, #tpu.memory_space<vmem>>
      %dma_wait3A_86 = tpu.memref_slice %arg12[%dma_wait3A, %mul3A_10] : memref<8x512xi32, #tpu.memory_space<vmem>> -> memref<1x64xi32, #tpu.memory_space<vmem>>
      %dma_wait3A_87 = tpu.memref_squeeze %dma_wait3A_86 : memref<1x64xi32, #tpu.memory_space<vmem>> -> memref<64xi32, #tpu.memory_space<vmem>>
      %dma_wait3A_88 = arith.constant 0 : i32
      %dma_wait3A_89 = arith.constant 0 : i32
      %dma_wait3A_90 = tpu.memref_slice %arg4[%dma_wait3A_88, %dma_wait3A_89] : memref<1000x64xf32, #tpu.memory_space<hbm>> -> memref<1000x64xf32, #tpu.memory_space<hbm>>
      tpu.wait_indirect_dma semaphore(%arg13 : memref<!tpu.dma_semaphore, #tpu.memory_space<semaphore_mem>>) src(%dma_wait3A_90 : memref<1000x64xf32, #tpu.memory_space<hbm>>) dst(%dma_wait3A_85 : memref<64x64xf32, #tpu.memory_space<vmem>>)
      %dma_wait3A_91 = arith.constant 1 : i32
      %dma_wait3A_92 = arith.constant 64 : i32
      %dma_wait3A_93 = arith.constant 0 : i32
      %dma_wait3A_94 = tpu.memref_slice %arg8[%dma_wait3A_92, %dma_wait3A_93] : memref<1280x64xf32, #tpu.memory_space<vmem>> -> memref<64x64xf32, #tpu.memory_space<vmem>>
      %dma_wait3A_95 = tpu.memref_slice %arg12[%dma_wait3A_91, %mul3A_10] : memref<8x512xi32, #tpu.memory_space<vmem>> -> memref<1x64xi32, #tpu.memory_space<vmem>>
      %dma_wait3A_96 = tpu.memref_squeeze %dma_wait3A_95 : memref<1x64xi32, #tpu.memory_space<vmem>> -> memref<64xi32, #tpu.memory_space<vmem>>
      %dma_wait3A_97 = arith.constant 0 : i32
      %dma_wait3A_98 = arith.constant 0 : i32
      %dma_wait3A_99 = tpu.memref_slice %arg4[%dma_wait3A_97, %dma_wait3A_98] : memref<1000x64xf32, #tpu.memory_space<hbm>> -> memref<1000x64xf32, #tpu.memory_space<hbm>>
      tpu.wait_indirect_dma semaphore(%arg13 : memref<!tpu.dma_semaphore, #tpu.memory_space<semaphore_mem>>) src(%dma_wait3A_99 : memref<1000x64xf32, #tpu.memory_space<hbm>>) dst(%dma_wait3A_94 : memref<64x64xf32, #tpu.memory_space<vmem>>)
      %dma_wait3A_100 = arith.constant 2 : i32
      %dma_wait3A_101 = arith.constant 128 : i32
      %dma_wait3A_102 = arith.constant 0 : i32
      %dma_wait3A_103 = tpu.memref_slice %arg8[%dma_wait3A_101, %dma_wait3A_102] : memref<1280x64xf32, #tpu.memory_space<vmem>> -> memref<64x64xf32, #tpu.memory_space<vmem>>
      %dma_wait3A_104 = tpu.memref_slice %arg12[%dma_wait3A_100, %mul3A_10] : memref<8x512xi32, #tpu.memory_space<vmem>> -> memref<1x64xi32, #tpu.memory_space<vmem>>
      %dma_wait3A_105 = tpu.memref_squeeze %dma_wait3A_104 : memref<1x64xi32, #tpu.memory_space<vmem>> -> memref<64xi32, #tpu.memory_space<vmem>>
      %dma_wait3A_106 = arith.constant 0 : i32
      %dma_wait3A_107 = arith.constant 0 : i32
      %dma_wait3A_108 = tpu.memref_slice %arg4[%dma_wait3A_106, %dma_wait3A_107] : memref<1000x64xf32, #tpu.memory_space<hbm>> -> memref<1000x64xf32, #tpu.memory_space<hbm>>
      tpu.wait_indirect_dma semaphore(%arg13 : memref<!tpu.dma_semaphore, #tpu.memory_space<semaphore_mem>>) src(%dma_wait3A_108 : memref<1000x64xf32, #tpu.memory_space<hbm>>) dst(%dma_wait3A_103 : memref<64x64xf32, #tpu.memory_space<vmem>>)
      %dma_wait3A_109 = arith.constant 3 : i32
      %dma_wait3A_110 = arith.constant 192 : i32
      %dma_wait3A_111 = arith.constant 0 : i32
      %dma_wait3A_112 = tpu.memref_slice %arg8[%dma_wait3A_110, %dma_wait3A_111] : memref<1280x64xf32, #tpu.memory_space<vmem>> -> memref<64x64xf32, #tpu.memory_space<vmem>>
      %dma_wait3A_113 = tpu.memref_slice %arg12[%dma_wait3A_109, %mul3A_10] : memref<8x512xi32, #tpu.memory_space<vmem>> -> memref<1x64xi32, #tpu.memory_space<vmem>>
      %dma_wait3A_114 = tpu.memref_squeeze %dma_wait3A_113 : memref<1x64xi32, #tpu.memory_space<vmem>> -> memref<64xi32, #tpu.memory_space<vmem>>
      %dma_wait3A_115 = arith.constant 0 : i32
      %dma_wait3A_116 = arith.constant 0 : i32
      %dma_wait3A_117 = tpu.memref_slice %arg4[%dma_wait3A_115, %dma_wait3A_116] : memref<1000x64xf32, #tpu.memory_space<hbm>> -> memref<1000x64xf32, #tpu.memory_space<hbm>>
      tpu.wait_indirect_dma semaphore(%arg13 : memref<!tpu.dma_semaphore, #tpu.memory_space<semaphore_mem>>) src(%dma_wait3A_117 : memref<1000x64xf32, #tpu.memory_space<hbm>>) dst(%dma_wait3A_112 : memref<64x64xf32, #tpu.memory_space<vmem>>)
      %dma_wait3A_118 = arith.constant 4 : i32
      %dma_wait3A_119 = arith.constant 256 : i32
      %dma_wait3A_120 = arith.constant 0 : i32
      %dma_wait3A_121 = tpu.memref_slice %arg8[%dma_wait3A_119, %dma_wait3A_120] : memref<1280x64xf32, #tpu.memory_space<vmem>> -> memref<64x64xf32, #tpu.memory_space<vmem>>
      %dma_wait3A_122 = tpu.memref_slice %arg12[%dma_wait3A_118, %mul3A_10] : memref<8x512xi32, #tpu.memory_space<vmem>> -> memref<1x64xi32, #tpu.memory_space<vmem>>
      %dma_wait3A_123 = tpu.memref_squeeze %dma_wait3A_122 : memref<1x64xi32, #tpu.memory_space<vmem>> -> memref<64xi32, #tpu.memory_space<vmem>>
      %dma_wait3A_124 = arith.constant 0 : i32
      %dma_wait3A_125 = arith.constant 0 : i32
      %dma_wait3A_126 = tpu.memref_slice %arg4[%dma_wait3A_124, %dma_wait3A_125] : memref<1000x64xf32, #tpu.memory_space<hbm>> -> memref<1000x64xf32, #tpu.memory_space<hbm>>
      tpu.wait_indirect_dma semaphore(%arg13 : memref<!tpu.dma_semaphore, #tpu.memory_space<semaphore_mem>>) src(%dma_wait3A_126 : memref<1000x64xf32, #tpu.memory_space<hbm>>) dst(%dma_wait3A_121 : memref<64x64xf32, #tpu.memory_space<vmem>>)
      %dma_wait3A_127 = arith.constant 5 : i32
      %dma_wait3A_128 = arith.constant 320 : i32
      %dma_wait3A_129 = arith.constant 0 : i32
      %dma_wait3A_130 = tpu.memref_slice %arg8[%dma_wait3A_128, %dma_wait3A_129] : memref<1280x64xf32, #tpu.memory_space<vmem>> -> memref<64x64xf32, #tpu.memory_space<vmem>>
      %dma_wait3A_131 = tpu.memref_slice %arg12[%dma_wait3A_127, %mul3A_10] : memref<8x512xi32, #tpu.memory_space<vmem>> -> memref<1x64xi32, #tpu.memory_space<vmem>>
      %dma_wait3A_132 = tpu.memref_squeeze %dma_wait3A_131 : memref<1x64xi32, #tpu.memory_space<vmem>> -> memref<64xi32, #tpu.memory_space<vmem>>
      %dma_wait3A_133 = arith.constant 0 : i32
      %dma_wait3A_134 = arith.constant 0 : i32
      %dma_wait3A_135 = tpu.memref_slice %arg4[%dma_wait3A_133, %dma_wait3A_134] : memref<1000x64xf32, #tpu.memory_space<hbm>> -> memref<1000x64xf32, #tpu.memory_space<hbm>>
      tpu.wait_indirect_dma semaphore(%arg13 : memref<!tpu.dma_semaphore, #tpu.memory_space<semaphore_mem>>) src(%dma_wait3A_135 : memref<1000x64xf32, #tpu.memory_space<hbm>>) dst(%dma_wait3A_130 : memref<64x64xf32, #tpu.memory_space<vmem>>)
      %dma_wait3A_136 = arith.constant 6 : i32
      %dma_wait3A_137 = arith.constant 384 : i32
      %dma_wait3A_138 = arith.constant 0 : i32
      %dma_wait3A_139 = tpu.memref_slice %arg8[%dma_wait3A_137, %dma_wait3A_138] : memref<1280x64xf32, #tpu.memory_space<vmem>> -> memref<64x64xf32, #tpu.memory_space<vmem>>
      %dma_wait3A_140 = tpu.memref_slice %arg12[%dma_wait3A_136, %mul3A_10] : memref<8x512xi32, #tpu.memory_space<vmem>> -> memref<1x64xi32, #tpu.memory_space<vmem>>
      %dma_wait3A_141 = tpu.memref_squeeze %dma_wait3A_140 : memref<1x64xi32, #tpu.memory_space<vmem>> -> memref<64xi32, #tpu.memory_space<vmem>>
      %dma_wait3A_142 = arith.constant 0 : i32
      %dma_wait3A_143 = arith.constant 0 : i32
      %dma_wait3A_144 = tpu.memref_slice %arg4[%dma_wait3A_142, %dma_wait3A_143] : memref<1000x64xf32, #tpu.memory_space<hbm>> -> memref<1000x64xf32, #tpu.memory_space<hbm>>
      tpu.wait_indirect_dma semaphore(%arg13 : memref<!tpu.dma_semaphore, #tpu.memory_space<semaphore_mem>>) src(%dma_wait3A_144 : memref<1000x64xf32, #tpu.memory_space<hbm>>) dst(%dma_wait3A_139 : memref<64x64xf32, #tpu.memory_space<vmem>>)
      %dma_wait3A_145 = arith.constant 7 : i32
      %dma_wait3A_146 = arith.constant 448 : i32
      %dma_wait3A_147 = arith.constant 0 : i32
      %dma_wait3A_148 = tpu.memref_slice %arg8[%dma_wait3A_146, %dma_wait3A_147] : memref<1280x64xf32, #tpu.memory_space<vmem>> -> memref<64x64xf32, #tpu.memory_space<vmem>>
      %dma_wait3A_149 = tpu.memref_slice %arg12[%dma_wait3A_145, %mul3A_10] : memref<8x512xi32, #tpu.memory_space<vmem>> -> memref<1x64xi32, #tpu.memory_space<vmem>>
      %dma_wait3A_150 = tpu.memref_squeeze %dma_wait3A_149 : memref<1x64xi32, #tpu.memory_space<vmem>> -> memref<64xi32, #tpu.memory_space<vmem>>
      %dma_wait3A_151 = arith.constant 0 : i32
      %dma_wait3A_152 = arith.constant 0 : i32
      %dma_wait3A_153 = tpu.memref_slice %arg4[%dma_wait3A_151, %dma_wait3A_152] : memref<1000x64xf32, #tpu.memory_space<hbm>> -> memref<1000x64xf32, #tpu.memory_space<hbm>>
      tpu.wait_indirect_dma semaphore(%arg13 : memref<!tpu.dma_semaphore, #tpu.memory_space<semaphore_mem>>) src(%dma_wait3A_153 : memref<1000x64xf32, #tpu.memory_space<hbm>>) dst(%dma_wait3A_148 : memref<64x64xf32, #tpu.memory_space<vmem>>)
      %scan3A_154 = arith.constant 0 : i32
      %scan3A_155 = arith.constant 0 : i32
      %scan3A_156 = arith.constant 64 : i32
      %scan3A_157 = arith.addi %scan3A_155, %scan3A_156 : i32
      %scan3A_158 = arith.constant 1 : i32
      scf.for %scan3A_526 = %scan3A_155 to %scan3A_157 step %scan3A_158  : i32 {
        %get3A = arith.index_cast %scan3A_526 : i32 to index
        %get3A_527 = arith.constant 0 : index
        %get3A_528 = tpu.vector_load %arg8[%get3A, %get3A_527] {strides = array<i32>} : memref<1280x64xf32, #tpu.memory_space<vmem>>, vector<1x16xf32>,
        %get3A_529 = vector.shape_cast %get3A_528 : vector<1x16xf32> to vector<16xf32>
        %add3A_530 = arith.constant 64 : i32
        %add3A_531 = arith.addi %add3A_530, %scan3A_526 : i32
        %get3A_532 = arith.index_cast %add3A_531 : i32 to index
        %get3A_533 = arith.constant 0 : index
        %get3A_534 = tpu.vector_load %arg8[%get3A_532, %get3A_533] {strides = array<i32>} : memref<1280x64xf32, #tpu.memory_space<vmem>>, vector<1x16xf32>,
        %get3A_535 = vector.shape_cast %get3A_534 : vector<1x16xf32> to vector<16xf32>
        %add3A_536 = arith.addf %get3A_529, %get3A_535 : vector<16xf32>
        %add3A_537 = arith.constant 128 : i32
        %add3A_538 = arith.addi %add3A_537, %scan3A_526 : i32
        %get3A_539 = arith.index_cast %add3A_538 : i32 to index
        %get3A_540 = arith.constant 0 : index
        %get3A_541 = tpu.vector_load %arg8[%get3A_539, %get3A_540] {strides = array<i32>} : memref<1280x64xf32, #tpu.memory_space<vmem>>, vector<1x16xf32>,
        %get3A_542 = vector.shape_cast %get3A_541 : vector<1x16xf32> to vector<16xf32>
        %add3A_543 = arith.addf %add3A_536, %get3A_542 : vector<16xf32>
        %add3A_544 = arith.constant 192 : i32
        %add3A_545 = arith.addi %add3A_544, %scan3A_526 : i32
        %get3A_546 = arith.index_cast %add3A_545 : i32 to index
        %get3A_547 = arith.constant 0 : index
        %get3A_548 = tpu.vector_load %arg8[%get3A_546, %get3A_547] {strides = array<i32>} : memref<1280x64xf32, #tpu.memory_space<vmem>>, vector<1x16xf32>,
        %get3A_549 = vector.shape_cast %get3A_548 : vector<1x16xf32> to vector<16xf32>
        %add3A_550 = arith.addf %add3A_543, %get3A_549 : vector<16xf32>
        %add3A_551 = arith.constant 256 : i32
        %add3A_552 = arith.addi %add3A_551, %scan3A_526 : i32
        %get3A_553 = arith.index_cast %add3A_552 : i32 to index
        %get3A_554 = arith.constant 0 : index
        %get3A_555 = tpu.vector_load %arg8[%get3A_553, %get3A_554] {strides = array<i32>} : memref<1280x64xf32, #tpu.memory_space<vmem>>, vector<1x16xf32>,
        %get3A_556 = vector.shape_cast %get3A_555 : vector<1x16xf32> to vector<16xf32>
        %add3A_557 = arith.addf %add3A_550, %get3A_556 : vector<16xf32>
        %add3A_558 = arith.constant 320 : i32
        %add3A_559 = arith.addi %add3A_558, %scan3A_526 : i32
        %get3A_560 = arith.index_cast %add3A_559 : i32 to index
        %get3A_561 = arith.constant 0 : index
        %get3A_562 = tpu.vector_load %arg8[%get3A_560, %get3A_561] {strides = array<i32>} : memref<1280x64xf32, #tpu.memory_space<vmem>>, vector<1x16xf32>,
        %get3A_563 = vector.shape_cast %get3A_562 : vector<1x16xf32> to vector<16xf32>
        %add3A_564 = arith.addf %add3A_557, %get3A_563 : vector<16xf32>
        %add3A_565 = arith.constant 384 : i32
        %add3A_566 = arith.addi %add3A_565, %scan3A_526 : i32
        %get3A_567 = arith.index_cast %add3A_566 : i32 to index
        %get3A_568 = arith.constant 0 : index
        %get3A_569 = tpu.vector_load %arg8[%get3A_567, %get3A_568] {strides = array<i32>} : memref<1280x64xf32, #tpu.memory_space<vmem>>, vector<1x16xf32>,
        %get3A_570 = vector.shape_cast %get3A_569 : vector<1x16xf32> to vector<16xf32>
        %add3A_571 = arith.addf %add3A_564, %get3A_570 : vector<16xf32>
        %add3A_572 = arith.constant 448 : i32
        %add3A_573 = arith.addi %add3A_572, %scan3A_526 : i32
        %get3A_574 = arith.index_cast %add3A_573 : i32 to index
        %get3A_575 = arith.constant 0 : index
        %get3A_576 = tpu.vector_load %arg8[%get3A_574, %get3A_575] {strides = array<i32>} : memref<1280x64xf32, #tpu.memory_space<vmem>>, vector<1x16xf32>,
        %get3A_577 = vector.shape_cast %get3A_576 : vector<1x16xf32> to vector<16xf32>
        %add3A_578 = arith.addf %add3A_571, %get3A_577 : vector<16xf32>
        %swap3A = arith.index_cast %scan3A_526 : i32 to index
        %swap3A_579 = arith.constant 0 : index
        %swap3A_580 = tpu.vector_load %arg9[%swap3A, %swap3A_579] {strides = array<i32>} : memref<64x64xf32, #tpu.memory_space<vmem>>, vector<1x16xf32>,
        %swap3A_581 = vector.shape_cast %swap3A_580 : vector<1x16xf32> to vector<16xf32>
        %swap3A_582 = vector.shape_cast %add3A_578 : vector<16xf32> to vector<1x16xf32>
        tpu.vector_store %arg9[%swap3A, %swap3A_579], %swap3A_582 {strides = array<i32>} : memref<64x64xf32, #tpu.memory_space<vmem>>, vector<1x16xf32>,
        %get3A_583 = arith.index_cast %scan3A_526 : i32 to index
        %get3A_584 = arith.constant 16 : index
        %get3A_585 = tpu.vector_load %arg8[%get3A_583, %get3A_584] {strides = array<i32>} : memref<1280x64xf32, #tpu.memory_space<vmem>>, vector<1x16xf32>,
        %get3A_586 = vector.shape_cast %get3A_585 : vector<1x16xf32> to vector<16xf32>
        %add3A_587 = arith.constant 64 : i32
        %add3A_588 = arith.addi %add3A_587, %scan3A_526 : i32
        %get3A_589 = arith.index_cast %add3A_588 : i32 to index
        %get3A_590 = arith.constant 16 : index
        %get3A_591 = tpu.vector_load %arg8[%get3A_589, %get3A_590] {strides = array<i32>} : memref<1280x64xf32, #tpu.memory_space<vmem>>, vector<1x16xf32>,
        %get3A_592 = vector.shape_cast %get3A_591 : vector<1x16xf32> to vector<16xf32>
        %add3A_593 = arith.addf %get3A_586, %get3A_592 : vector<16xf32>
        %add3A_594 = arith.constant 128 : i32
        %add3A_595 = arith.addi %add3A_594, %scan3A_526 : i32
        %get3A_596 = arith.index_cast %add3A_595 : i32 to index
        %get3A_597 = arith.constant 16 : index
        %get3A_598 = tpu.vector_load %arg8[%get3A_596, %get3A_597] {strides = array<i32>} : memref<1280x64xf32, #tpu.memory_space<vmem>>, vector<1x16xf32>,
        %get3A_599 = vector.shape_cast %get3A_598 : vector<1x16xf32> to vector<16xf32>
        %add3A_600 = arith.addf %add3A_593, %get3A_599 : vector<16xf32>
        %add3A_601 = arith.constant 192 : i32
        %add3A_602 = arith.addi %add3A_601, %scan3A_526 : i32
        %get3A_603 = arith.index_cast %add3A_602 : i32 to index
        %get3A_604 = arith.constant 16 : index
        %get3A_605 = tpu.vector_load %arg8[%get3A_603, %get3A_604] {strides = array<i32>} : memref<1280x64xf32, #tpu.memory_space<vmem>>, vector<1x16xf32>,
        %get3A_606 = vector.shape_cast %get3A_605 : vector<1x16xf32> to vector<16xf32>
        %add3A_607 = arith.addf %add3A_600, %get3A_606 : vector<16xf32>
        %add3A_608 = arith.constant 256 : i32
        %add3A_609 = arith.addi %add3A_608, %scan3A_526 : i32
        %get3A_610 = arith.index_cast %add3A_609 : i32 to index
        %get3A_611 = arith.constant 16 : index
        %get3A_612 = tpu.vector_load %arg8[%get3A_610, %get3A_611] {strides = array<i32>} : memref<1280x64xf32, #tpu.memory_space<vmem>>, vector<1x16xf32>,
        %get3A_613 = vector.shape_cast %get3A_612 : vector<1x16xf32> to vector<16xf32>
        %add3A_614 = arith.addf %add3A_607, %get3A_613 : vector<16xf32>
        %add3A_615 = arith.constant 320 : i32
        %add3A_616 = arith.addi %add3A_615, %scan3A_526 : i32
        %get3A_617 = arith.index_cast %add3A_616 : i32 to index
        %get3A_618 = arith.constant 16 : index
        %get3A_619 = tpu.vector_load %arg8[%get3A_617, %get3A_618] {strides = array<i32>} : memref<1280x64xf32, #tpu.memory_space<vmem>>, vector<1x16xf32>,
        %get3A_620 = vector.shape_cast %get3A_619 : vector<1x16xf32> to vector<16xf32>
        %add3A_621 = arith.addf %add3A_614, %get3A_620 : vector<16xf32>
        %add3A_622 = arith.constant 384 : i32
        %add3A_623 = arith.addi %add3A_622, %scan3A_526 : i32
        %get3A_624 = arith.index_cast %add3A_623 : i32 to index
        %get3A_625 = arith.constant 16 : index
        %get3A_626 = tpu.vector_load %arg8[%get3A_624, %get3A_625] {strides = array<i32>} : memref<1280x64xf32, #tpu.memory_space<vmem>>, vector<1x16xf32>,
        %get3A_627 = vector.shape_cast %get3A_626 : vector<1x16xf32> to vector<16xf32>
        %add3A_628 = arith.addf %add3A_621, %get3A_627 : vector<16xf32>
        %add3A_629 = arith.constant 448 : i32
        %add3A_630 = arith.addi %add3A_629, %scan3A_526 : i32
        %get3A_631 = arith.index_cast %add3A_630 : i32 to index
        %get3A_632 = arith.constant 16 : index
        %get3A_633 = tpu.vector_load %arg8[%get3A_631, %get3A_632] {strides = array<i32>} : memref<1280x64xf32, #tpu.memory_space<vmem>>, vector<1x16xf32>,
        %get3A_634 = vector.shape_cast %get3A_633 : vector<1x16xf32> to vector<16xf32>
        %add3A_635 = arith.addf %add3A_628, %get3A_634 : vector<16xf32>
        %swap3A_636 = arith.index_cast %scan3A_526 : i32 to index
        %swap3A_637 = arith.constant 16 : index
        %swap3A_638 = tpu.vector_load %arg9[%swap3A_636, %swap3A_637] {strides = array<i32>} : memref<64x64xf32, #tpu.memory_space<vmem>>, vector<1x16xf32>,
        %swap3A_639 = vector.shape_cast %swap3A_638 : vector<1x16xf32> to vector<16xf32>
        %swap3A_640 = vector.shape_cast %add3A_635 : vector<16xf32> to vector<1x16xf32>
        tpu.vector_store %arg9[%swap3A_636, %swap3A_637], %swap3A_640 {strides = array<i32>} : memref<64x64xf32, #tpu.memory_space<vmem>>, vector<1x16xf32>,
        %get3A_641 = arith.index_cast %scan3A_526 : i32 to index
        %get3A_642 = arith.constant 32 : index
        %get3A_643 = tpu.vector_load %arg8[%get3A_641, %get3A_642] {strides = array<i32>} : memref<1280x64xf32, #tpu.memory_space<vmem>>, vector<1x16xf32>,
        %get3A_644 = vector.shape_cast %get3A_643 : vector<1x16xf32> to vector<16xf32>
        %add3A_645 = arith.constant 64 : i32
        %add3A_646 = arith.addi %add3A_645, %scan3A_526 : i32
        %get3A_647 = arith.index_cast %add3A_646 : i32 to index
        %get3A_648 = arith.constant 32 : index
        %get3A_649 = tpu.vector_load %arg8[%get3A_647, %get3A_648] {strides = array<i32>} : memref<1280x64xf32, #tpu.memory_space<vmem>>, vector<1x16xf32>,
        %get3A_650 = vector.shape_cast %get3A_649 : vector<1x16xf32> to vector<16xf32>
        %add3A_651 = arith.addf %get3A_644, %get3A_650 : vector<16xf32>
        %add3A_652 = arith.constant 128 : i32
        %add3A_653 = arith.addi %add3A_652, %scan3A_526 : i32
        %get3A_654 = arith.index_cast %add3A_653 : i32 to index
        %get3A_655 = arith.constant 32 : index
        %get3A_656 = tpu.vector_load %arg8[%get3A_654, %get3A_655] {strides = array<i32>} : memref<1280x64xf32, #tpu.memory_space<vmem>>, vector<1x16xf32>,
        %get3A_657 = vector.shape_cast %get3A_656 : vector<1x16xf32> to vector<16xf32>
        %add3A_658 = arith.addf %add3A_651, %get3A_657 : vector<16xf32>
        %add3A_659 = arith.constant 192 : i32
        %add3A_660 = arith.addi %add3A_659, %scan3A_526 : i32
        %get3A_661 = arith.index_cast %add3A_660 : i32 to index
        %get3A_662 = arith.constant 32 : index
        %get3A_663 = tpu.vector_load %arg8[%get3A_661, %get3A_662] {strides = array<i32>} : memref<1280x64xf32, #tpu.memory_space<vmem>>, vector<1x16xf32>,
        %get3A_664 = vector.shape_cast %get3A_663 : vector<1x16xf32> to vector<16xf32>
        %add3A_665 = arith.addf %add3A_658, %get3A_664 : vector<16xf32>
        %add3A_666 = arith.constant 256 : i32
        %add3A_667 = arith.addi %add3A_666, %scan3A_526 : i32
        %get3A_668 = arith.index_cast %add3A_667 : i32 to index
        %get3A_669 = arith.constant 32 : index
        %get3A_670 = tpu.vector_load %arg8[%get3A_668, %get3A_669] {strides = array<i32>} : memref<1280x64xf32, #tpu.memory_space<vmem>>, vector<1x16xf32>,
        %get3A_671 = vector.shape_cast %get3A_670 : vector<1x16xf32> to vector<16xf32>
        %add3A_672 = arith.addf %add3A_665, %get3A_671 : vector<16xf32>
        %add3A_673 = arith.constant 320 : i32
        %add3A_674 = arith.addi %add3A_673, %scan3A_526 : i32
        %get3A_675 = arith.index_cast %add3A_674 : i32 to index
        %get3A_676 = arith.constant 32 : index
        %get3A_677 = tpu.vector_load %arg8[%get3A_675, %get3A_676] {strides = array<i32>} : memref<1280x64xf32, #tpu.memory_space<vmem>>, vector<1x16xf32>,
        %get3A_678 = vector.shape_cast %get3A_677 : vector<1x16xf32> to vector<16xf32>
        %add3A_679 = arith.addf %add3A_672, %get3A_678 : vector<16xf32>
        %add3A_680 = arith.constant 384 : i32
        %add3A_681 = arith.addi %add3A_680, %scan3A_526 : i32
        %get3A_682 = arith.index_cast %add3A_681 : i32 to index
        %get3A_683 = arith.constant 32 : index
        %get3A_684 = tpu.vector_load %arg8[%get3A_682, %get3A_683] {strides = array<i32>} : memref<1280x64xf32, #tpu.memory_space<vmem>>, vector<1x16xf32>,
        %get3A_685 = vector.shape_cast %get3A_684 : vector<1x16xf32> to vector<16xf32>
        %add3A_686 = arith.addf %add3A_679, %get3A_685 : vector<16xf32>
        %add3A_687 = arith.constant 448 : i32
        %add3A_688 = arith.addi %add3A_687, %scan3A_526 : i32
        %get3A_689 = arith.index_cast %add3A_688 : i32 to index
        %get3A_690 = arith.constant 32 : index
        %get3A_691 = tpu.vector_load %arg8[%get3A_689, %get3A_690] {strides = array<i32>} : memref<1280x64xf32, #tpu.memory_space<vmem>>, vector<1x16xf32>,
        %get3A_692 = vector.shape_cast %get3A_691 : vector<1x16xf32> to vector<16xf32>
        %add3A_693 = arith.addf %add3A_686, %get3A_692 : vector<16xf32>
        %swap3A_694 = arith.index_cast %scan3A_526 : i32 to index
        %swap3A_695 = arith.constant 32 : index
        %swap3A_696 = tpu.vector_load %arg9[%swap3A_694, %swap3A_695] {strides = array<i32>} : memref<64x64xf32, #tpu.memory_space<vmem>>, vector<1x16xf32>,
        %swap3A_697 = vector.shape_cast %swap3A_696 : vector<1x16xf32> to vector<16xf32>
        %swap3A_698 = vector.shape_cast %add3A_693 : vector<16xf32> to vector<1x16xf32>
        tpu.vector_store %arg9[%swap3A_694, %swap3A_695], %swap3A_698 {strides = array<i32>} : memref<64x64xf32, #tpu.memory_space<vmem>>, vector<1x16xf32>,
        %get3A_699 = arith.index_cast %scan3A_526 : i32 to index
        %get3A_700 = arith.constant 48 : index
        %get3A_701 = tpu.vector_load %arg8[%get3A_699, %get3A_700] {strides = array<i32>} : memref<1280x64xf32, #tpu.memory_space<vmem>>, vector<1x16xf32>,
        %get3A_702 = vector.shape_cast %get3A_701 : vector<1x16xf32> to vector<16xf32>
        %add3A_703 = arith.constant 64 : i32
        %add3A_704 = arith.addi %add3A_703, %scan3A_526 : i32
        %get3A_705 = arith.index_cast %add3A_704 : i32 to index
        %get3A_706 = arith.constant 48 : index
        %get3A_707 = tpu.vector_load %arg8[%get3A_705, %get3A_706] {strides = array<i32>} : memref<1280x64xf32, #tpu.memory_space<vmem>>, vector<1x16xf32>,
        %get3A_708 = vector.shape_cast %get3A_707 : vector<1x16xf32> to vector<16xf32>
        %add3A_709 = arith.addf %get3A_702, %get3A_708 : vector<16xf32>
        %add3A_710 = arith.constant 128 : i32
        %add3A_711 = arith.addi %add3A_710, %scan3A_526 : i32
        %get3A_712 = arith.index_cast %add3A_711 : i32 to index
        %get3A_713 = arith.constant 48 : index
        %get3A_714 = tpu.vector_load %arg8[%get3A_712, %get3A_713] {strides = array<i32>} : memref<1280x64xf32, #tpu.memory_space<vmem>>, vector<1x16xf32>,
        %get3A_715 = vector.shape_cast %get3A_714 : vector<1x16xf32> to vector<16xf32>
        %add3A_716 = arith.addf %add3A_709, %get3A_715 : vector<16xf32>
        %add3A_717 = arith.constant 192 : i32
        %add3A_718 = arith.addi %add3A_717, %scan3A_526 : i32
        %get3A_719 = arith.index_cast %add3A_718 : i32 to index
        %get3A_720 = arith.constant 48 : index
        %get3A_721 = tpu.vector_load %arg8[%get3A_719, %get3A_720] {strides = array<i32>} : memref<1280x64xf32, #tpu.memory_space<vmem>>, vector<1x16xf32>,
        %get3A_722 = vector.shape_cast %get3A_721 : vector<1x16xf32> to vector<16xf32>
        %add3A_723 = arith.addf %add3A_716, %get3A_722 : vector<16xf32>
        %add3A_724 = arith.constant 256 : i32
        %add3A_725 = arith.addi %add3A_724, %scan3A_526 : i32
        %get3A_726 = arith.index_cast %add3A_725 : i32 to index
        %get3A_727 = arith.constant 48 : index
        %get3A_728 = tpu.vector_load %arg8[%get3A_726, %get3A_727] {strides = array<i32>} : memref<1280x64xf32, #tpu.memory_space<vmem>>, vector<1x16xf32>,
        %get3A_729 = vector.shape_cast %get3A_728 : vector<1x16xf32> to vector<16xf32>
        %add3A_730 = arith.addf %add3A_723, %get3A_729 : vector<16xf32>
        %add3A_731 = arith.constant 320 : i32
        %add3A_732 = arith.addi %add3A_731, %scan3A_526 : i32
        %get3A_733 = arith.index_cast %add3A_732 : i32 to index
        %get3A_734 = arith.constant 48 : index
        %get3A_735 = tpu.vector_load %arg8[%get3A_733, %get3A_734] {strides = array<i32>} : memref<1280x64xf32, #tpu.memory_space<vmem>>, vector<1x16xf32>,
        %get3A_736 = vector.shape_cast %get3A_735 : vector<1x16xf32> to vector<16xf32>
        %add3A_737 = arith.addf %add3A_730, %get3A_736 : vector<16xf32>
        %add3A_738 = arith.constant 384 : i32
        %add3A_739 = arith.addi %add3A_738, %scan3A_526 : i32
        %get3A_740 = arith.index_cast %add3A_739 : i32 to index
        %get3A_741 = arith.constant 48 : index
        %get3A_742 = tpu.vector_load %arg8[%get3A_740, %get3A_741] {strides = array<i32>} : memref<1280x64xf32, #tpu.memory_space<vmem>>, vector<1x16xf32>,
        %get3A_743 = vector.shape_cast %get3A_742 : vector<1x16xf32> to vector<16xf32>
        %add3A_744 = arith.addf %add3A_737, %get3A_743 : vector<16xf32>
        %add3A_745 = arith.constant 448 : i32
        %add3A_746 = arith.addi %add3A_745, %scan3A_526 : i32
        %get3A_747 = arith.index_cast %add3A_746 : i32 to index
        %get3A_748 = arith.constant 48 : index
        %get3A_749 = tpu.vector_load %arg8[%get3A_747, %get3A_748] {strides = array<i32>} : memref<1280x64xf32, #tpu.memory_space<vmem>>, vector<1x16xf32>,
        %get3A_750 = vector.shape_cast %get3A_749 : vector<1x16xf32> to vector<16xf32>
        %add3A_751 = arith.addf %add3A_744, %get3A_750 : vector<16xf32>
        %swap3A_752 = arith.index_cast %scan3A_526 : i32 to index
        %swap3A_753 = arith.constant 48 : index
        %swap3A_754 = tpu.vector_load %arg9[%swap3A_752, %swap3A_753] {strides = array<i32>} : memref<64x64xf32, #tpu.memory_space<vmem>>, vector<1x16xf32>,
        %swap3A_755 = vector.shape_cast %swap3A_754 : vector<1x16xf32> to vector<16xf32>
        %swap3A_756 = vector.shape_cast %add3A_751 : vector<16xf32> to vector<1x16xf32>
        tpu.vector_store %arg9[%swap3A_752, %swap3A_753], %swap3A_756 {strides = array<i32>} : memref<64x64xf32, #tpu.memory_space<vmem>>, vector<1x16xf32>,
      }
      %scan3A_159 = arith.constant 64 : i32
      "tpu.region"() ({
        %run_scoped3A = tpu.sem_alloc : memref<!tpu.dma_semaphore, #tpu.memory_space<semaphore_mem>>
        %dma_start3A_526 = arith.constant 0 : i32
        %dma_start3A_527 = tpu.memref_slice %arg6[%add3A_11, %dma_start3A_526] : memref<16384x64xf32, #tpu.memory_space<hbm>> -> memref<64x64xf32, #tpu.memory_space<hbm>>
        %dma_start3A_528 = arith.constant 0 : i32
        %dma_start3A_529 = tpu.memref_slice %arg6[%add3A_11, %dma_start3A_528] : memref<16384x64xf32, #tpu.memory_space<hbm>> -> memref<64x64xf32, #tpu.memory_space<hbm>>
        tpu.enqueue_dma source(%arg9 : memref<64x64xf32, #tpu.memory_space<vmem>>) target(%dma_start3A_529 : memref<64x64xf32, #tpu.memory_space<hbm>>) target_semaphore(%run_scoped3A : memref<!tpu.dma_semaphore, #tpu.memory_space<semaphore_mem>>)
        %dma_wait3A_530 = arith.constant 0 : i32
        %dma_wait3A_531 = tpu.memref_slice %arg6[%add3A_11, %dma_wait3A_530] : memref<16384x64xf32, #tpu.memory_space<hbm>> -> memref<64x64xf32, #tpu.memory_space<hbm>>
        %dma_wait3A_532 = arith.constant 0 : i32
        %dma_wait3A_533 = tpu.memref_slice %arg6[%add3A_11, %dma_wait3A_532] : memref<16384x64xf32, #tpu.memory_space<hbm>> -> memref<64x64xf32, #tpu.memory_space<hbm>>
        tpu.wait_dma2 semaphore(%run_scoped3A : memref<!tpu.dma_semaphore, #tpu.memory_space<semaphore_mem>>) src(%arg9 : memref<64x64xf32, #tpu.memory_space<vmem>>) dst(%dma_wait3A_533 : memref<64x64xf32, #tpu.memory_space<hbm>>)
        tpu.yield
      }) : () -> ()
      %dma_start3A_160 = arith.constant 0 : i32
      %dma_start3A_161 = arith.constant 0 : i32
      %dma_start3A_162 = arith.constant 0 : i32
      %dma_start3A_163 = tpu.memref_slice %arg8[%dma_start3A_161, %dma_start3A_162] : memref<1280x64xf32, #tpu.memory_space<vmem>> -> memref<64x64xf32, #tpu.memory_space<vmem>>
      %dma_start3A_164 = tpu.memref_slice %arg11[%dma_start3A_160, %mul3A_10] : memref<20x512xi32, #tpu.memory_space<vmem>> -> memref<1x64xi32, #tpu.memory_space<vmem>>
      %dma_start3A_165 = tpu.memref_squeeze %dma_start3A_164 : memref<1x64xi32, #tpu.memory_space<vmem>> -> memref<64xi32, #tpu.memory_space<vmem>>
      %dma_start3A_166 = arith.constant 0 : i32
      %dma_start3A_167 = arith.constant 0 : i32
      %dma_start3A_168 = tpu.memref_slice %arg5[%dma_start3A_166, %dma_start3A_167] : memref<114688x64xf32, #tpu.memory_space<hbm>> -> memref<114688x64xf32, #tpu.memory_space<hbm>>
      tpu.enqueue_indirect_dma source(%dma_start3A_168 : memref<114688x64xf32, #tpu.memory_space<hbm>>) target(%dma_start3A_163 : memref<64x64xf32, #tpu.memory_space<vmem>>) offsets(%dma_start3A_165 : memref<64xi32, #tpu.memory_space<vmem>>) semaphore(%arg13 : memref<!tpu.dma_semaphore, #tpu.memory_space<semaphore_mem>>)
      %dma_start3A_169 = arith.constant 1 : i32
      %dma_start3A_170 = arith.constant 64 : i32
      %dma_start3A_171 = arith.constant 0 : i32
      %dma_start3A_172 = tpu.memref_slice %arg8[%dma_start3A_170, %dma_start3A_171] : memref<1280x64xf32, #tpu.memory_space<vmem>> -> memref<64x64xf32, #tpu.memory_space<vmem>>
      %dma_start3A_173 = tpu.memref_slice %arg11[%dma_start3A_169, %mul3A_10] : memref<20x512xi32, #tpu.memory_space<vmem>> -> memref<1x64xi32, #tpu.memory_space<vmem>>
      %dma_start3A_174 = tpu.memref_squeeze %dma_start3A_173 : memref<1x64xi32, #tpu.memory_space<vmem>> -> memref<64xi32, #tpu.memory_space<vmem>>
      %dma_start3A_175 = arith.constant 0 : i32
      %dma_start3A_176 = arith.constant 0 : i32
      %dma_start3A_177 = tpu.memref_slice %arg5[%dma_start3A_175, %dma_start3A_176] : memref<114688x64xf32, #tpu.memory_space<hbm>> -> memref<114688x64xf32, #tpu.memory_space<hbm>>
      tpu.enqueue_indirect_dma source(%dma_start3A_177 : memref<114688x64xf32, #tpu.memory_space<hbm>>) target(%dma_start3A_172 : memref<64x64xf32, #tpu.memory_space<vmem>>) offsets(%dma_start3A_174 : memref<64xi32, #tpu.memory_space<vmem>>) semaphore(%arg13 : memref<!tpu.dma_semaphore, #tpu.memory_space<semaphore_mem>>)
      %dma_start3A_178 = arith.constant 2 : i32
      %dma_start3A_179 = arith.constant 128 : i32
      %dma_start3A_180 = arith.constant 0 : i32
      %dma_start3A_181 = tpu.memref_slice %arg8[%dma_start3A_179, %dma_start3A_180] : memref<1280x64xf32, #tpu.memory_space<vmem>> -> memref<64x64xf32, #tpu.memory_space<vmem>>
      %dma_start3A_182 = tpu.memref_slice %arg11[%dma_start3A_178, %mul3A_10] : memref<20x512xi32, #tpu.memory_space<vmem>> -> memref<1x64xi32, #tpu.memory_space<vmem>>
      %dma_start3A_183 = tpu.memref_squeeze %dma_start3A_182 : memref<1x64xi32, #tpu.memory_space<vmem>> -> memref<64xi32, #tpu.memory_space<vmem>>
      %dma_start3A_184 = arith.constant 0 : i32
      %dma_start3A_185 = arith.constant 0 : i32
      %dma_start3A_186 = tpu.memref_slice %arg5[%dma_start3A_184, %dma_start3A_185] : memref<114688x64xf32, #tpu.memory_space<hbm>> -> memref<114688x64xf32, #tpu.memory_space<hbm>>
      tpu.enqueue_indirect_dma source(%dma_start3A_186 : memref<114688x64xf32, #tpu.memory_space<hbm>>) target(%dma_start3A_181 : memref<64x64xf32, #tpu.memory_space<vmem>>) offsets(%dma_start3A_183 : memref<64xi32, #tpu.memory_space<vmem>>) semaphore(%arg13 : memref<!tpu.dma_semaphore, #tpu.memory_space<semaphore_mem>>)
      %dma_start3A_187 = arith.constant 3 : i32
      %dma_start3A_188 = arith.constant 192 : i32
      %dma_start3A_189 = arith.constant 0 : i32
      %dma_start3A_190 = tpu.memref_slice %arg8[%dma_start3A_188, %dma_start3A_189] : memref<1280x64xf32, #tpu.memory_space<vmem>> -> memref<64x64xf32, #tpu.memory_space<vmem>>
      %dma_start3A_191 = tpu.memref_slice %arg11[%dma_start3A_187, %mul3A_10] : memref<20x512xi32, #tpu.memory_space<vmem>> -> memref<1x64xi32, #tpu.memory_space<vmem>>
      %dma_start3A_192 = tpu.memref_squeeze %dma_start3A_191 : memref<1x64xi32, #tpu.memory_space<vmem>> -> memref<64xi32, #tpu.memory_space<vmem>>
      %dma_start3A_193 = arith.constant 0 : i32
      %dma_start3A_194 = arith.constant 0 : i32
      %dma_start3A_195 = tpu.memref_slice %arg5[%dma_start3A_193, %dma_start3A_194] : memref<114688x64xf32, #tpu.memory_space<hbm>> -> memref<114688x64xf32, #tpu.memory_space<hbm>>
      tpu.enqueue_indirect_dma source(%dma_start3A_195 : memref<114688x64xf32, #tpu.memory_space<hbm>>) target(%dma_start3A_190 : memref<64x64xf32, #tpu.memory_space<vmem>>) offsets(%dma_start3A_192 : memref<64xi32, #tpu.memory_space<vmem>>) semaphore(%arg13 : memref<!tpu.dma_semaphore, #tpu.memory_space<semaphore_mem>>)
      %dma_start3A_196 = arith.constant 4 : i32
      %dma_start3A_197 = arith.constant 256 : i32
      %dma_start3A_198 = arith.constant 0 : i32
      %dma_start3A_199 = tpu.memref_slice %arg8[%dma_start3A_197, %dma_start3A_198] : memref<1280x64xf32, #tpu.memory_space<vmem>> -> memref<64x64xf32, #tpu.memory_space<vmem>>
      %dma_start3A_200 = tpu.memref_slice %arg11[%dma_start3A_196, %mul3A_10] : memref<20x512xi32, #tpu.memory_space<vmem>> -> memref<1x64xi32, #tpu.memory_space<vmem>>
      %dma_start3A_201 = tpu.memref_squeeze %dma_start3A_200 : memref<1x64xi32, #tpu.memory_space<vmem>> -> memref<64xi32, #tpu.memory_space<vmem>>
      %dma_start3A_202 = arith.constant 0 : i32
      %dma_start3A_203 = arith.constant 0 : i32
      %dma_start3A_204 = tpu.memref_slice %arg5[%dma_start3A_202, %dma_start3A_203] : memref<114688x64xf32, #tpu.memory_space<hbm>> -> memref<114688x64xf32, #tpu.memory_space<hbm>>
      tpu.enqueue_indirect_dma source(%dma_start3A_204 : memref<114688x64xf32, #tpu.memory_space<hbm>>) target(%dma_start3A_199 : memref<64x64xf32, #tpu.memory_space<vmem>>) offsets(%dma_start3A_201 : memref<64xi32, #tpu.memory_space<vmem>>) semaphore(%arg13 : memref<!tpu.dma_semaphore, #tpu.memory_space<semaphore_mem>>)
      %dma_start3A_205 = arith.constant 5 : i32
      %dma_start3A_206 = arith.constant 320 : i32
      %dma_start3A_207 = arith.constant 0 : i32
      %dma_start3A_208 = tpu.memref_slice %arg8[%dma_start3A_206, %dma_start3A_207] : memref<1280x64xf32, #tpu.memory_space<vmem>> -> memref<64x64xf32, #tpu.memory_space<vmem>>
      %dma_start3A_209 = tpu.memref_slice %arg11[%dma_start3A_205, %mul3A_10] : memref<20x512xi32, #tpu.memory_space<vmem>> -> memref<1x64xi32, #tpu.memory_space<vmem>>
      %dma_start3A_210 = tpu.memref_squeeze %dma_start3A_209 : memref<1x64xi32, #tpu.memory_space<vmem>> -> memref<64xi32, #tpu.memory_space<vmem>>
      %dma_start3A_211 = arith.constant 0 : i32
      %dma_start3A_212 = arith.constant 0 : i32
      %dma_start3A_213 = tpu.memref_slice %arg5[%dma_start3A_211, %dma_start3A_212] : memref<114688x64xf32, #tpu.memory_space<hbm>> -> memref<114688x64xf32, #tpu.memory_space<hbm>>
      tpu.enqueue_indirect_dma source(%dma_start3A_213 : memref<114688x64xf32, #tpu.memory_space<hbm>>) target(%dma_start3A_208 : memref<64x64xf32, #tpu.memory_space<vmem>>) offsets(%dma_start3A_210 : memref<64xi32, #tpu.memory_space<vmem>>) semaphore(%arg13 : memref<!tpu.dma_semaphore, #tpu.memory_space<semaphore_mem>>)
      %dma_start3A_214 = arith.constant 6 : i32
      %dma_start3A_215 = arith.constant 384 : i32
      %dma_start3A_216 = arith.constant 0 : i32
      %dma_start3A_217 = tpu.memref_slice %arg8[%dma_start3A_215, %dma_start3A_216] : memref<1280x64xf32, #tpu.memory_space<vmem>> -> memref<64x64xf32, #tpu.memory_space<vmem>>
      %dma_start3A_218 = tpu.memref_slice %arg11[%dma_start3A_214, %mul3A_10] : memref<20x512xi32, #tpu.memory_space<vmem>> -> memref<1x64xi32, #tpu.memory_space<vmem>>
      %dma_start3A_219 = tpu.memref_squeeze %dma_start3A_218 : memref<1x64xi32, #tpu.memory_space<vmem>> -> memref<64xi32, #tpu.memory_space<vmem>>
      %dma_start3A_220 = arith.constant 0 : i32
      %dma_start3A_221 = arith.constant 0 : i32
      %dma_start3A_222 = tpu.memref_slice %arg5[%dma_start3A_220, %dma_start3A_221] : memref<114688x64xf32, #tpu.memory_space<hbm>> -> memref<114688x64xf32, #tpu.memory_space<hbm>>
      tpu.enqueue_indirect_dma source(%dma_start3A_222 : memref<114688x64xf32, #tpu.memory_space<hbm>>) target(%dma_start3A_217 : memref<64x64xf32, #tpu.memory_space<vmem>>) offsets(%dma_start3A_219 : memref<64xi32, #tpu.memory_space<vmem>>) semaphore(%arg13 : memref<!tpu.dma_semaphore, #tpu.memory_space<semaphore_mem>>)
      %dma_start3A_223 = arith.constant 7 : i32
      %dma_start3A_224 = arith.constant 448 : i32
      %dma_start3A_225 = arith.constant 0 : i32
      %dma_start3A_226 = tpu.memref_slice %arg8[%dma_start3A_224, %dma_start3A_225] : memref<1280x64xf32, #tpu.memory_space<vmem>> -> memref<64x64xf32, #tpu.memory_space<vmem>>
      %dma_start3A_227 = tpu.memref_slice %arg11[%dma_start3A_223, %mul3A_10] : memref<20x512xi32, #tpu.memory_space<vmem>> -> memref<1x64xi32, #tpu.memory_space<vmem>>
      %dma_start3A_228 = tpu.memref_squeeze %dma_start3A_227 : memref<1x64xi32, #tpu.memory_space<vmem>> -> memref<64xi32, #tpu.memory_space<vmem>>
      %dma_start3A_229 = arith.constant 0 : i32
      %dma_start3A_230 = arith.constant 0 : i32
      %dma_start3A_231 = tpu.memref_slice %arg5[%dma_start3A_229, %dma_start3A_230] : memref<114688x64xf32, #tpu.memory_space<hbm>> -> memref<114688x64xf32, #tpu.memory_space<hbm>>
      tpu.enqueue_indirect_dma source(%dma_start3A_231 : memref<114688x64xf32, #tpu.memory_space<hbm>>) target(%dma_start3A_226 : memref<64x64xf32, #tpu.memory_space<vmem>>) offsets(%dma_start3A_228 : memref<64xi32, #tpu.memory_space<vmem>>) semaphore(%arg13 : memref<!tpu.dma_semaphore, #tpu.memory_space<semaphore_mem>>)
      %dma_start3A_232 = arith.constant 8 : i32
      %dma_start3A_233 = arith.constant 512 : i32
      %dma_start3A_234 = arith.constant 0 : i32
      %dma_start3A_235 = tpu.memref_slice %arg8[%dma_start3A_233, %dma_start3A_234] : memref<1280x64xf32, #tpu.memory_space<vmem>> -> memref<64x64xf32, #tpu.memory_space<vmem>>
      %dma_start3A_236 = tpu.memref_slice %arg11[%dma_start3A_232, %mul3A_10] : memref<20x512xi32, #tpu.memory_space<vmem>> -> memref<1x64xi32, #tpu.memory_space<vmem>>
      %dma_start3A_237 = tpu.memref_squeeze %dma_start3A_236 : memref<1x64xi32, #tpu.memory_space<vmem>> -> memref<64xi32, #tpu.memory_space<vmem>>
      %dma_start3A_238 = arith.constant 0 : i32
      %dma_start3A_239 = arith.constant 0 : i32
      %dma_start3A_240 = tpu.memref_slice %arg5[%dma_start3A_238, %dma_start3A_239] : memref<114688x64xf32, #tpu.memory_space<hbm>> -> memref<114688x64xf32, #tpu.memory_space<hbm>>
      tpu.enqueue_indirect_dma source(%dma_start3A_240 : memref<114688x64xf32, #tpu.memory_space<hbm>>) target(%dma_start3A_235 : memref<64x64xf32, #tpu.memory_space<vmem>>) offsets(%dma_start3A_237 : memref<64xi32, #tpu.memory_space<vmem>>) semaphore(%arg13 : memref<!tpu.dma_semaphore, #tpu.memory_space<semaphore_mem>>)
      %dma_start3A_241 = arith.constant 9 : i32
      %dma_start3A_242 = arith.constant 576 : i32
      %dma_start3A_243 = arith.constant 0 : i32
      %dma_start3A_244 = tpu.memref_slice %arg8[%dma_start3A_242, %dma_start3A_243] : memref<1280x64xf32, #tpu.memory_space<vmem>> -> memref<64x64xf32, #tpu.memory_space<vmem>>
      %dma_start3A_245 = tpu.memref_slice %arg11[%dma_start3A_241, %mul3A_10] : memref<20x512xi32, #tpu.memory_space<vmem>> -> memref<1x64xi32, #tpu.memory_space<vmem>>
      %dma_start3A_246 = tpu.memref_squeeze %dma_start3A_245 : memref<1x64xi32, #tpu.memory_space<vmem>> -> memref<64xi32, #tpu.memory_space<vmem>>
      %dma_start3A_247 = arith.constant 0 : i32
      %dma_start3A_248 = arith.constant 0 : i32
      %dma_start3A_249 = tpu.memref_slice %arg5[%dma_start3A_247, %dma_start3A_248] : memref<114688x64xf32, #tpu.memory_space<hbm>> -> memref<114688x64xf32, #tpu.memory_space<hbm>>
      tpu.enqueue_indirect_dma source(%dma_start3A_249 : memref<114688x64xf32, #tpu.memory_space<hbm>>) target(%dma_start3A_244 : memref<64x64xf32, #tpu.memory_space<vmem>>) offsets(%dma_start3A_246 : memref<64xi32, #tpu.memory_space<vmem>>) semaphore(%arg13 : memref<!tpu.dma_semaphore, #tpu.memory_space<semaphore_mem>>)
      %dma_start3A_250 = arith.constant 10 : i32
      %dma_start3A_251 = arith.constant 640 : i32
      %dma_start3A_252 = arith.constant 0 : i32
      %dma_start3A_253 = tpu.memref_slice %arg8[%dma_start3A_251, %dma_start3A_252] : memref<1280x64xf32, #tpu.memory_space<vmem>> -> memref<64x64xf32, #tpu.memory_space<vmem>>
      %dma_start3A_254 = tpu.memref_slice %arg11[%dma_start3A_250, %mul3A_10] : memref<20x512xi32, #tpu.memory_space<vmem>> -> memref<1x64xi32, #tpu.memory_space<vmem>>
      %dma_start3A_255 = tpu.memref_squeeze %dma_start3A_254 : memref<1x64xi32, #tpu.memory_space<vmem>> -> memref<64xi32, #tpu.memory_space<vmem>>
      %dma_start3A_256 = arith.constant 0 : i32
      %dma_start3A_257 = arith.constant 0 : i32
      %dma_start3A_258 = tpu.memref_slice %arg5[%dma_start3A_256, %dma_start3A_257] : memref<114688x64xf32, #tpu.memory_space<hbm>> -> memref<114688x64xf32, #tpu.memory_space<hbm>>
      tpu.enqueue_indirect_dma source(%dma_start3A_258 : memref<114688x64xf32, #tpu.memory_space<hbm>>) target(%dma_start3A_253 : memref<64x64xf32, #tpu.memory_space<vmem>>) offsets(%dma_start3A_255 : memref<64xi32, #tpu.memory_space<vmem>>) semaphore(%arg13 : memref<!tpu.dma_semaphore, #tpu.memory_space<semaphore_mem>>)
      %dma_start3A_259 = arith.constant 11 : i32
      %dma_start3A_260 = arith.constant 704 : i32
      %dma_start3A_261 = arith.constant 0 : i32
      %dma_start3A_262 = tpu.memref_slice %arg8[%dma_start3A_260, %dma_start3A_261] : memref<1280x64xf32, #tpu.memory_space<vmem>> -> memref<64x64xf32, #tpu.memory_space<vmem>>
      %dma_start3A_263 = tpu.memref_slice %arg11[%dma_start3A_259, %mul3A_10] : memref<20x512xi32, #tpu.memory_space<vmem>> -> memref<1x64xi32, #tpu.memory_space<vmem>>
      %dma_start3A_264 = tpu.memref_squeeze %dma_start3A_263 : memref<1x64xi32, #tpu.memory_space<vmem>> -> memref<64xi32, #tpu.memory_space<vmem>>
      %dma_start3A_265 = arith.constant 0 : i32
      %dma_start3A_266 = arith.constant 0 : i32
      %dma_start3A_267 = tpu.memref_slice %arg5[%dma_start3A_265, %dma_start3A_266] : memref<114688x64xf32, #tpu.memory_space<hbm>> -> memref<114688x64xf32, #tpu.memory_space<hbm>>
      tpu.enqueue_indirect_dma source(%dma_start3A_267 : memref<114688x64xf32, #tpu.memory_space<hbm>>) target(%dma_start3A_262 : memref<64x64xf32, #tpu.memory_space<vmem>>) offsets(%dma_start3A_264 : memref<64xi32, #tpu.memory_space<vmem>>) semaphore(%arg13 : memref<!tpu.dma_semaphore, #tpu.memory_space<semaphore_mem>>)
      %dma_start3A_268 = arith.constant 12 : i32
      %dma_start3A_269 = arith.constant 768 : i32
      %dma_start3A_270 = arith.constant 0 : i32
      %dma_start3A_271 = tpu.memref_slice %arg8[%dma_start3A_269, %dma_start3A_270] : memref<1280x64xf32, #tpu.memory_space<vmem>> -> memref<64x64xf32, #tpu.memory_space<vmem>>
      %dma_start3A_272 = tpu.memref_slice %arg11[%dma_start3A_268, %mul3A_10] : memref<20x512xi32, #tpu.memory_space<vmem>> -> memref<1x64xi32, #tpu.memory_space<vmem>>
      %dma_start3A_273 = tpu.memref_squeeze %dma_start3A_272 : memref<1x64xi32, #tpu.memory_space<vmem>> -> memref<64xi32, #tpu.memory_space<vmem>>
      %dma_start3A_274 = arith.constant 0 : i32
      %dma_start3A_275 = arith.constant 0 : i32
      %dma_start3A_276 = tpu.memref_slice %arg5[%dma_start3A_274, %dma_start3A_275] : memref<114688x64xf32, #tpu.memory_space<hbm>> -> memref<114688x64xf32, #tpu.memory_space<hbm>>
      tpu.enqueue_indirect_dma source(%dma_start3A_276 : memref<114688x64xf32, #tpu.memory_space<hbm>>) target(%dma_start3A_271 : memref<64x64xf32, #tpu.memory_space<vmem>>) offsets(%dma_start3A_273 : memref<64xi32, #tpu.memory_space<vmem>>) semaphore(%arg13 : memref<!tpu.dma_semaphore, #tpu.memory_space<semaphore_mem>>)
      %dma_start3A_277 = arith.constant 13 : i32
      %dma_start3A_278 = arith.constant 832 : i32
      %dma_start3A_279 = arith.constant 0 : i32
      %dma_start3A_280 = tpu.memref_slice %arg8[%dma_start3A_278, %dma_start3A_279] : memref<1280x64xf32, #tpu.memory_space<vmem>> -> memref<64x64xf32, #tpu.memory_space<vmem>>
      %dma_start3A_281 = tpu.memref_slice %arg11[%dma_start3A_277, %mul3A_10] : memref<20x512xi32, #tpu.memory_space<vmem>> -> memref<1x64xi32, #tpu.memory_space<vmem>>
      %dma_start3A_282 = tpu.memref_squeeze %dma_start3A_281 : memref<1x64xi32, #tpu.memory_space<vmem>> -> memref<64xi32, #tpu.memory_space<vmem>>
      %dma_start3A_283 = arith.constant 0 : i32
      %dma_start3A_284 = arith.constant 0 : i32
      %dma_start3A_285 = tpu.memref_slice %arg5[%dma_start3A_283, %dma_start3A_284] : memref<114688x64xf32, #tpu.memory_space<hbm>> -> memref<114688x64xf32, #tpu.memory_space<hbm>>
      tpu.enqueue_indirect_dma source(%dma_start3A_285 : memref<114688x64xf32, #tpu.memory_space<hbm>>) target(%dma_start3A_280 : memref<64x64xf32, #tpu.memory_space<vmem>>) offsets(%dma_start3A_282 : memref<64xi32, #tpu.memory_space<vmem>>) semaphore(%arg13 : memref<!tpu.dma_semaphore, #tpu.memory_space<semaphore_mem>>)
      %dma_start3A_286 = arith.constant 14 : i32
      %dma_start3A_287 = arith.constant 896 : i32
      %dma_start3A_288 = arith.constant 0 : i32
      %dma_start3A_289 = tpu.memref_slice %arg8[%dma_start3A_287, %dma_start3A_288] : memref<1280x64xf32, #tpu.memory_space<vmem>> -> memref<64x64xf32, #tpu.memory_space<vmem>>
      %dma_start3A_290 = tpu.memref_slice %arg11[%dma_start3A_286, %mul3A_10] : memref<20x512xi32, #tpu.memory_space<vmem>> -> memref<1x64xi32, #tpu.memory_space<vmem>>
      %dma_start3A_291 = tpu.memref_squeeze %dma_start3A_290 : memref<1x64xi32, #tpu.memory_space<vmem>> -> memref<64xi32, #tpu.memory_space<vmem>>
      %dma_start3A_292 = arith.constant 0 : i32
      %dma_start3A_293 = arith.constant 0 : i32
      %dma_start3A_294 = tpu.memref_slice %arg5[%dma_start3A_292, %dma_start3A_293] : memref<114688x64xf32, #tpu.memory_space<hbm>> -> memref<114688x64xf32, #tpu.memory_space<hbm>>
      tpu.enqueue_indirect_dma source(%dma_start3A_294 : memref<114688x64xf32, #tpu.memory_space<hbm>>) target(%dma_start3A_289 : memref<64x64xf32, #tpu.memory_space<vmem>>) offsets(%dma_start3A_291 : memref<64xi32, #tpu.memory_space<vmem>>) semaphore(%arg13 : memref<!tpu.dma_semaphore, #tpu.memory_space<semaphore_mem>>)
      %dma_start3A_295 = arith.constant 15 : i32
      %dma_start3A_296 = arith.constant 960 : i32
      %dma_start3A_297 = arith.constant 0 : i32
      %dma_start3A_298 = tpu.memref_slice %arg8[%dma_start3A_296, %dma_start3A_297] : memref<1280x64xf32, #tpu.memory_space<vmem>> -> memref<64x64xf32, #tpu.memory_space<vmem>>
      %dma_start3A_299 = tpu.memref_slice %arg11[%dma_start3A_295, %mul3A_10] : memref<20x512xi32, #tpu.memory_space<vmem>> -> memref<1x64xi32, #tpu.memory_space<vmem>>
      %dma_start3A_300 = tpu.memref_squeeze %dma_start3A_299 : memref<1x64xi32, #tpu.memory_space<vmem>> -> memref<64xi32, #tpu.memory_space<vmem>>
      %dma_start3A_301 = arith.constant 0 : i32
      %dma_start3A_302 = arith.constant 0 : i32
      %dma_start3A_303 = tpu.memref_slice %arg5[%dma_start3A_301, %dma_start3A_302] : memref<114688x64xf32, #tpu.memory_space<hbm>> -> memref<114688x64xf32, #tpu.memory_space<hbm>>
      tpu.enqueue_indirect_dma source(%dma_start3A_303 : memref<114688x64xf32, #tpu.memory_space<hbm>>) target(%dma_start3A_298 : memref<64x64xf32, #tpu.memory_space<vmem>>) offsets(%dma_start3A_300 : memref<64xi32, #tpu.memory_space<vmem>>) semaphore(%arg13 : memref<!tpu.dma_semaphore, #tpu.memory_space<semaphore_mem>>)
      %dma_start3A_304 = arith.constant 16 : i32
      %dma_start3A_305 = arith.constant 1024 : i32
      %dma_start3A_306 = arith.constant 0 : i32
      %dma_start3A_307 = tpu.memref_slice %arg8[%dma_start3A_305, %dma_start3A_306] : memref<1280x64xf32, #tpu.memory_space<vmem>> -> memref<64x64xf32, #tpu.memory_space<vmem>>
      %dma_start3A_308 = tpu.memref_slice %arg11[%dma_start3A_304, %mul3A_10] : memref<20x512xi32, #tpu.memory_space<vmem>> -> memref<1x64xi32, #tpu.memory_space<vmem>>
      %dma_start3A_309 = tpu.memref_squeeze %dma_start3A_308 : memref<1x64xi32, #tpu.memory_space<vmem>> -> memref<64xi32, #tpu.memory_space<vmem>>
      %dma_start3A_310 = arith.constant 0 : i32
      %dma_start3A_311 = arith.constant 0 : i32
      %dma_start3A_312 = tpu.memref_slice %arg5[%dma_start3A_310, %dma_start3A_311] : memref<114688x64xf32, #tpu.memory_space<hbm>> -> memref<114688x64xf32, #tpu.memory_space<hbm>>
      tpu.enqueue_indirect_dma source(%dma_start3A_312 : memref<114688x64xf32, #tpu.memory_space<hbm>>) target(%dma_start3A_307 : memref<64x64xf32, #tpu.memory_space<vmem>>) offsets(%dma_start3A_309 : memref<64xi32, #tpu.memory_space<vmem>>) semaphore(%arg13 : memref<!tpu.dma_semaphore, #tpu.memory_space<semaphore_mem>>)
      %dma_start3A_313 = arith.constant 17 : i32
      %dma_start3A_314 = arith.constant 1088 : i32
      %dma_start3A_315 = arith.constant 0 : i32
      %dma_start3A_316 = tpu.memref_slice %arg8[%dma_start3A_314, %dma_start3A_315] : memref<1280x64xf32, #tpu.memory_space<vmem>> -> memref<64x64xf32, #tpu.memory_space<vmem>>
      %dma_start3A_317 = tpu.memref_slice %arg11[%dma_start3A_313, %mul3A_10] : memref<20x512xi32, #tpu.memory_space<vmem>> -> memref<1x64xi32, #tpu.memory_space<vmem>>
      %dma_start3A_318 = tpu.memref_squeeze %dma_start3A_317 : memref<1x64xi32, #tpu.memory_space<vmem>> -> memref<64xi32, #tpu.memory_space<vmem>>
      %dma_start3A_319 = arith.constant 0 : i32
      %dma_start3A_320 = arith.constant 0 : i32
      %dma_start3A_321 = tpu.memref_slice %arg5[%dma_start3A_319, %dma_start3A_320] : memref<114688x64xf32, #tpu.memory_space<hbm>> -> memref<114688x64xf32, #tpu.memory_space<hbm>>
      tpu.enqueue_indirect_dma source(%dma_start3A_321 : memref<114688x64xf32, #tpu.memory_space<hbm>>) target(%dma_start3A_316 : memref<64x64xf32, #tpu.memory_space<vmem>>) offsets(%dma_start3A_318 : memref<64xi32, #tpu.memory_space<vmem>>) semaphore(%arg13 : memref<!tpu.dma_semaphore, #tpu.memory_space<semaphore_mem>>)
      %dma_start3A_322 = arith.constant 18 : i32
      %dma_start3A_323 = arith.constant 1152 : i32
      %dma_start3A_324 = arith.constant 0 : i32
      %dma_start3A_325 = tpu.memref_slice %arg8[%dma_start3A_323, %dma_start3A_324] : memref<1280x64xf32, #tpu.memory_space<vmem>> -> memref<64x64xf32, #tpu.memory_space<vmem>>
      %dma_start3A_326 = tpu.memref_slice %arg11[%dma_start3A_322, %mul3A_10] : memref<20x512xi32, #tpu.memory_space<vmem>> -> memref<1x64xi32, #tpu.memory_space<vmem>>
      %dma_start3A_327 = tpu.memref_squeeze %dma_start3A_326 : memref<1x64xi32, #tpu.memory_space<vmem>> -> memref<64xi32, #tpu.memory_space<vmem>>
      %dma_start3A_328 = arith.constant 0 : i32
      %dma_start3A_329 = arith.constant 0 : i32
      %dma_start3A_330 = tpu.memref_slice %arg5[%dma_start3A_328, %dma_start3A_329] : memref<114688x64xf32, #tpu.memory_space<hbm>> -> memref<114688x64xf32, #tpu.memory_space<hbm>>
      tpu.enqueue_indirect_dma source(%dma_start3A_330 : memref<114688x64xf32, #tpu.memory_space<hbm>>) target(%dma_start3A_325 : memref<64x64xf32, #tpu.memory_space<vmem>>) offsets(%dma_start3A_327 : memref<64xi32, #tpu.memory_space<vmem>>) semaphore(%arg13 : memref<!tpu.dma_semaphore, #tpu.memory_space<semaphore_mem>>)
      %dma_start3A_331 = arith.constant 19 : i32
      %dma_start3A_332 = arith.constant 1216 : i32
      %dma_start3A_333 = arith.constant 0 : i32
      %dma_start3A_334 = tpu.memref_slice %arg8[%dma_start3A_332, %dma_start3A_333] : memref<1280x64xf32, #tpu.memory_space<vmem>> -> memref<64x64xf32, #tpu.memory_space<vmem>>
      %dma_start3A_335 = tpu.memref_slice %arg11[%dma_start3A_331, %mul3A_10] : memref<20x512xi32, #tpu.memory_space<vmem>> -> memref<1x64xi32, #tpu.memory_space<vmem>>
      %dma_start3A_336 = tpu.memref_squeeze %dma_start3A_335 : memref<1x64xi32, #tpu.memory_space<vmem>> -> memref<64xi32, #tpu.memory_space<vmem>>
      %dma_start3A_337 = arith.constant 0 : i32
      %dma_start3A_338 = arith.constant 0 : i32
      %dma_start3A_339 = tpu.memref_slice %arg5[%dma_start3A_337, %dma_start3A_338] : memref<114688x64xf32, #tpu.memory_space<hbm>> -> memref<114688x64xf32, #tpu.memory_space<hbm>>
      tpu.enqueue_indirect_dma source(%dma_start3A_339 : memref<114688x64xf32, #tpu.memory_space<hbm>>) target(%dma_start3A_334 : memref<64x64xf32, #tpu.memory_space<vmem>>) offsets(%dma_start3A_336 : memref<64xi32, #tpu.memory_space<vmem>>) semaphore(%arg13 : memref<!tpu.dma_semaphore, #tpu.memory_space<semaphore_mem>>)
      %dma_wait3A_340 = arith.constant 0 : i32
      %dma_wait3A_341 = arith.constant 0 : i32
      %dma_wait3A_342 = arith.constant 0 : i32
      %dma_wait3A_343 = tpu.memref_slice %arg8[%dma_wait3A_341, %dma_wait3A_342] : memref<1280x64xf32, #tpu.memory_space<vmem>> -> memref<64x64xf32, #tpu.memory_space<vmem>>
      %dma_wait3A_344 = tpu.memref_slice %arg11[%dma_wait3A_340, %mul3A_10] : memref<20x512xi32, #tpu.memory_space<vmem>> -> memref<1x64xi32, #tpu.memory_space<vmem>>
      %dma_wait3A_345 = tpu.memref_squeeze %dma_wait3A_344 : memref<1x64xi32, #tpu.memory_space<vmem>> -> memref<64xi32, #tpu.memory_space<vmem>>
      %dma_wait3A_346 = arith.constant 0 : i32
      %dma_wait3A_347 = arith.constant 0 : i32
      %dma_wait3A_348 = tpu.memref_slice %arg5[%dma_wait3A_346, %dma_wait3A_347] : memref<114688x64xf32, #tpu.memory_space<hbm>> -> memref<114688x64xf32, #tpu.memory_space<hbm>>
      tpu.wait_indirect_dma semaphore(%arg13 : memref<!tpu.dma_semaphore, #tpu.memory_space<semaphore_mem>>) src(%dma_wait3A_348 : memref<114688x64xf32, #tpu.memory_space<hbm>>) dst(%dma_wait3A_343 : memref<64x64xf32, #tpu.memory_space<vmem>>)
      %dma_wait3A_349 = arith.constant 1 : i32
      %dma_wait3A_350 = arith.constant 64 : i32
      %dma_wait3A_351 = arith.constant 0 : i32
      %dma_wait3A_352 = tpu.memref_slice %arg8[%dma_wait3A_350, %dma_wait3A_351] : memref<1280x64xf32, #tpu.memory_space<vmem>> -> memref<64x64xf32, #tpu.memory_space<vmem>>
      %dma_wait3A_353 = tpu.memref_slice %arg11[%dma_wait3A_349, %mul3A_10] : memref<20x512xi32, #tpu.memory_space<vmem>> -> memref<1x64xi32, #tpu.memory_space<vmem>>
      %dma_wait3A_354 = tpu.memref_squeeze %dma_wait3A_353 : memref<1x64xi32, #tpu.memory_space<vmem>> -> memref<64xi32, #tpu.memory_space<vmem>>
      %dma_wait3A_355 = arith.constant 0 : i32
      %dma_wait3A_356 = arith.constant 0 : i32
      %dma_wait3A_357 = tpu.memref_slice %arg5[%dma_wait3A_355, %dma_wait3A_356] : memref<114688x64xf32, #tpu.memory_space<hbm>> -> memref<114688x64xf32, #tpu.memory_space<hbm>>
      tpu.wait_indirect_dma semaphore(%arg13 : memref<!tpu.dma_semaphore, #tpu.memory_space<semaphore_mem>>) src(%dma_wait3A_357 : memref<114688x64xf32, #tpu.memory_space<hbm>>) dst(%dma_wait3A_352 : memref<64x64xf32, #tpu.memory_space<vmem>>)
      %dma_wait3A_358 = arith.constant 2 : i32
      %dma_wait3A_359 = arith.constant 128 : i32
      %dma_wait3A_360 = arith.constant 0 : i32
      %dma_wait3A_361 = tpu.memref_slice %arg8[%dma_wait3A_359, %dma_wait3A_360] : memref<1280x64xf32, #tpu.memory_space<vmem>> -> memref<64x64xf32, #tpu.memory_space<vmem>>
      %dma_wait3A_362 = tpu.memref_slice %arg11[%dma_wait3A_358, %mul3A_10] : memref<20x512xi32, #tpu.memory_space<vmem>> -> memref<1x64xi32, #tpu.memory_space<vmem>>
      %dma_wait3A_363 = tpu.memref_squeeze %dma_wait3A_362 : memref<1x64xi32, #tpu.memory_space<vmem>> -> memref<64xi32, #tpu.memory_space<vmem>>
      %dma_wait3A_364 = arith.constant 0 : i32
      %dma_wait3A_365 = arith.constant 0 : i32
      %dma_wait3A_366 = tpu.memref_slice %arg5[%dma_wait3A_364, %dma_wait3A_365] : memref<114688x64xf32, #tpu.memory_space<hbm>> -> memref<114688x64xf32, #tpu.memory_space<hbm>>
      tpu.wait_indirect_dma semaphore(%arg13 : memref<!tpu.dma_semaphore, #tpu.memory_space<semaphore_mem>>) src(%dma_wait3A_366 : memref<114688x64xf32, #tpu.memory_space<hbm>>) dst(%dma_wait3A_361 : memref<64x64xf32, #tpu.memory_space<vmem>>)
      %dma_wait3A_367 = arith.constant 3 : i32
      %dma_wait3A_368 = arith.constant 192 : i32
      %dma_wait3A_369 = arith.constant 0 : i32
      %dma_wait3A_370 = tpu.memref_slice %arg8[%dma_wait3A_368, %dma_wait3A_369] : memref<1280x64xf32, #tpu.memory_space<vmem>> -> memref<64x64xf32, #tpu.memory_space<vmem>>
      %dma_wait3A_371 = tpu.memref_slice %arg11[%dma_wait3A_367, %mul3A_10] : memref<20x512xi32, #tpu.memory_space<vmem>> -> memref<1x64xi32, #tpu.memory_space<vmem>>
      %dma_wait3A_372 = tpu.memref_squeeze %dma_wait3A_371 : memref<1x64xi32, #tpu.memory_space<vmem>> -> memref<64xi32, #tpu.memory_space<vmem>>
      %dma_wait3A_373 = arith.constant 0 : i32
      %dma_wait3A_374 = arith.constant 0 : i32
      %dma_wait3A_375 = tpu.memref_slice %arg5[%dma_wait3A_373, %dma_wait3A_374] : memref<114688x64xf32, #tpu.memory_space<hbm>> -> memref<114688x64xf32, #tpu.memory_space<hbm>>
      tpu.wait_indirect_dma semaphore(%arg13 : memref<!tpu.dma_semaphore, #tpu.memory_space<semaphore_mem>>) src(%dma_wait3A_375 : memref<114688x64xf32, #tpu.memory_space<hbm>>) dst(%dma_wait3A_370 : memref<64x64xf32, #tpu.memory_space<vmem>>)
      %dma_wait3A_376 = arith.constant 4 : i32
      %dma_wait3A_377 = arith.constant 256 : i32
      %dma_wait3A_378 = arith.constant 0 : i32
      %dma_wait3A_379 = tpu.memref_slice %arg8[%dma_wait3A_377, %dma_wait3A_378] : memref<1280x64xf32, #tpu.memory_space<vmem>> -> memref<64x64xf32, #tpu.memory_space<vmem>>
      %dma_wait3A_380 = tpu.memref_slice %arg11[%dma_wait3A_376, %mul3A_10] : memref<20x512xi32, #tpu.memory_space<vmem>> -> memref<1x64xi32, #tpu.memory_space<vmem>>
      %dma_wait3A_381 = tpu.memref_squeeze %dma_wait3A_380 : memref<1x64xi32, #tpu.memory_space<vmem>> -> memref<64xi32, #tpu.memory_space<vmem>>
      %dma_wait3A_382 = arith.constant 0 : i32
      %dma_wait3A_383 = arith.constant 0 : i32
      %dma_wait3A_384 = tpu.memref_slice %arg5[%dma_wait3A_382, %dma_wait3A_383] : memref<114688x64xf32, #tpu.memory_space<hbm>> -> memref<114688x64xf32, #tpu.memory_space<hbm>>
      tpu.wait_indirect_dma semaphore(%arg13 : memref<!tpu.dma_semaphore, #tpu.memory_space<semaphore_mem>>) src(%dma_wait3A_384 : memref<114688x64xf32, #tpu.memory_space<hbm>>) dst(%dma_wait3A_379 : memref<64x64xf32, #tpu.memory_space<vmem>>)
      %dma_wait3A_385 = arith.constant 5 : i32
      %dma_wait3A_386 = arith.constant 320 : i32
      %dma_wait3A_387 = arith.constant 0 : i32
      %dma_wait3A_388 = tpu.memref_slice %arg8[%dma_wait3A_386, %dma_wait3A_387] : memref<1280x64xf32, #tpu.memory_space<vmem>> -> memref<64x64xf32, #tpu.memory_space<vmem>>
      %dma_wait3A_389 = tpu.memref_slice %arg11[%dma_wait3A_385, %mul3A_10] : memref<20x512xi32, #tpu.memory_space<vmem>> -> memref<1x64xi32, #tpu.memory_space<vmem>>
      %dma_wait3A_390 = tpu.memref_squeeze %dma_wait3A_389 : memref<1x64xi32, #tpu.memory_space<vmem>> -> memref<64xi32, #tpu.memory_space<vmem>>
      %dma_wait3A_391 = arith.constant 0 : i32
      %dma_wait3A_392 = arith.constant 0 : i32
      %dma_wait3A_393 = tpu.memref_slice %arg5[%dma_wait3A_391, %dma_wait3A_392] : memref<114688x64xf32, #tpu.memory_space<hbm>> -> memref<114688x64xf32, #tpu.memory_space<hbm>>
      tpu.wait_indirect_dma semaphore(%arg13 : memref<!tpu.dma_semaphore, #tpu.memory_space<semaphore_mem>>) src(%dma_wait3A_393 : memref<114688x64xf32, #tpu.memory_space<hbm>>) dst(%dma_wait3A_388 : memref<64x64xf32, #tpu.memory_space<vmem>>)
      %dma_wait3A_394 = arith.constant 6 : i32
      %dma_wait3A_395 = arith.constant 384 : i32
      %dma_wait3A_396 = arith.constant 0 : i32
      %dma_wait3A_397 = tpu.memref_slice %arg8[%dma_wait3A_395, %dma_wait3A_396] : memref<1280x64xf32, #tpu.memory_space<vmem>> -> memref<64x64xf32, #tpu.memory_space<vmem>>
      %dma_wait3A_398 = tpu.memref_slice %arg11[%dma_wait3A_394, %mul3A_10] : memref<20x512xi32, #tpu.memory_space<vmem>> -> memref<1x64xi32, #tpu.memory_space<vmem>>
      %dma_wait3A_399 = tpu.memref_squeeze %dma_wait3A_398 : memref<1x64xi32, #tpu.memory_space<vmem>> -> memref<64xi32, #tpu.memory_space<vmem>>
      %dma_wait3A_400 = arith.constant 0 : i32
      %dma_wait3A_401 = arith.constant 0 : i32
      %dma_wait3A_402 = tpu.memref_slice %arg5[%dma_wait3A_400, %dma_wait3A_401] : memref<114688x64xf32, #tpu.memory_space<hbm>> -> memref<114688x64xf32, #tpu.memory_space<hbm>>
      tpu.wait_indirect_dma semaphore(%arg13 : memref<!tpu.dma_semaphore, #tpu.memory_space<semaphore_mem>>) src(%dma_wait3A_402 : memref<114688x64xf32, #tpu.memory_space<hbm>>) dst(%dma_wait3A_397 : memref<64x64xf32, #tpu.memory_space<vmem>>)
      %dma_wait3A_403 = arith.constant 7 : i32
      %dma_wait3A_404 = arith.constant 448 : i32
      %dma_wait3A_405 = arith.constant 0 : i32
      %dma_wait3A_406 = tpu.memref_slice %arg8[%dma_wait3A_404, %dma_wait3A_405] : memref<1280x64xf32, #tpu.memory_space<vmem>> -> memref<64x64xf32, #tpu.memory_space<vmem>>
      %dma_wait3A_407 = tpu.memref_slice %arg11[%dma_wait3A_403, %mul3A_10] : memref<20x512xi32, #tpu.memory_space<vmem>> -> memref<1x64xi32, #tpu.memory_space<vmem>>
      %dma_wait3A_408 = tpu.memref_squeeze %dma_wait3A_407 : memref<1x64xi32, #tpu.memory_space<vmem>> -> memref<64xi32, #tpu.memory_space<vmem>>
      %dma_wait3A_409 = arith.constant 0 : i32
      %dma_wait3A_410 = arith.constant 0 : i32
      %dma_wait3A_411 = tpu.memref_slice %arg5[%dma_wait3A_409, %dma_wait3A_410] : memref<114688x64xf32, #tpu.memory_space<hbm>> -> memref<114688x64xf32, #tpu.memory_space<hbm>>
      tpu.wait_indirect_dma semaphore(%arg13 : memref<!tpu.dma_semaphore, #tpu.memory_space<semaphore_mem>>) src(%dma_wait3A_411 : memref<114688x64xf32, #tpu.memory_space<hbm>>) dst(%dma_wait3A_406 : memref<64x64xf32, #tpu.memory_space<vmem>>)
      %dma_wait3A_412 = arith.constant 8 : i32
      %dma_wait3A_413 = arith.constant 512 : i32
      %dma_wait3A_414 = arith.constant 0 : i32
      %dma_wait3A_415 = tpu.memref_slice %arg8[%dma_wait3A_413, %dma_wait3A_414] : memref<1280x64xf32, #tpu.memory_space<vmem>> -> memref<64x64xf32, #tpu.memory_space<vmem>>
      %dma_wait3A_416 = tpu.memref_slice %arg11[%dma_wait3A_412, %mul3A_10] : memref<20x512xi32, #tpu.memory_space<vmem>> -> memref<1x64xi32, #tpu.memory_space<vmem>>
      %dma_wait3A_417 = tpu.memref_squeeze %dma_wait3A_416 : memref<1x64xi32, #tpu.memory_space<vmem>> -> memref<64xi32, #tpu.memory_space<vmem>>
      %dma_wait3A_418 = arith.constant 0 : i32
      %dma_wait3A_419 = arith.constant 0 : i32
      %dma_wait3A_420 = tpu.memref_slice %arg5[%dma_wait3A_418, %dma_wait3A_419] : memref<114688x64xf32, #tpu.memory_space<hbm>> -> memref<114688x64xf32, #tpu.memory_space<hbm>>
      tpu.wait_indirect_dma semaphore(%arg13 : memref<!tpu.dma_semaphore, #tpu.memory_space<semaphore_mem>>) src(%dma_wait3A_420 : memref<114688x64xf32, #tpu.memory_space<hbm>>) dst(%dma_wait3A_415 : memref<64x64xf32, #tpu.memory_space<vmem>>)
      %dma_wait3A_421 = arith.constant 9 : i32
      %dma_wait3A_422 = arith.constant 576 : i32
      %dma_wait3A_423 = arith.constant 0 : i32
      %dma_wait3A_424 = tpu.memref_slice %arg8[%dma_wait3A_422, %dma_wait3A_423] : memref<1280x64xf32, #tpu.memory_space<vmem>> -> memref<64x64xf32, #tpu.memory_space<vmem>>
      %dma_wait3A_425 = tpu.memref_slice %arg11[%dma_wait3A_421, %mul3A_10] : memref<20x512xi32, #tpu.memory_space<vmem>> -> memref<1x64xi32, #tpu.memory_space<vmem>>
      %dma_wait3A_426 = tpu.memref_squeeze %dma_wait3A_425 : memref<1x64xi32, #tpu.memory_space<vmem>> -> memref<64xi32, #tpu.memory_space<vmem>>
      %dma_wait3A_427 = arith.constant 0 : i32
      %dma_wait3A_428 = arith.constant 0 : i32
      %dma_wait3A_429 = tpu.memref_slice %arg5[%dma_wait3A_427, %dma_wait3A_428] : memref<114688x64xf32, #tpu.memory_space<hbm>> -> memref<114688x64xf32, #tpu.memory_space<hbm>>
      tpu.wait_indirect_dma semaphore(%arg13 : memref<!tpu.dma_semaphore, #tpu.memory_space<semaphore_mem>>) src(%dma_wait3A_429 : memref<114688x64xf32, #tpu.memory_space<hbm>>) dst(%dma_wait3A_424 : memref<64x64xf32, #tpu.memory_space<vmem>>)
      %dma_wait3A_430 = arith.constant 10 : i32
      %dma_wait3A_431 = arith.constant 640 : i32
      %dma_wait3A_432 = arith.constant 0 : i32
      %dma_wait3A_433 = tpu.memref_slice %arg8[%dma_wait3A_431, %dma_wait3A_432] : memref<1280x64xf32, #tpu.memory_space<vmem>> -> memref<64x64xf32, #tpu.memory_space<vmem>>
      %dma_wait3A_434 = tpu.memref_slice %arg11[%dma_wait3A_430, %mul3A_10] : memref<20x512xi32, #tpu.memory_space<vmem>> -> memref<1x64xi32, #tpu.memory_space<vmem>>
      %dma_wait3A_435 = tpu.memref_squeeze %dma_wait3A_434 : memref<1x64xi32, #tpu.memory_space<vmem>> -> memref<64xi32, #tpu.memory_space<vmem>>
      %dma_wait3A_436 = arith.constant 0 : i32
      %dma_wait3A_437 = arith.constant 0 : i32
      %dma_wait3A_438 = tpu.memref_slice %arg5[%dma_wait3A_436, %dma_wait3A_437] : memref<114688x64xf32, #tpu.memory_space<hbm>> -> memref<114688x64xf32, #tpu.memory_space<hbm>>
      tpu.wait_indirect_dma semaphore(%arg13 : memref<!tpu.dma_semaphore, #tpu.memory_space<semaphore_mem>>) src(%dma_wait3A_438 : memref<114688x64xf32, #tpu.memory_space<hbm>>) dst(%dma_wait3A_433 : memref<64x64xf32, #tpu.memory_space<vmem>>)
      %dma_wait3A_439 = arith.constant 11 : i32
      %dma_wait3A_440 = arith.constant 704 : i32
      %dma_wait3A_441 = arith.constant 0 : i32
      %dma_wait3A_442 = tpu.memref_slice %arg8[%dma_wait3A_440, %dma_wait3A_441] : memref<1280x64xf32, #tpu.memory_space<vmem>> -> memref<64x64xf32, #tpu.memory_space<vmem>>
      %dma_wait3A_443 = tpu.memref_slice %arg11[%dma_wait3A_439, %mul3A_10] : memref<20x512xi32, #tpu.memory_space<vmem>> -> memref<1x64xi32, #tpu.memory_space<vmem>>
      %dma_wait3A_444 = tpu.memref_squeeze %dma_wait3A_443 : memref<1x64xi32, #tpu.memory_space<vmem>> -> memref<64xi32, #tpu.memory_space<vmem>>
      %dma_wait3A_445 = arith.constant 0 : i32
      %dma_wait3A_446 = arith.constant 0 : i32
      %dma_wait3A_447 = tpu.memref_slice %arg5[%dma_wait3A_445, %dma_wait3A_446] : memref<114688x64xf32, #tpu.memory_space<hbm>> -> memref<114688x64xf32, #tpu.memory_space<hbm>>
      tpu.wait_indirect_dma semaphore(%arg13 : memref<!tpu.dma_semaphore, #tpu.memory_space<semaphore_mem>>) src(%dma_wait3A_447 : memref<114688x64xf32, #tpu.memory_space<hbm>>) dst(%dma_wait3A_442 : memref<64x64xf32, #tpu.memory_space<vmem>>)
      %dma_wait3A_448 = arith.constant 12 : i32
      %dma_wait3A_449 = arith.constant 768 : i32
      %dma_wait3A_450 = arith.constant 0 : i32
      %dma_wait3A_451 = tpu.memref_slice %arg8[%dma_wait3A_449, %dma_wait3A_450] : memref<1280x64xf32, #tpu.memory_space<vmem>> -> memref<64x64xf32, #tpu.memory_space<vmem>>
      %dma_wait3A_452 = tpu.memref_slice %arg11[%dma_wait3A_448, %mul3A_10] : memref<20x512xi32, #tpu.memory_space<vmem>> -> memref<1x64xi32, #tpu.memory_space<vmem>>
      %dma_wait3A_453 = tpu.memref_squeeze %dma_wait3A_452 : memref<1x64xi32, #tpu.memory_space<vmem>> -> memref<64xi32, #tpu.memory_space<vmem>>
      %dma_wait3A_454 = arith.constant 0 : i32
      %dma_wait3A_455 = arith.constant 0 : i32
      %dma_wait3A_456 = tpu.memref_slice %arg5[%dma_wait3A_454, %dma_wait3A_455] : memref<114688x64xf32, #tpu.memory_space<hbm>> -> memref<114688x64xf32, #tpu.memory_space<hbm>>
      tpu.wait_indirect_dma semaphore(%arg13 : memref<!tpu.dma_semaphore, #tpu.memory_space<semaphore_mem>>) src(%dma_wait3A_456 : memref<114688x64xf32, #tpu.memory_space<hbm>>) dst(%dma_wait3A_451 : memref<64x64xf32, #tpu.memory_space<vmem>>)
      %dma_wait3A_457 = arith.constant 13 : i32
      %dma_wait3A_458 = arith.constant 832 : i32
      %dma_wait3A_459 = arith.constant 0 : i32
      %dma_wait3A_460 = tpu.memref_slice %arg8[%dma_wait3A_458, %dma_wait3A_459] : memref<1280x64xf32, #tpu.memory_space<vmem>> -> memref<64x64xf32, #tpu.memory_space<vmem>>
      %dma_wait3A_461 = tpu.memref_slice %arg11[%dma_wait3A_457, %mul3A_10] : memref<20x512xi32, #tpu.memory_space<vmem>> -> memref<1x64xi32, #tpu.memory_space<vmem>>
      %dma_wait3A_462 = tpu.memref_squeeze %dma_wait3A_461 : memref<1x64xi32, #tpu.memory_space<vmem>> -> memref<64xi32, #tpu.memory_space<vmem>>
      %dma_wait3A_463 = arith.constant 0 : i32
      %dma_wait3A_464 = arith.constant 0 : i32
      %dma_wait3A_465 = tpu.memref_slice %arg5[%dma_wait3A_463, %dma_wait3A_464] : memref<114688x64xf32, #tpu.memory_space<hbm>> -> memref<114688x64xf32, #tpu.memory_space<hbm>>
      tpu.wait_indirect_dma semaphore(%arg13 : memref<!tpu.dma_semaphore, #tpu.memory_space<semaphore_mem>>) src(%dma_wait3A_465 : memref<114688x64xf32, #tpu.memory_space<hbm>>) dst(%dma_wait3A_460 : memref<64x64xf32, #tpu.memory_space<vmem>>)
      %dma_wait3A_466 = arith.constant 14 : i32
      %dma_wait3A_467 = arith.constant 896 : i32
      %dma_wait3A_468 = arith.constant 0 : i32
      %dma_wait3A_469 = tpu.memref_slice %arg8[%dma_wait3A_467, %dma_wait3A_468] : memref<1280x64xf32, #tpu.memory_space<vmem>> -> memref<64x64xf32, #tpu.memory_space<vmem>>
      %dma_wait3A_470 = tpu.memref_slice %arg11[%dma_wait3A_466, %mul3A_10] : memref<20x512xi32, #tpu.memory_space<vmem>> -> memref<1x64xi32, #tpu.memory_space<vmem>>
      %dma_wait3A_471 = tpu.memref_squeeze %dma_wait3A_470 : memref<1x64xi32, #tpu.memory_space<vmem>> -> memref<64xi32, #tpu.memory_space<vmem>>
      %dma_wait3A_472 = arith.constant 0 : i32
      %dma_wait3A_473 = arith.constant 0 : i32
      %dma_wait3A_474 = tpu.memref_slice %arg5[%dma_wait3A_472, %dma_wait3A_473] : memref<114688x64xf32, #tpu.memory_space<hbm>> -> memref<114688x64xf32, #tpu.memory_space<hbm>>
      tpu.wait_indirect_dma semaphore(%arg13 : memref<!tpu.dma_semaphore, #tpu.memory_space<semaphore_mem>>) src(%dma_wait3A_474 : memref<114688x64xf32, #tpu.memory_space<hbm>>) dst(%dma_wait3A_469 : memref<64x64xf32, #tpu.memory_space<vmem>>)
      %dma_wait3A_475 = arith.constant 15 : i32
      %dma_wait3A_476 = arith.constant 960 : i32
      %dma_wait3A_477 = arith.constant 0 : i32
      %dma_wait3A_478 = tpu.memref_slice %arg8[%dma_wait3A_476, %dma_wait3A_477] : memref<1280x64xf32, #tpu.memory_space<vmem>> -> memref<64x64xf32, #tpu.memory_space<vmem>>
      %dma_wait3A_479 = tpu.memref_slice %arg11[%dma_wait3A_475, %mul3A_10] : memref<20x512xi32, #tpu.memory_space<vmem>> -> memref<1x64xi32, #tpu.memory_space<vmem>>
      %dma_wait3A_480 = tpu.memref_squeeze %dma_wait3A_479 : memref<1x64xi32, #tpu.memory_space<vmem>> -> memref<64xi32, #tpu.memory_space<vmem>>
      %dma_wait3A_481 = arith.constant 0 : i32
      %dma_wait3A_482 = arith.constant 0 : i32
      %dma_wait3A_483 = tpu.memref_slice %arg5[%dma_wait3A_481, %dma_wait3A_482] : memref<114688x64xf32, #tpu.memory_space<hbm>> -> memref<114688x64xf32, #tpu.memory_space<hbm>>
      tpu.wait_indirect_dma semaphore(%arg13 : memref<!tpu.dma_semaphore, #tpu.memory_space<semaphore_mem>>) src(%dma_wait3A_483 : memref<114688x64xf32, #tpu.memory_space<hbm>>) dst(%dma_wait3A_478 : memref<64x64xf32, #tpu.memory_space<vmem>>)
      %dma_wait3A_484 = arith.constant 16 : i32
      %dma_wait3A_485 = arith.constant 1024 : i32
      %dma_wait3A_486 = arith.constant 0 : i32
      %dma_wait3A_487 = tpu.memref_slice %arg8[%dma_wait3A_485, %dma_wait3A_486] : memref<1280x64xf32, #tpu.memory_space<vmem>> -> memref<64x64xf32, #tpu.memory_space<vmem>>
      %dma_wait3A_488 = tpu.memref_slice %arg11[%dma_wait3A_484, %mul3A_10] : memref<20x512xi32, #tpu.memory_space<vmem>> -> memref<1x64xi32, #tpu.memory_space<vmem>>
      %dma_wait3A_489 = tpu.memref_squeeze %dma_wait3A_488 : memref<1x64xi32, #tpu.memory_space<vmem>> -> memref<64xi32, #tpu.memory_space<vmem>>
      %dma_wait3A_490 = arith.constant 0 : i32
      %dma_wait3A_491 = arith.constant 0 : i32
      %dma_wait3A_492 = tpu.memref_slice %arg5[%dma_wait3A_490, %dma_wait3A_491] : memref<114688x64xf32, #tpu.memory_space<hbm>> -> memref<114688x64xf32, #tpu.memory_space<hbm>>
      tpu.wait_indirect_dma semaphore(%arg13 : memref<!tpu.dma_semaphore, #tpu.memory_space<semaphore_mem>>) src(%dma_wait3A_492 : memref<114688x64xf32, #tpu.memory_space<hbm>>) dst(%dma_wait3A_487 : memref<64x64xf32, #tpu.memory_space<vmem>>)
      %dma_wait3A_493 = arith.constant 17 : i32
      %dma_wait3A_494 = arith.constant 1088 : i32
      %dma_wait3A_495 = arith.constant 0 : i32
      %dma_wait3A_496 = tpu.memref_slice %arg8[%dma_wait3A_494, %dma_wait3A_495] : memref<1280x64xf32, #tpu.memory_space<vmem>> -> memref<64x64xf32, #tpu.memory_space<vmem>>
      %dma_wait3A_497 = tpu.memref_slice %arg11[%dma_wait3A_493, %mul3A_10] : memref<20x512xi32, #tpu.memory_space<vmem>> -> memref<1x64xi32, #tpu.memory_space<vmem>>
      %dma_wait3A_498 = tpu.memref_squeeze %dma_wait3A_497 : memref<1x64xi32, #tpu.memory_space<vmem>> -> memref<64xi32, #tpu.memory_space<vmem>>
      %dma_wait3A_499 = arith.constant 0 : i32
      %dma_wait3A_500 = arith.constant 0 : i32
      %dma_wait3A_501 = tpu.memref_slice %arg5[%dma_wait3A_499, %dma_wait3A_500] : memref<114688x64xf32, #tpu.memory_space<hbm>> -> memref<114688x64xf32, #tpu.memory_space<hbm>>
      tpu.wait_indirect_dma semaphore(%arg13 : memref<!tpu.dma_semaphore, #tpu.memory_space<semaphore_mem>>) src(%dma_wait3A_501 : memref<114688x64xf32, #tpu.memory_space<hbm>>) dst(%dma_wait3A_496 : memref<64x64xf32, #tpu.memory_space<vmem>>)
      %dma_wait3A_502 = arith.constant 18 : i32
      %dma_wait3A_503 = arith.constant 1152 : i32
      %dma_wait3A_504 = arith.constant 0 : i32
      %dma_wait3A_505 = tpu.memref_slice %arg8[%dma_wait3A_503, %dma_wait3A_504] : memref<1280x64xf32, #tpu.memory_space<vmem>> -> memref<64x64xf32, #tpu.memory_space<vmem>>
      %dma_wait3A_506 = tpu.memref_slice %arg11[%dma_wait3A_502, %mul3A_10] : memref<20x512xi32, #tpu.memory_space<vmem>> -> memref<1x64xi32, #tpu.memory_space<vmem>>
      %dma_wait3A_507 = tpu.memref_squeeze %dma_wait3A_506 : memref<1x64xi32, #tpu.memory_space<vmem>> -> memref<64xi32, #tpu.memory_space<vmem>>
      %dma_wait3A_508 = arith.constant 0 : i32
      %dma_wait3A_509 = arith.constant 0 : i32
      %dma_wait3A_510 = tpu.memref_slice %arg5[%dma_wait3A_508, %dma_wait3A_509] : memref<114688x64xf32, #tpu.memory_space<hbm>> -> memref<114688x64xf32, #tpu.memory_space<hbm>>
      tpu.wait_indirect_dma semaphore(%arg13 : memref<!tpu.dma_semaphore, #tpu.memory_space<semaphore_mem>>) src(%dma_wait3A_510 : memref<114688x64xf32, #tpu.memory_space<hbm>>) dst(%dma_wait3A_505 : memref<64x64xf32, #tpu.memory_space<vmem>>)
      %dma_wait3A_511 = arith.constant 19 : i32
      %dma_wait3A_512 = arith.constant 1216 : i32
      %dma_wait3A_513 = arith.constant 0 : i32
      %dma_wait3A_514 = tpu.memref_slice %arg8[%dma_wait3A_512, %dma_wait3A_513] : memref<1280x64xf32, #tpu.memory_space<vmem>> -> memref<64x64xf32, #tpu.memory_space<vmem>>
      %dma_wait3A_515 = tpu.memref_slice %arg11[%dma_wait3A_511, %mul3A_10] : memref<20x512xi32, #tpu.memory_space<vmem>> -> memref<1x64xi32, #tpu.memory_space<vmem>>
      %dma_wait3A_516 = tpu.memref_squeeze %dma_wait3A_515 : memref<1x64xi32, #tpu.memory_space<vmem>> -> memref<64xi32, #tpu.memory_space<vmem>>
      %dma_wait3A_517 = arith.constant 0 : i32
      %dma_wait3A_518 = arith.constant 0 : i32
      %dma_wait3A_519 = tpu.memref_slice %arg5[%dma_wait3A_517, %dma_wait3A_518] : memref<114688x64xf32, #tpu.memory_space<hbm>> -> memref<114688x64xf32, #tpu.memory_space<hbm>>
      tpu.wait_indirect_dma semaphore(%arg13 : memref<!tpu.dma_semaphore, #tpu.memory_space<semaphore_mem>>) src(%dma_wait3A_519 : memref<114688x64xf32, #tpu.memory_space<hbm>>) dst(%dma_wait3A_514 : memref<64x64xf32, #tpu.memory_space<vmem>>)
      %scan3A_520 = arith.constant 0 : i32
      %scan3A_521 = arith.constant 0 : i32
      %scan3A_522 = arith.constant 64 : i32
      %scan3A_523 = arith.addi %scan3A_521, %scan3A_522 : i32
      %scan3A_524 = arith.constant 1 : i32
      scf.for %scan3A_526 = %scan3A_521 to %scan3A_523 step %scan3A_524  : i32 {
        %get3A = arith.index_cast %scan3A_526 : i32 to index
        %get3A_527 = arith.constant 0 : index
        %get3A_528 = tpu.vector_load %arg8[%get3A, %get3A_527] {strides = array<i32>} : memref<1280x64xf32, #tpu.memory_space<vmem>>, vector<1x16xf32>,
        %get3A_529 = vector.shape_cast %get3A_528 : vector<1x16xf32> to vector<16xf32>
        %add3A_530 = arith.constant 64 : i32
        %add3A_531 = arith.addi %add3A_530, %scan3A_526 : i32
        %get3A_532 = arith.index_cast %add3A_531 : i32 to index
        %get3A_533 = arith.constant 0 : index
        %get3A_534 = tpu.vector_load %arg8[%get3A_532, %get3A_533] {strides = array<i32>} : memref<1280x64xf32, #tpu.memory_space<vmem>>, vector<1x16xf32>,
        %get3A_535 = vector.shape_cast %get3A_534 : vector<1x16xf32> to vector<16xf32>
        %add3A_536 = arith.addf %get3A_529, %get3A_535 : vector<16xf32>
        %add3A_537 = arith.constant 128 : i32
        %add3A_538 = arith.addi %add3A_537, %scan3A_526 : i32
        %get3A_539 = arith.index_cast %add3A_538 : i32 to index
        %get3A_540 = arith.constant 0 : index
        %get3A_541 = tpu.vector_load %arg8[%get3A_539, %get3A_540] {strides = array<i32>} : memref<1280x64xf32, #tpu.memory_space<vmem>>, vector<1x16xf32>,
        %get3A_542 = vector.shape_cast %get3A_541 : vector<1x16xf32> to vector<16xf32>
        %add3A_543 = arith.addf %add3A_536, %get3A_542 : vector<16xf32>
        %add3A_544 = arith.constant 192 : i32
        %add3A_545 = arith.addi %add3A_544, %scan3A_526 : i32
        %get3A_546 = arith.index_cast %add3A_545 : i32 to index
        %get3A_547 = arith.constant 0 : index
        %get3A_548 = tpu.vector_load %arg8[%get3A_546, %get3A_547] {strides = array<i32>} : memref<1280x64xf32, #tpu.memory_space<vmem>>, vector<1x16xf32>,
        %get3A_549 = vector.shape_cast %get3A_548 : vector<1x16xf32> to vector<16xf32>
        %add3A_550 = arith.addf %add3A_543, %get3A_549 : vector<16xf32>
        %add3A_551 = arith.constant 256 : i32
        %add3A_552 = arith.addi %add3A_551, %scan3A_526 : i32
        %get3A_553 = arith.index_cast %add3A_552 : i32 to index
        %get3A_554 = arith.constant 0 : index
        %get3A_555 = tpu.vector_load %arg8[%get3A_553, %get3A_554] {strides = array<i32>} : memref<1280x64xf32, #tpu.memory_space<vmem>>, vector<1x16xf32>,
        %get3A_556 = vector.shape_cast %get3A_555 : vector<1x16xf32> to vector<16xf32>
        %add3A_557 = arith.addf %add3A_550, %get3A_556 : vector<16xf32>
        %add3A_558 = arith.constant 320 : i32
        %add3A_559 = arith.addi %add3A_558, %scan3A_526 : i32
        %get3A_560 = arith.index_cast %add3A_559 : i32 to index
        %get3A_561 = arith.constant 0 : index
        %get3A_562 = tpu.vector_load %arg8[%get3A_560, %get3A_561] {strides = array<i32>} : memref<1280x64xf32, #tpu.memory_space<vmem>>, vector<1x16xf32>,
        %get3A_563 = vector.shape_cast %get3A_562 : vector<1x16xf32> to vector<16xf32>
        %add3A_564 = arith.addf %add3A_557, %get3A_563 : vector<16xf32>
        %add3A_565 = arith.constant 384 : i32
        %add3A_566 = arith.addi %add3A_565, %scan3A_526 : i32
        %get3A_567 = arith.index_cast %add3A_566 : i32 to index
        %get3A_568 = arith.constant 0 : index
        %get3A_569 = tpu.vector_load %arg8[%get3A_567, %get3A_568] {strides = array<i32>} : memref<1280x64xf32, #tpu.memory_space<vmem>>, vector<1x16xf32>,
        %get3A_570 = vector.shape_cast %get3A_569 : vector<1x16xf32> to vector<16xf32>
        %add3A_571 = arith.addf %add3A_564, %get3A_570 : vector<16xf32>
        %add3A_572 = arith.constant 448 : i32
        %add3A_573 = arith.addi %add3A_572, %scan3A_526 : i32
        %get3A_574 = arith.index_cast %add3A_573 : i32 to index
        %get3A_575 = arith.constant 0 : index
        %get3A_576 = tpu.vector_load %arg8[%get3A_574, %get3A_575] {strides = array<i32>} : memref<1280x64xf32, #tpu.memory_space<vmem>>, vector<1x16xf32>,
        %get3A_577 = vector.shape_cast %get3A_576 : vector<1x16xf32> to vector<16xf32>
        %add3A_578 = arith.addf %add3A_571, %get3A_577 : vector<16xf32>
        %add3A_579 = arith.constant 512 : i32
        %add3A_580 = arith.addi %add3A_579, %scan3A_526 : i32
        %get3A_581 = arith.index_cast %add3A_580 : i32 to index
        %get3A_582 = arith.constant 0 : index
        %get3A_583 = tpu.vector_load %arg8[%get3A_581, %get3A_582] {strides = array<i32>} : memref<1280x64xf32, #tpu.memory_space<vmem>>, vector<1x16xf32>,
        %get3A_584 = vector.shape_cast %get3A_583 : vector<1x16xf32> to vector<16xf32>
        %add3A_585 = arith.addf %add3A_578, %get3A_584 : vector<16xf32>
        %add3A_586 = arith.constant 576 : i32
        %add3A_587 = arith.addi %add3A_586, %scan3A_526 : i32
        %get3A_588 = arith.index_cast %add3A_587 : i32 to index
        %get3A_589 = arith.constant 0 : index
        %get3A_590 = tpu.vector_load %arg8[%get3A_588, %get3A_589] {strides = array<i32>} : memref<1280x64xf32, #tpu.memory_space<vmem>>, vector<1x16xf32>,
        %get3A_591 = vector.shape_cast %get3A_590 : vector<1x16xf32> to vector<16xf32>
        %add3A_592 = arith.addf %add3A_585, %get3A_591 : vector<16xf32>
        %add3A_593 = arith.constant 640 : i32
        %add3A_594 = arith.addi %add3A_593, %scan3A_526 : i32
        %get3A_595 = arith.index_cast %add3A_594 : i32 to index
        %get3A_596 = arith.constant 0 : index
        %get3A_597 = tpu.vector_load %arg8[%get3A_595, %get3A_596] {strides = array<i32>} : memref<1280x64xf32, #tpu.memory_space<vmem>>, vector<1x16xf32>,
        %get3A_598 = vector.shape_cast %get3A_597 : vector<1x16xf32> to vector<16xf32>
        %add3A_599 = arith.addf %add3A_592, %get3A_598 : vector<16xf32>
        %add3A_600 = arith.constant 704 : i32
        %add3A_601 = arith.addi %add3A_600, %scan3A_526 : i32
        %get3A_602 = arith.index_cast %add3A_601 : i32 to index
        %get3A_603 = arith.constant 0 : index
        %get3A_604 = tpu.vector_load %arg8[%get3A_602, %get3A_603] {strides = array<i32>} : memref<1280x64xf32, #tpu.memory_space<vmem>>, vector<1x16xf32>,
        %get3A_605 = vector.shape_cast %get3A_604 : vector<1x16xf32> to vector<16xf32>
        %add3A_606 = arith.addf %add3A_599, %get3A_605 : vector<16xf32>
        %add3A_607 = arith.constant 768 : i32
        %add3A_608 = arith.addi %add3A_607, %scan3A_526 : i32
        %get3A_609 = arith.index_cast %add3A_608 : i32 to index
        %get3A_610 = arith.constant 0 : index
        %get3A_611 = tpu.vector_load %arg8[%get3A_609, %get3A_610] {strides = array<i32>} : memref<1280x64xf32, #tpu.memory_space<vmem>>, vector<1x16xf32>,
        %get3A_612 = vector.shape_cast %get3A_611 : vector<1x16xf32> to vector<16xf32>
        %add3A_613 = arith.addf %add3A_606, %get3A_612 : vector<16xf32>
        %add3A_614 = arith.constant 832 : i32
        %add3A_615 = arith.addi %add3A_614, %scan3A_526 : i32
        %get3A_616 = arith.index_cast %add3A_615 : i32 to index
        %get3A_617 = arith.constant 0 : index
        %get3A_618 = tpu.vector_load %arg8[%get3A_616, %get3A_617] {strides = array<i32>} : memref<1280x64xf32, #tpu.memory_space<vmem>>, vector<1x16xf32>,
        %get3A_619 = vector.shape_cast %get3A_618 : vector<1x16xf32> to vector<16xf32>
        %add3A_620 = arith.addf %add3A_613, %get3A_619 : vector<16xf32>
        %add3A_621 = arith.constant 896 : i32
        %add3A_622 = arith.addi %add3A_621, %scan3A_526 : i32
        %get3A_623 = arith.index_cast %add3A_622 : i32 to index
        %get3A_624 = arith.constant 0 : index
        %get3A_625 = tpu.vector_load %arg8[%get3A_623, %get3A_624] {strides = array<i32>} : memref<1280x64xf32, #tpu.memory_space<vmem>>, vector<1x16xf32>,
        %get3A_626 = vector.shape_cast %get3A_625 : vector<1x16xf32> to vector<16xf32>
        %add3A_627 = arith.addf %add3A_620, %get3A_626 : vector<16xf32>
        %add3A_628 = arith.constant 960 : i32
        %add3A_629 = arith.addi %add3A_628, %scan3A_526 : i32
        %get3A_630 = arith.index_cast %add3A_629 : i32 to index
        %get3A_631 = arith.constant 0 : index
        %get3A_632 = tpu.vector_load %arg8[%get3A_630, %get3A_631] {strides = array<i32>} : memref<1280x64xf32, #tpu.memory_space<vmem>>, vector<1x16xf32>,
        %get3A_633 = vector.shape_cast %get3A_632 : vector<1x16xf32> to vector<16xf32>
        %add3A_634 = arith.addf %add3A_627, %get3A_633 : vector<16xf32>
        %add3A_635 = arith.constant 1024 : i32
        %add3A_636 = arith.addi %add3A_635, %scan3A_526 : i32
        %get3A_637 = arith.index_cast %add3A_636 : i32 to index
        %get3A_638 = arith.constant 0 : index
        %get3A_639 = tpu.vector_load %arg8[%get3A_637, %get3A_638] {strides = array<i32>} : memref<1280x64xf32, #tpu.memory_space<vmem>>, vector<1x16xf32>,
        %get3A_640 = vector.shape_cast %get3A_639 : vector<1x16xf32> to vector<16xf32>
        %add3A_641 = arith.addf %add3A_634, %get3A_640 : vector<16xf32>
        %add3A_642 = arith.constant 1088 : i32
        %add3A_643 = arith.addi %add3A_642, %scan3A_526 : i32
        %get3A_644 = arith.index_cast %add3A_643 : i32 to index
        %get3A_645 = arith.constant 0 : index
        %get3A_646 = tpu.vector_load %arg8[%get3A_644, %get3A_645] {strides = array<i32>} : memref<1280x64xf32, #tpu.memory_space<vmem>>, vector<1x16xf32>,
        %get3A_647 = vector.shape_cast %get3A_646 : vector<1x16xf32> to vector<16xf32>
        %add3A_648 = arith.addf %add3A_641, %get3A_647 : vector<16xf32>
        %add3A_649 = arith.constant 1152 : i32
        %add3A_650 = arith.addi %add3A_649, %scan3A_526 : i32
        %get3A_651 = arith.index_cast %add3A_650 : i32 to index
        %get3A_652 = arith.constant 0 : index
        %get3A_653 = tpu.vector_load %arg8[%get3A_651, %get3A_652] {strides = array<i32>} : memref<1280x64xf32, #tpu.memory_space<vmem>>, vector<1x16xf32>,
        %get3A_654 = vector.shape_cast %get3A_653 : vector<1x16xf32> to vector<16xf32>
        %add3A_655 = arith.addf %add3A_648, %get3A_654 : vector<16xf32>
        %add3A_656 = arith.constant 1216 : i32
        %add3A_657 = arith.addi %add3A_656, %scan3A_526 : i32
        %get3A_658 = arith.index_cast %add3A_657 : i32 to index
        %get3A_659 = arith.constant 0 : index
        %get3A_660 = tpu.vector_load %arg8[%get3A_658, %get3A_659] {strides = array<i32>} : memref<1280x64xf32, #tpu.memory_space<vmem>>, vector<1x16xf32>,
        %get3A_661 = vector.shape_cast %get3A_660 : vector<1x16xf32> to vector<16xf32>
        %add3A_662 = arith.addf %add3A_655, %get3A_661 : vector<16xf32>
        %swap3A = arith.index_cast %scan3A_526 : i32 to index
        %swap3A_663 = arith.constant 0 : index
        %swap3A_664 = tpu.vector_load %arg10[%swap3A, %swap3A_663] {strides = array<i32>} : memref<64x64xf32, #tpu.memory_space<vmem>>, vector<1x16xf32>,
        %swap3A_665 = vector.shape_cast %swap3A_664 : vector<1x16xf32> to vector<16xf32>
        %swap3A_666 = vector.shape_cast %add3A_662 : vector<16xf32> to vector<1x16xf32>
        tpu.vector_store %arg10[%swap3A, %swap3A_663], %swap3A_666 {strides = array<i32>} : memref<64x64xf32, #tpu.memory_space<vmem>>, vector<1x16xf32>,
        %get3A_667 = arith.index_cast %scan3A_526 : i32 to index
        %get3A_668 = arith.constant 16 : index
        %get3A_669 = tpu.vector_load %arg8[%get3A_667, %get3A_668] {strides = array<i32>} : memref<1280x64xf32, #tpu.memory_space<vmem>>, vector<1x16xf32>,
        %get3A_670 = vector.shape_cast %get3A_669 : vector<1x16xf32> to vector<16xf32>
        %add3A_671 = arith.constant 64 : i32
        %add3A_672 = arith.addi %add3A_671, %scan3A_526 : i32
        %get3A_673 = arith.index_cast %add3A_672 : i32 to index
        %get3A_674 = arith.constant 16 : index
        %get3A_675 = tpu.vector_load %arg8[%get3A_673, %get3A_674] {strides = array<i32>} : memref<1280x64xf32, #tpu.memory_space<vmem>>, vector<1x16xf32>,
        %get3A_676 = vector.shape_cast %get3A_675 : vector<1x16xf32> to vector<16xf32>
        %add3A_677 = arith.addf %get3A_670, %get3A_676 : vector<16xf32>
        %add3A_678 = arith.constant 128 : i32
        %add3A_679 = arith.addi %add3A_678, %scan3A_526 : i32
        %get3A_680 = arith.index_cast %add3A_679 : i32 to index
        %get3A_681 = arith.constant 16 : index
        %get3A_682 = tpu.vector_load %arg8[%get3A_680, %get3A_681] {strides = array<i32>} : memref<1280x64xf32, #tpu.memory_space<vmem>>, vector<1x16xf32>,
        %get3A_683 = vector.shape_cast %get3A_682 : vector<1x16xf32> to vector<16xf32>
        %add3A_684 = arith.addf %add3A_677, %get3A_683 : vector<16xf32>
        %add3A_685 = arith.constant 192 : i32
        %add3A_686 = arith.addi %add3A_685, %scan3A_526 : i32
        %get3A_687 = arith.index_cast %add3A_686 : i32 to index
        %get3A_688 = arith.constant 16 : index
        %get3A_689 = tpu.vector_load %arg8[%get3A_687, %get3A_688] {strides = array<i32>} : memref<1280x64xf32, #tpu.memory_space<vmem>>, vector<1x16xf32>,
        %get3A_690 = vector.shape_cast %get3A_689 : vector<1x16xf32> to vector<16xf32>
        %add3A_691 = arith.addf %add3A_684, %get3A_690 : vector<16xf32>
        %add3A_692 = arith.constant 256 : i32
        %add3A_693 = arith.addi %add3A_692, %scan3A_526 : i32
        %get3A_694 = arith.index_cast %add3A_693 : i32 to index
        %get3A_695 = arith.constant 16 : index
        %get3A_696 = tpu.vector_load %arg8[%get3A_694, %get3A_695] {strides = array<i32>} : memref<1280x64xf32, #tpu.memory_space<vmem>>, vector<1x16xf32>,
        %get3A_697 = vector.shape_cast %get3A_696 : vector<1x16xf32> to vector<16xf32>
        %add3A_698 = arith.addf %add3A_691, %get3A_697 : vector<16xf32>
        %add3A_699 = arith.constant 320 : i32
        %add3A_700 = arith.addi %add3A_699, %scan3A_526 : i32
        %get3A_701 = arith.index_cast %add3A_700 : i32 to index
        %get3A_702 = arith.constant 16 : index
        %get3A_703 = tpu.vector_load %arg8[%get3A_701, %get3A_702] {strides = array<i32>} : memref<1280x64xf32, #tpu.memory_space<vmem>>, vector<1x16xf32>,
        %get3A_704 = vector.shape_cast %get3A_703 : vector<1x16xf32> to vector<16xf32>
        %add3A_705 = arith.addf %add3A_698, %get3A_704 : vector<16xf32>
        %add3A_706 = arith.constant 384 : i32
        %add3A_707 = arith.addi %add3A_706, %scan3A_526 : i32
        %get3A_708 = arith.index_cast %add3A_707 : i32 to index
        %get3A_709 = arith.constant 16 : index
        %get3A_710 = tpu.vector_load %arg8[%get3A_708, %get3A_709] {strides = array<i32>} : memref<1280x64xf32, #tpu.memory_space<vmem>>, vector<1x16xf32>,
        %get3A_711 = vector.shape_cast %get3A_710 : vector<1x16xf32> to vector<16xf32>
        %add3A_712 = arith.addf %add3A_705, %get3A_711 : vector<16xf32>
        %add3A_713 = arith.constant 448 : i32
        %add3A_714 = arith.addi %add3A_713, %scan3A_526 : i32
        %get3A_715 = arith.index_cast %add3A_714 : i32 to index
        %get3A_716 = arith.constant 16 : index
        %get3A_717 = tpu.vector_load %arg8[%get3A_715, %get3A_716] {strides = array<i32>} : memref<1280x64xf32, #tpu.memory_space<vmem>>, vector<1x16xf32>,
        %get3A_718 = vector.shape_cast %get3A_717 : vector<1x16xf32> to vector<16xf32>
        %add3A_719 = arith.addf %add3A_712, %get3A_718 : vector<16xf32>
        %add3A_720 = arith.constant 512 : i32
        %add3A_721 = arith.addi %add3A_720, %scan3A_526 : i32
        %get3A_722 = arith.index_cast %add3A_721 : i32 to index
        %get3A_723 = arith.constant 16 : index
        %get3A_724 = tpu.vector_load %arg8[%get3A_722, %get3A_723] {strides = array<i32>} : memref<1280x64xf32, #tpu.memory_space<vmem>>, vector<1x16xf32>,
        %get3A_725 = vector.shape_cast %get3A_724 : vector<1x16xf32> to vector<16xf32>
        %add3A_726 = arith.addf %add3A_719, %get3A_725 : vector<16xf32>
        %add3A_727 = arith.constant 576 : i32
        %add3A_728 = arith.addi %add3A_727, %scan3A_526 : i32
        %get3A_729 = arith.index_cast %add3A_728 : i32 to index
        %get3A_730 = arith.constant 16 : index
        %get3A_731 = tpu.vector_load %arg8[%get3A_729, %get3A_730] {strides = array<i32>} : memref<1280x64xf32, #tpu.memory_space<vmem>>, vector<1x16xf32>,
        %get3A_732 = vector.shape_cast %get3A_731 : vector<1x16xf32> to vector<16xf32>
        %add3A_733 = arith.addf %add3A_726, %get3A_732 : vector<16xf32>
        %add3A_734 = arith.constant 640 : i32
        %add3A_735 = arith.addi %add3A_734, %scan3A_526 : i32
        %get3A_736 = arith.index_cast %add3A_735 : i32 to index
        %get3A_737 = arith.constant 16 : index
        %get3A_738 = tpu.vector_load %arg8[%get3A_736, %get3A_737] {strides = array<i32>} : memref<1280x64xf32, #tpu.memory_space<vmem>>, vector<1x16xf32>,
        %get3A_739 = vector.shape_cast %get3A_738 : vector<1x16xf32> to vector<16xf32>
        %add3A_740 = arith.addf %add3A_733, %get3A_739 : vector<16xf32>
        %add3A_741 = arith.constant 704 : i32
        %add3A_742 = arith.addi %add3A_741, %scan3A_526 : i32
        %get3A_743 = arith.index_cast %add3A_742 : i32 to index
        %get3A_744 = arith.constant 16 : index
        %get3A_745 = tpu.vector_load %arg8[%get3A_743, %get3A_744] {strides = array<i32>} : memref<1280x64xf32, #tpu.memory_space<vmem>>, vector<1x16xf32>,
        %get3A_746 = vector.shape_cast %get3A_745 : vector<1x16xf32> to vector<16xf32>
        %add3A_747 = arith.addf %add3A_740, %get3A_746 : vector<16xf32>
        %add3A_748 = arith.constant 768 : i32
        %add3A_749 = arith.addi %add3A_748, %scan3A_526 : i32
        %get3A_750 = arith.index_cast %add3A_749 : i32 to index
        %get3A_751 = arith.constant 16 : index
        %get3A_752 = tpu.vector_load %arg8[%get3A_750, %get3A_751] {strides = array<i32>} : memref<1280x64xf32, #tpu.memory_space<vmem>>, vector<1x16xf32>,
        %get3A_753 = vector.shape_cast %get3A_752 : vector<1x16xf32> to vector<16xf32>
        %add3A_754 = arith.addf %add3A_747, %get3A_753 : vector<16xf32>
        %add3A_755 = arith.constant 832 : i32
        %add3A_756 = arith.addi %add3A_755, %scan3A_526 : i32
        %get3A_757 = arith.index_cast %add3A_756 : i32 to index
        %get3A_758 = arith.constant 16 : index
        %get3A_759 = tpu.vector_load %arg8[%get3A_757, %get3A_758] {strides = array<i32>} : memref<1280x64xf32, #tpu.memory_space<vmem>>, vector<1x16xf32>,
        %get3A_760 = vector.shape_cast %get3A_759 : vector<1x16xf32> to vector<16xf32>
        %add3A_761 = arith.addf %add3A_754, %get3A_760 : vector<16xf32>
        %add3A_762 = arith.constant 896 : i32
        %add3A_763 = arith.addi %add3A_762, %scan3A_526 : i32
        %get3A_764 = arith.index_cast %add3A_763 : i32 to index
        %get3A_765 = arith.constant 16 : index
        %get3A_766 = tpu.vector_load %arg8[%get3A_764, %get3A_765] {strides = array<i32>} : memref<1280x64xf32, #tpu.memory_space<vmem>>, vector<1x16xf32>,
        %get3A_767 = vector.shape_cast %get3A_766 : vector<1x16xf32> to vector<16xf32>
        %add3A_768 = arith.addf %add3A_761, %get3A_767 : vector<16xf32>
        %add3A_769 = arith.constant 960 : i32
        %add3A_770 = arith.addi %add3A_769, %scan3A_526 : i32
        %get3A_771 = arith.index_cast %add3A_770 : i32 to index
        %get3A_772 = arith.constant 16 : index
        %get3A_773 = tpu.vector_load %arg8[%get3A_771, %get3A_772] {strides = array<i32>} : memref<1280x64xf32, #tpu.memory_space<vmem>>, vector<1x16xf32>,
        %get3A_774 = vector.shape_cast %get3A_773 : vector<1x16xf32> to vector<16xf32>
        %add3A_775 = arith.addf %add3A_768, %get3A_774 : vector<16xf32>
        %add3A_776 = arith.constant 1024 : i32
        %add3A_777 = arith.addi %add3A_776, %scan3A_526 : i32
        %get3A_778 = arith.index_cast %add3A_777 : i32 to index
        %get3A_779 = arith.constant 16 : index
        %get3A_780 = tpu.vector_load %arg8[%get3A_778, %get3A_779] {strides = array<i32>} : memref<1280x64xf32, #tpu.memory_space<vmem>>, vector<1x16xf32>,
        %get3A_781 = vector.shape_cast %get3A_780 : vector<1x16xf32> to vector<16xf32>
        %add3A_782 = arith.addf %add3A_775, %get3A_781 : vector<16xf32>
        %add3A_783 = arith.constant 1088 : i32
        %add3A_784 = arith.addi %add3A_783, %scan3A_526 : i32
        %get3A_785 = arith.index_cast %add3A_784 : i32 to index
        %get3A_786 = arith.constant 16 : index
        %get3A_787 = tpu.vector_load %arg8[%get3A_785, %get3A_786] {strides = array<i32>} : memref<1280x64xf32, #tpu.memory_space<vmem>>, vector<1x16xf32>,
        %get3A_788 = vector.shape_cast %get3A_787 : vector<1x16xf32> to vector<16xf32>
        %add3A_789 = arith.addf %add3A_782, %get3A_788 : vector<16xf32>
        %add3A_790 = arith.constant 1152 : i32
        %add3A_791 = arith.addi %add3A_790, %scan3A_526 : i32
        %get3A_792 = arith.index_cast %add3A_791 : i32 to index
        %get3A_793 = arith.constant 16 : index
        %get3A_794 = tpu.vector_load %arg8[%get3A_792, %get3A_793] {strides = array<i32>} : memref<1280x64xf32, #tpu.memory_space<vmem>>, vector<1x16xf32>,
        %get3A_795 = vector.shape_cast %get3A_794 : vector<1x16xf32> to vector<16xf32>
        %add3A_796 = arith.addf %add3A_789, %get3A_795 : vector<16xf32>
        %add3A_797 = arith.constant 1216 : i32
        %add3A_798 = arith.addi %add3A_797, %scan3A_526 : i32
        %get3A_799 = arith.index_cast %add3A_798 : i32 to index
        %get3A_800 = arith.constant 16 : index
        %get3A_801 = tpu.vector_load %arg8[%get3A_799, %get3A_800] {strides = array<i32>} : memref<1280x64xf32, #tpu.memory_space<vmem>>, vector<1x16xf32>,
        %get3A_802 = vector.shape_cast %get3A_801 : vector<1x16xf32> to vector<16xf32>
        %add3A_803 = arith.addf %add3A_796, %get3A_802 : vector<16xf32>
        %swap3A_804 = arith.index_cast %scan3A_526 : i32 to index
        %swap3A_805 = arith.constant 16 : index
        %swap3A_806 = tpu.vector_load %arg10[%swap3A_804, %swap3A_805] {strides = array<i32>} : memref<64x64xf32, #tpu.memory_space<vmem>>, vector<1x16xf32>,
        %swap3A_807 = vector.shape_cast %swap3A_806 : vector<1x16xf32> to vector<16xf32>
        %swap3A_808 = vector.shape_cast %add3A_803 : vector<16xf32> to vector<1x16xf32>
        tpu.vector_store %arg10[%swap3A_804, %swap3A_805], %swap3A_808 {strides = array<i32>} : memref<64x64xf32, #tpu.memory_space<vmem>>, vector<1x16xf32>,
        %get3A_809 = arith.index_cast %scan3A_526 : i32 to index
        %get3A_810 = arith.constant 32 : index
        %get3A_811 = tpu.vector_load %arg8[%get3A_809, %get3A_810] {strides = array<i32>} : memref<1280x64xf32, #tpu.memory_space<vmem>>, vector<1x16xf32>,
        %get3A_812 = vector.shape_cast %get3A_811 : vector<1x16xf32> to vector<16xf32>
        %add3A_813 = arith.constant 64 : i32
        %add3A_814 = arith.addi %add3A_813, %scan3A_526 : i32
        %get3A_815 = arith.index_cast %add3A_814 : i32 to index
        %get3A_816 = arith.constant 32 : index
        %get3A_817 = tpu.vector_load %arg8[%get3A_815, %get3A_816] {strides = array<i32>} : memref<1280x64xf32, #tpu.memory_space<vmem>>, vector<1x16xf32>,
        %get3A_818 = vector.shape_cast %get3A_817 : vector<1x16xf32> to vector<16xf32>
        %add3A_819 = arith.addf %get3A_812, %get3A_818 : vector<16xf32>
        %add3A_820 = arith.constant 128 : i32
        %add3A_821 = arith.addi %add3A_820, %scan3A_526 : i32
        %get3A_822 = arith.index_cast %add3A_821 : i32 to index
        %get3A_823 = arith.constant 32 : index
        %get3A_824 = tpu.vector_load %arg8[%get3A_822, %get3A_823] {strides = array<i32>} : memref<1280x64xf32, #tpu.memory_space<vmem>>, vector<1x16xf32>,
        %get3A_825 = vector.shape_cast %get3A_824 : vector<1x16xf32> to vector<16xf32>
        %add3A_826 = arith.addf %add3A_819, %get3A_825 : vector<16xf32>
        %add3A_827 = arith.constant 192 : i32
        %add3A_828 = arith.addi %add3A_827, %scan3A_526 : i32
        %get3A_829 = arith.index_cast %add3A_828 : i32 to index
        %get3A_830 = arith.constant 32 : index
        %get3A_831 = tpu.vector_load %arg8[%get3A_829, %get3A_830] {strides = array<i32>} : memref<1280x64xf32, #tpu.memory_space<vmem>>, vector<1x16xf32>,
        %get3A_832 = vector.shape_cast %get3A_831 : vector<1x16xf32> to vector<16xf32>
        %add3A_833 = arith.addf %add3A_826, %get3A_832 : vector<16xf32>
        %add3A_834 = arith.constant 256 : i32
        %add3A_835 = arith.addi %add3A_834, %scan3A_526 : i32
        %get3A_836 = arith.index_cast %add3A_835 : i32 to index
        %get3A_837 = arith.constant 32 : index
        %get3A_838 = tpu.vector_load %arg8[%get3A_836, %get3A_837] {strides = array<i32>} : memref<1280x64xf32, #tpu.memory_space<vmem>>, vector<1x16xf32>,
        %get3A_839 = vector.shape_cast %get3A_838 : vector<1x16xf32> to vector<16xf32>
        %add3A_840 = arith.addf %add3A_833, %get3A_839 : vector<16xf32>
        %add3A_841 = arith.constant 320 : i32
        %add3A_842 = arith.addi %add3A_841, %scan3A_526 : i32
        %get3A_843 = arith.index_cast %add3A_842 : i32 to index
        %get3A_844 = arith.constant 32 : index
        %get3A_845 = tpu.vector_load %arg8[%get3A_843, %get3A_844] {strides = array<i32>} : memref<1280x64xf32, #tpu.memory_space<vmem>>, vector<1x16xf32>,
        %get3A_846 = vector.shape_cast %get3A_845 : vector<1x16xf32> to vector<16xf32>
        %add3A_847 = arith.addf %add3A_840, %get3A_846 : vector<16xf32>
        %add3A_848 = arith.constant 384 : i32
        %add3A_849 = arith.addi %add3A_848, %scan3A_526 : i32
        %get3A_850 = arith.index_cast %add3A_849 : i32 to index
        %get3A_851 = arith.constant 32 : index
        %get3A_852 = tpu.vector_load %arg8[%get3A_850, %get3A_851] {strides = array<i32>} : memref<1280x64xf32, #tpu.memory_space<vmem>>, vector<1x16xf32>,
        %get3A_853 = vector.shape_cast %get3A_852 : vector<1x16xf32> to vector<16xf32>
        %add3A_854 = arith.addf %add3A_847, %get3A_853 : vector<16xf32>
        %add3A_855 = arith.constant 448 : i32
        %add3A_856 = arith.addi %add3A_855, %scan3A_526 : i32
        %get3A_857 = arith.index_cast %add3A_856 : i32 to index
        %get3A_858 = arith.constant 32 : index
        %get3A_859 = tpu.vector_load %arg8[%get3A_857, %get3A_858] {strides = array<i32>} : memref<1280x64xf32, #tpu.memory_space<vmem>>, vector<1x16xf32>,
        %get3A_860 = vector.shape_cast %get3A_859 : vector<1x16xf32> to vector<16xf32>
        %add3A_861 = arith.addf %add3A_854, %get3A_860 : vector<16xf32>
        %add3A_862 = arith.constant 512 : i32
        %add3A_863 = arith.addi %add3A_862, %scan3A_526 : i32
        %get3A_864 = arith.index_cast %add3A_863 : i32 to index
        %get3A_865 = arith.constant 32 : index
        %get3A_866 = tpu.vector_load %arg8[%get3A_864, %get3A_865] {strides = array<i32>} : memref<1280x64xf32, #tpu.memory_space<vmem>>, vector<1x16xf32>,
        %get3A_867 = vector.shape_cast %get3A_866 : vector<1x16xf32> to vector<16xf32>
        %add3A_868 = arith.addf %add3A_861, %get3A_867 : vector<16xf32>
        %add3A_869 = arith.constant 576 : i32
        %add3A_870 = arith.addi %add3A_869, %scan3A_526 : i32
        %get3A_871 = arith.index_cast %add3A_870 : i32 to index
        %get3A_872 = arith.constant 32 : index
        %get3A_873 = tpu.vector_load %arg8[%get3A_871, %get3A_872] {strides = array<i32>} : memref<1280x64xf32, #tpu.memory_space<vmem>>, vector<1x16xf32>,
        %get3A_874 = vector.shape_cast %get3A_873 : vector<1x16xf32> to vector<16xf32>
        %add3A_875 = arith.addf %add3A_868, %get3A_874 : vector<16xf32>
        %add3A_876 = arith.constant 640 : i32
        %add3A_877 = arith.addi %add3A_876, %scan3A_526 : i32
        %get3A_878 = arith.index_cast %add3A_877 : i32 to index
        %get3A_879 = arith.constant 32 : index
        %get3A_880 = tpu.vector_load %arg8[%get3A_878, %get3A_879] {strides = array<i32>} : memref<1280x64xf32, #tpu.memory_space<vmem>>, vector<1x16xf32>,
        %get3A_881 = vector.shape_cast %get3A_880 : vector<1x16xf32> to vector<16xf32>
        %add3A_882 = arith.addf %add3A_875, %get3A_881 : vector<16xf32>
        %add3A_883 = arith.constant 704 : i32
        %add3A_884 = arith.addi %add3A_883, %scan3A_526 : i32
        %get3A_885 = arith.index_cast %add3A_884 : i32 to index
        %get3A_886 = arith.constant 32 : index
        %get3A_887 = tpu.vector_load %arg8[%get3A_885, %get3A_886] {strides = array<i32>} : memref<1280x64xf32, #tpu.memory_space<vmem>>, vector<1x16xf32>,
        %get3A_888 = vector.shape_cast %get3A_887 : vector<1x16xf32> to vector<16xf32>
        %add3A_889 = arith.addf %add3A_882, %get3A_888 : vector<16xf32>
        %add3A_890 = arith.constant 768 : i32
        %add3A_891 = arith.addi %add3A_890, %scan3A_526 : i32
        %get3A_892 = arith.index_cast %add3A_891 : i32 to index
        %get3A_893 = arith.constant 32 : index
        %get3A_894 = tpu.vector_load %arg8[%get3A_892, %get3A_893] {strides = array<i32>} : memref<1280x64xf32, #tpu.memory_space<vmem>>, vector<1x16xf32>,
        %get3A_895 = vector.shape_cast %get3A_894 : vector<1x16xf32> to vector<16xf32>
        %add3A_896 = arith.addf %add3A_889, %get3A_895 : vector<16xf32>
        %add3A_897 = arith.constant 832 : i32
        %add3A_898 = arith.addi %add3A_897, %scan3A_526 : i32
        %get3A_899 = arith.index_cast %add3A_898 : i32 to index
        %get3A_900 = arith.constant 32 : index
        %get3A_901 = tpu.vector_load %arg8[%get3A_899, %get3A_900] {strides = array<i32>} : memref<1280x64xf32, #tpu.memory_space<vmem>>, vector<1x16xf32>,
        %get3A_902 = vector.shape_cast %get3A_901 : vector<1x16xf32> to vector<16xf32>
        %add3A_903 = arith.addf %add3A_896, %get3A_902 : vector<16xf32>
        %add3A_904 = arith.constant 896 : i32
        %add3A_905 = arith.addi %add3A_904, %scan3A_526 : i32
        %get3A_906 = arith.index_cast %add3A_905 : i32 to index
        %get3A_907 = arith.constant 32 : index
        %get3A_908 = tpu.vector_load %arg8[%get3A_906, %get3A_907] {strides = array<i32>} : memref<1280x64xf32, #tpu.memory_space<vmem>>, vector<1x16xf32>,
        %get3A_909 = vector.shape_cast %get3A_908 : vector<1x16xf32> to vector<16xf32>
        %add3A_910 = arith.addf %add3A_903, %get3A_909 : vector<16xf32>
        %add3A_911 = arith.constant 960 : i32
        %add3A_912 = arith.addi %add3A_911, %scan3A_526 : i32
        %get3A_913 = arith.index_cast %add3A_912 : i32 to index
        %get3A_914 = arith.constant 32 : index
        %get3A_915 = tpu.vector_load %arg8[%get3A_913, %get3A_914] {strides = array<i32>} : memref<1280x64xf32, #tpu.memory_space<vmem>>, vector<1x16xf32>,
        %get3A_916 = vector.shape_cast %get3A_915 : vector<1x16xf32> to vector<16xf32>
        %add3A_917 = arith.addf %add3A_910, %get3A_916 : vector<16xf32>
        %add3A_918 = arith.constant 1024 : i32
        %add3A_919 = arith.addi %add3A_918, %scan3A_526 : i32
        %get3A_920 = arith.index_cast %add3A_919 : i32 to index
        %get3A_921 = arith.constant 32 : index
        %get3A_922 = tpu.vector_load %arg8[%get3A_920, %get3A_921] {strides = array<i32>} : memref<1280x64xf32, #tpu.memory_space<vmem>>, vector<1x16xf32>,
        %get3A_923 = vector.shape_cast %get3A_922 : vector<1x16xf32> to vector<16xf32>
        %add3A_924 = arith.addf %add3A_917, %get3A_923 : vector<16xf32>
        %add3A_925 = arith.constant 1088 : i32
        %add3A_926 = arith.addi %add3A_925, %scan3A_526 : i32
        %get3A_927 = arith.index_cast %add3A_926 : i32 to index
        %get3A_928 = arith.constant 32 : index
        %get3A_929 = tpu.vector_load %arg8[%get3A_927, %get3A_928] {strides = array<i32>} : memref<1280x64xf32, #tpu.memory_space<vmem>>, vector<1x16xf32>,
        %get3A_930 = vector.shape_cast %get3A_929 : vector<1x16xf32> to vector<16xf32>
        %add3A_931 = arith.addf %add3A_924, %get3A_930 : vector<16xf32>
        %add3A_932 = arith.constant 1152 : i32
        %add3A_933 = arith.addi %add3A_932, %scan3A_526 : i32
        %get3A_934 = arith.index_cast %add3A_933 : i32 to index
        %get3A_935 = arith.constant 32 : index
        %get3A_936 = tpu.vector_load %arg8[%get3A_934, %get3A_935] {strides = array<i32>} : memref<1280x64xf32, #tpu.memory_space<vmem>>, vector<1x16xf32>,
        %get3A_937 = vector.shape_cast %get3A_936 : vector<1x16xf32> to vector<16xf32>
        %add3A_938 = arith.addf %add3A_931, %get3A_937 : vector<16xf32>
        %add3A_939 = arith.constant 1216 : i32
        %add3A_940 = arith.addi %add3A_939, %scan3A_526 : i32
        %get3A_941 = arith.index_cast %add3A_940 : i32 to index
        %get3A_942 = arith.constant 32 : index
        %get3A_943 = tpu.vector_load %arg8[%get3A_941, %get3A_942] {strides = array<i32>} : memref<1280x64xf32, #tpu.memory_space<vmem>>, vector<1x16xf32>,
        %get3A_944 = vector.shape_cast %get3A_943 : vector<1x16xf32> to vector<16xf32>
        %add3A_945 = arith.addf %add3A_938, %get3A_944 : vector<16xf32>
        %swap3A_946 = arith.index_cast %scan3A_526 : i32 to index
        %swap3A_947 = arith.constant 32 : index
        %swap3A_948 = tpu.vector_load %arg10[%swap3A_946, %swap3A_947] {strides = array<i32>} : memref<64x64xf32, #tpu.memory_space<vmem>>, vector<1x16xf32>,
        %swap3A_949 = vector.shape_cast %swap3A_948 : vector<1x16xf32> to vector<16xf32>
        %swap3A_950 = vector.shape_cast %add3A_945 : vector<16xf32> to vector<1x16xf32>
        tpu.vector_store %arg10[%swap3A_946, %swap3A_947], %swap3A_950 {strides = array<i32>} : memref<64x64xf32, #tpu.memory_space<vmem>>, vector<1x16xf32>,
        %get3A_951 = arith.index_cast %scan3A_526 : i32 to index
        %get3A_952 = arith.constant 48 : index
        %get3A_953 = tpu.vector_load %arg8[%get3A_951, %get3A_952] {strides = array<i32>} : memref<1280x64xf32, #tpu.memory_space<vmem>>, vector<1x16xf32>,
        %get3A_954 = vector.shape_cast %get3A_953 : vector<1x16xf32> to vector<16xf32>
        %add3A_955 = arith.constant 64 : i32
        %add3A_956 = arith.addi %add3A_955, %scan3A_526 : i32
        %get3A_957 = arith.index_cast %add3A_956 : i32 to index
        %get3A_958 = arith.constant 48 : index
        %get3A_959 = tpu.vector_load %arg8[%get3A_957, %get3A_958] {strides = array<i32>} : memref<1280x64xf32, #tpu.memory_space<vmem>>, vector<1x16xf32>,
        %get3A_960 = vector.shape_cast %get3A_959 : vector<1x16xf32> to vector<16xf32>
        %add3A_961 = arith.addf %get3A_954, %get3A_960 : vector<16xf32>
        %add3A_962 = arith.constant 128 : i32
        %add3A_963 = arith.addi %add3A_962, %scan3A_526 : i32
        %get3A_964 = arith.index_cast %add3A_963 : i32 to index
        %get3A_965 = arith.constant 48 : index
        %get3A_966 = tpu.vector_load %arg8[%get3A_964, %get3A_965] {strides = array<i32>} : memref<1280x64xf32, #tpu.memory_space<vmem>>, vector<1x16xf32>,
        %get3A_967 = vector.shape_cast %get3A_966 : vector<1x16xf32> to vector<16xf32>
        %add3A_968 = arith.addf %add3A_961, %get3A_967 : vector<16xf32>
        %add3A_969 = arith.constant 192 : i32
        %add3A_970 = arith.addi %add3A_969, %scan3A_526 : i32
        %get3A_971 = arith.index_cast %add3A_970 : i32 to index
        %get3A_972 = arith.constant 48 : index
        %get3A_973 = tpu.vector_load %arg8[%get3A_971, %get3A_972] {strides = array<i32>} : memref<1280x64xf32, #tpu.memory_space<vmem>>, vector<1x16xf32>,
        %get3A_974 = vector.shape_cast %get3A_973 : vector<1x16xf32> to vector<16xf32>
        %add3A_975 = arith.addf %add3A_968, %get3A_974 : vector<16xf32>
        %add3A_976 = arith.constant 256 : i32
        %add3A_977 = arith.addi %add3A_976, %scan3A_526 : i32
        %get3A_978 = arith.index_cast %add3A_977 : i32 to index
        %get3A_979 = arith.constant 48 : index
        %get3A_980 = tpu.vector_load %arg8[%get3A_978, %get3A_979] {strides = array<i32>} : memref<1280x64xf32, #tpu.memory_space<vmem>>, vector<1x16xf32>,
        %get3A_981 = vector.shape_cast %get3A_980 : vector<1x16xf32> to vector<16xf32>
        %add3A_982 = arith.addf %add3A_975, %get3A_981 : vector<16xf32>
        %add3A_983 = arith.constant 320 : i32
        %add3A_984 = arith.addi %add3A_983, %scan3A_526 : i32
        %get3A_985 = arith.index_cast %add3A_984 : i32 to index
        %get3A_986 = arith.constant 48 : index
        %get3A_987 = tpu.vector_load %arg8[%get3A_985, %get3A_986] {strides = array<i32>} : memref<1280x64xf32, #tpu.memory_space<vmem>>, vector<1x16xf32>,
        %get3A_988 = vector.shape_cast %get3A_987 : vector<1x16xf32> to vector<16xf32>
        %add3A_989 = arith.addf %add3A_982, %get3A_988 : vector<16xf32>
        %add3A_990 = arith.constant 384 : i32
        %add3A_991 = arith.addi %add3A_990, %scan3A_526 : i32
        %get3A_992 = arith.index_cast %add3A_991 : i32 to index
        %get3A_993 = arith.constant 48 : index
        %get3A_994 = tpu.vector_load %arg8[%get3A_992, %get3A_993] {strides = array<i32>} : memref<1280x64xf32, #tpu.memory_space<vmem>>, vector<1x16xf32>,
        %get3A_995 = vector.shape_cast %get3A_994 : vector<1x16xf32> to vector<16xf32>
        %add3A_996 = arith.addf %add3A_989, %get3A_995 : vector<16xf32>
        %add3A_997 = arith.constant 448 : i32
        %add3A_998 = arith.addi %add3A_997, %scan3A_526 : i32
        %get3A_999 = arith.index_cast %add3A_998 : i32 to index
        %get3A_1000 = arith.constant 48 : index
        %get3A_1001 = tpu.vector_load %arg8[%get3A_999, %get3A_1000] {strides = array<i32>} : memref<1280x64xf32, #tpu.memory_space<vmem>>, vector<1x16xf32>,
        %get3A_1002 = vector.shape_cast %get3A_1001 : vector<1x16xf32> to vector<16xf32>
        %add3A_1003 = arith.addf %add3A_996, %get3A_1002 : vector<16xf32>
        %add3A_1004 = arith.constant 512 : i32
        %add3A_1005 = arith.addi %add3A_1004, %scan3A_526 : i32
        %get3A_1006 = arith.index_cast %add3A_1005 : i32 to index
        %get3A_1007 = arith.constant 48 : index
        %get3A_1008 = tpu.vector_load %arg8[%get3A_1006, %get3A_1007] {strides = array<i32>} : memref<1280x64xf32, #tpu.memory_space<vmem>>, vector<1x16xf32>,
        %get3A_1009 = vector.shape_cast %get3A_1008 : vector<1x16xf32> to vector<16xf32>
        %add3A_1010 = arith.addf %add3A_1003, %get3A_1009 : vector<16xf32>
        %add3A_1011 = arith.constant 576 : i32
        %add3A_1012 = arith.addi %add3A_1011, %scan3A_526 : i32
        %get3A_1013 = arith.index_cast %add3A_1012 : i32 to index
        %get3A_1014 = arith.constant 48 : index
        %get3A_1015 = tpu.vector_load %arg8[%get3A_1013, %get3A_1014] {strides = array<i32>} : memref<1280x64xf32, #tpu.memory_space<vmem>>, vector<1x16xf32>,
        %get3A_1016 = vector.shape_cast %get3A_1015 : vector<1x16xf32> to vector<16xf32>
        %add3A_1017 = arith.addf %add3A_1010, %get3A_1016 : vector<16xf32>
        %add3A_1018 = arith.constant 640 : i32
        %add3A_1019 = arith.addi %add3A_1018, %scan3A_526 : i32
        %get3A_1020 = arith.index_cast %add3A_1019 : i32 to index
        %get3A_1021 = arith.constant 48 : index
        %get3A_1022 = tpu.vector_load %arg8[%get3A_1020, %get3A_1021] {strides = array<i32>} : memref<1280x64xf32, #tpu.memory_space<vmem>>, vector<1x16xf32>,
        %get3A_1023 = vector.shape_cast %get3A_1022 : vector<1x16xf32> to vector<16xf32>
        %add3A_1024 = arith.addf %add3A_1017, %get3A_1023 : vector<16xf32>
        %add3A_1025 = arith.constant 704 : i32
        %add3A_1026 = arith.addi %add3A_1025, %scan3A_526 : i32
        %get3A_1027 = arith.index_cast %add3A_1026 : i32 to index
        %get3A_1028 = arith.constant 48 : index
        %get3A_1029 = tpu.vector_load %arg8[%get3A_1027, %get3A_1028] {strides = array<i32>} : memref<1280x64xf32, #tpu.memory_space<vmem>>, vector<1x16xf32>,
        %get3A_1030 = vector.shape_cast %get3A_1029 : vector<1x16xf32> to vector<16xf32>
        %add3A_1031 = arith.addf %add3A_1024, %get3A_1030 : vector<16xf32>
        %add3A_1032 = arith.constant 768 : i32
        %add3A_1033 = arith.addi %add3A_1032, %scan3A_526 : i32
        %get3A_1034 = arith.index_cast %add3A_1033 : i32 to index
        %get3A_1035 = arith.constant 48 : index
        %get3A_1036 = tpu.vector_load %arg8[%get3A_1034, %get3A_1035] {strides = array<i32>} : memref<1280x64xf32, #tpu.memory_space<vmem>>, vector<1x16xf32>,
        %get3A_1037 = vector.shape_cast %get3A_1036 : vector<1x16xf32> to vector<16xf32>
        %add3A_1038 = arith.addf %add3A_1031, %get3A_1037 : vector<16xf32>
        %add3A_1039 = arith.constant 832 : i32
        %add3A_1040 = arith.addi %add3A_1039, %scan3A_526 : i32
        %get3A_1041 = arith.index_cast %add3A_1040 : i32 to index
        %get3A_1042 = arith.constant 48 : index
        %get3A_1043 = tpu.vector_load %arg8[%get3A_1041, %get3A_1042] {strides = array<i32>} : memref<1280x64xf32, #tpu.memory_space<vmem>>, vector<1x16xf32>,
        %get3A_1044 = vector.shape_cast %get3A_1043 : vector<1x16xf32> to vector<16xf32>
        %add3A_1045 = arith.addf %add3A_1038, %get3A_1044 : vector<16xf32>
        %add3A_1046 = arith.constant 896 : i32
        %add3A_1047 = arith.addi %add3A_1046, %scan3A_526 : i32
        %get3A_1048 = arith.index_cast %add3A_1047 : i32 to index
        %get3A_1049 = arith.constant 48 : index
        %get3A_1050 = tpu.vector_load %arg8[%get3A_1048, %get3A_1049] {strides = array<i32>} : memref<1280x64xf32, #tpu.memory_space<vmem>>, vector<1x16xf32>,
        %get3A_1051 = vector.shape_cast %get3A_1050 : vector<1x16xf32> to vector<16xf32>
        %add3A_1052 = arith.addf %add3A_1045, %get3A_1051 : vector<16xf32>
        %add3A_1053 = arith.constant 960 : i32
        %add3A_1054 = arith.addi %add3A_1053, %scan3A_526 : i32
        %get3A_1055 = arith.index_cast %add3A_1054 : i32 to index
        %get3A_1056 = arith.constant 48 : index
        %get3A_1057 = tpu.vector_load %arg8[%get3A_1055, %get3A_1056] {strides = array<i32>} : memref<1280x64xf32, #tpu.memory_space<vmem>>, vector<1x16xf32>,
        %get3A_1058 = vector.shape_cast %get3A_1057 : vector<1x16xf32> to vector<16xf32>
        %add3A_1059 = arith.addf %add3A_1052, %get3A_1058 : vector<16xf32>
        %add3A_1060 = arith.constant 1024 : i32
        %add3A_1061 = arith.addi %add3A_1060, %scan3A_526 : i32
        %get3A_1062 = arith.index_cast %add3A_1061 : i32 to index
        %get3A_1063 = arith.constant 48 : index
        %get3A_1064 = tpu.vector_load %arg8[%get3A_1062, %get3A_1063] {strides = array<i32>} : memref<1280x64xf32, #tpu.memory_space<vmem>>, vector<1x16xf32>,
        %get3A_1065 = vector.shape_cast %get3A_1064 : vector<1x16xf32> to vector<16xf32>
        %add3A_1066 = arith.addf %add3A_1059, %get3A_1065 : vector<16xf32>
        %add3A_1067 = arith.constant 1088 : i32
        %add3A_1068 = arith.addi %add3A_1067, %scan3A_526 : i32
        %get3A_1069 = arith.index_cast %add3A_1068 : i32 to index
        %get3A_1070 = arith.constant 48 : index
        %get3A_1071 = tpu.vector_load %arg8[%get3A_1069, %get3A_1070] {strides = array<i32>} : memref<1280x64xf32, #tpu.memory_space<vmem>>, vector<1x16xf32>,
        %get3A_1072 = vector.shape_cast %get3A_1071 : vector<1x16xf32> to vector<16xf32>
        %add3A_1073 = arith.addf %add3A_1066, %get3A_1072 : vector<16xf32>
        %add3A_1074 = arith.constant 1152 : i32
        %add3A_1075 = arith.addi %add3A_1074, %scan3A_526 : i32
        %get3A_1076 = arith.index_cast %add3A_1075 : i32 to index
        %get3A_1077 = arith.constant 48 : index
        %get3A_1078 = tpu.vector_load %arg8[%get3A_1076, %get3A_1077] {strides = array<i32>} : memref<1280x64xf32, #tpu.memory_space<vmem>>, vector<1x16xf32>,
        %get3A_1079 = vector.shape_cast %get3A_1078 : vector<1x16xf32> to vector<16xf32>
        %add3A_1080 = arith.addf %add3A_1073, %get3A_1079 : vector<16xf32>
        %add3A_1081 = arith.constant 1216 : i32
        %add3A_1082 = arith.addi %add3A_1081, %scan3A_526 : i32
        %get3A_1083 = arith.index_cast %add3A_1082 : i32 to index
        %get3A_1084 = arith.constant 48 : index
        %get3A_1085 = tpu.vector_load %arg8[%get3A_1083, %get3A_1084] {strides = array<i32>} : memref<1280x64xf32, #tpu.memory_space<vmem>>, vector<1x16xf32>,
        %get3A_1086 = vector.shape_cast %get3A_1085 : vector<1x16xf32> to vector<16xf32>
        %add3A_1087 = arith.addf %add3A_1080, %get3A_1086 : vector<16xf32>
        %swap3A_1088 = arith.index_cast %scan3A_526 : i32 to index
        %swap3A_1089 = arith.constant 48 : index
        %swap3A_1090 = tpu.vector_load %arg10[%swap3A_1088, %swap3A_1089] {strides = array<i32>} : memref<64x64xf32, #tpu.memory_space<vmem>>, vector<1x16xf32>,
        %swap3A_1091 = vector.shape_cast %swap3A_1090 : vector<1x16xf32> to vector<16xf32>
        %swap3A_1092 = vector.shape_cast %add3A_1087 : vector<16xf32> to vector<1x16xf32>
        tpu.vector_store %arg10[%swap3A_1088, %swap3A_1089], %swap3A_1092 {strides = array<i32>} : memref<64x64xf32, #tpu.memory_space<vmem>>, vector<1x16xf32>,
      }
      %scan3A_525 = arith.constant 64 : i32
      "tpu.region"() ({
        %run_scoped3A = tpu.sem_alloc : memref<!tpu.dma_semaphore, #tpu.memory_space<semaphore_mem>>
        %dma_start3A_526 = arith.constant 0 : i32
        %dma_start3A_527 = tpu.memref_slice %arg7[%add3A_11, %dma_start3A_526] : memref<16384x64xf32, #tpu.memory_space<hbm>> -> memref<64x64xf32, #tpu.memory_space<hbm>>
        %dma_start3A_528 = arith.constant 0 : i32
        %dma_start3A_529 = tpu.memref_slice %arg7[%add3A_11, %dma_start3A_528] : memref<16384x64xf32, #tpu.memory_space<hbm>> -> memref<64x64xf32, #tpu.memory_space<hbm>>
        tpu.enqueue_dma source(%arg10 : memref<64x64xf32, #tpu.memory_space<vmem>>) target(%dma_start3A_529 : memref<64x64xf32, #tpu.memory_space<hbm>>) target_semaphore(%run_scoped3A : memref<!tpu.dma_semaphore, #tpu.memory_space<semaphore_mem>>)
        %dma_wait3A_530 = arith.constant 0 : i32
        %dma_wait3A_531 = tpu.memref_slice %arg7[%add3A_11, %dma_wait3A_530] : memref<16384x64xf32, #tpu.memory_space<hbm>> -> memref<64x64xf32, #tpu.memory_space<hbm>>
        %dma_wait3A_532 = arith.constant 0 : i32
        %dma_wait3A_533 = tpu.memref_slice %arg7[%add3A_11, %dma_wait3A_532] : memref<16384x64xf32, #tpu.memory_space<hbm>> -> memref<64x64xf32, #tpu.memory_space<hbm>>
        tpu.wait_dma2 semaphore(%run_scoped3A : memref<!tpu.dma_semaphore, #tpu.memory_space<semaphore_mem>>) src(%arg10 : memref<64x64xf32, #tpu.memory_space<vmem>>) dst(%dma_wait3A_533 : memref<64x64xf32, #tpu.memory_space<hbm>>)
        tpu.yield
      }) : () -> ()
    }
    %scan3A_7 = arith.constant 8 : i32
    return
  }
}

#map = affine_map<(d0, d1) -> (0)>
#map1 = affine_map<(d0, d1) -> (0, 0)>
module attributes {stable_mosaic.version = 14 : i64} {
  func.func @sc_kernel(%arg0: i32, %arg1: i32, %arg2: memref<16384xi32, #tpu.memory_space<hbm>>, %arg3: memref<16384xi32, #tpu.memory_space<hbm>>, %arg4: memref<1015808x64xf32, #tpu.memory_space<hbm>>, %arg5: memref<1000x16xf32, #tpu.memory_space<hbm>>, %arg6: memref<16384x64xf32, #tpu.memory_space<hbm>>, %arg7: memref<16384x16xf32, #tpu.memory_space<hbm>>, %arg8: memref<512x64xf32, #tpu.memory_space<vmem>>, %arg9: memref<512x16xf32, #tpu.memory_space<vmem>>, %arg10: memref<512xi32, #tpu.memory_space<vmem>>, %arg11: memref<512xi32, #tpu.memory_space<vmem>>, %arg12: memref<!tpu.dma_semaphore, #tpu.memory_space<semaphore_mem>>, %arg13: memref<!tpu.dma_semaphore, #tpu.memory_space<semaphore_mem>>) attributes {dimension_semantics = [#tpu.dimension_semantics<core_parallel>, #tpu.dimension_semantics<subcore_parallel>], iteration_bounds = array<i64: 2, 16>, scalar_prefetch = 0 : i64, scratch_operands = 6 : i64, tpu.core_type = #tpu.core_type<sc_vector_subcore>, window_params = [{transform_indices = #map}, {transform_indices = #map}, {transform_indices = #map1}, {transform_indices = #map1}, {transform_indices = #map1}, {transform_indices = #map1}]} {
    %mul3A = arith.constant 2 : i32
    %mul3A_0 = arith.muli %arg1, %mul3A : i32
    %add3A = arith.addi %mul3A_0, %arg0 : i32
    %mul3A_1 = arith.constant 512 : i32
    %mul3A_2 = arith.muli %add3A, %mul3A_1 : i32
    "tpu.region"() ({
      %run_scoped3A = tpu.sem_alloc : memref<!tpu.dma_semaphore, #tpu.memory_space<semaphore_mem>>
      %dma_start3A_129 = tpu.memref_slice %arg2[%mul3A_2] : memref<16384xi32, #tpu.memory_space<hbm>> -> memref<512xi32, #tpu.memory_space<hbm>>
      %dma_start3A_130 = tpu.memref_slice %arg2[%mul3A_2] : memref<16384xi32, #tpu.memory_space<hbm>> -> memref<512xi32, #tpu.memory_space<hbm>>
      tpu.enqueue_dma source(%dma_start3A_130 : memref<512xi32, #tpu.memory_space<hbm>>) target(%arg10 : memref<512xi32, #tpu.memory_space<vmem>>) target_semaphore(%run_scoped3A : memref<!tpu.dma_semaphore, #tpu.memory_space<semaphore_mem>>)
      %dma_wait3A_131 = tpu.memref_slice %arg2[%mul3A_2] : memref<16384xi32, #tpu.memory_space<hbm>> -> memref<512xi32, #tpu.memory_space<hbm>>
      %dma_wait3A_132 = tpu.memref_slice %arg2[%mul3A_2] : memref<16384xi32, #tpu.memory_space<hbm>> -> memref<512xi32, #tpu.memory_space<hbm>>
      tpu.wait_dma2 semaphore(%run_scoped3A : memref<!tpu.dma_semaphore, #tpu.memory_space<semaphore_mem>>) src(%dma_wait3A_132 : memref<512xi32, #tpu.memory_space<hbm>>) dst(%arg10 : memref<512xi32, #tpu.memory_space<vmem>>)
      tpu.yield
    }) : () -> ()
    "tpu.region"() ({
      %run_scoped3A = tpu.sem_alloc : memref<!tpu.dma_semaphore, #tpu.memory_space<semaphore_mem>>
      %dma_start3A_129 = tpu.memref_slice %arg3[%mul3A_2] : memref<16384xi32, #tpu.memory_space<hbm>> -> memref<512xi32, #tpu.memory_space<hbm>>
      %dma_start3A_130 = tpu.memref_slice %arg3[%mul3A_2] : memref<16384xi32, #tpu.memory_space<hbm>> -> memref<512xi32, #tpu.memory_space<hbm>>
      tpu.enqueue_dma source(%dma_start3A_130 : memref<512xi32, #tpu.memory_space<hbm>>) target(%arg11 : memref<512xi32, #tpu.memory_space<vmem>>) target_semaphore(%run_scoped3A : memref<!tpu.dma_semaphore, #tpu.memory_space<semaphore_mem>>)
      %dma_wait3A_131 = tpu.memref_slice %arg3[%mul3A_2] : memref<16384xi32, #tpu.memory_space<hbm>> -> memref<512xi32, #tpu.memory_space<hbm>>
      %dma_wait3A_132 = tpu.memref_slice %arg3[%mul3A_2] : memref<16384xi32, #tpu.memory_space<hbm>> -> memref<512xi32, #tpu.memory_space<hbm>>
      tpu.wait_dma2 semaphore(%run_scoped3A : memref<!tpu.dma_semaphore, #tpu.memory_space<semaphore_mem>>) src(%dma_wait3A_132 : memref<512xi32, #tpu.memory_space<hbm>>) dst(%arg11 : memref<512xi32, #tpu.memory_space<vmem>>)
      tpu.yield
    }) : () -> ()
    %dma_start3A = arith.constant 0 : i32
    %dma_start3A_3 = arith.constant 0 : i32
    %dma_start3A_4 = tpu.memref_slice %arg8[%dma_start3A, %dma_start3A_3] : memref<512x64xf32, #tpu.memory_space<vmem>> -> memref<128x64xf32, #tpu.memory_space<vmem>>
    %dma_start3A_5 = arith.constant 0 : i32
    %dma_start3A_6 = tpu.memref_slice %arg10[%dma_start3A_5] : memref<512xi32, #tpu.memory_space<vmem>> -> memref<128xi32, #tpu.memory_space<vmem>>
    %dma_start3A_7 = arith.constant 0 : i32
    %dma_start3A_8 = arith.constant 0 : i32
    %dma_start3A_9 = tpu.memref_slice %arg4[%dma_start3A_7, %dma_start3A_8] : memref<1015808x64xf32, #tpu.memory_space<hbm>> -> memref<1015808x64xf32, #tpu.memory_space<hbm>>
    tpu.enqueue_indirect_dma source(%dma_start3A_9 : memref<1015808x64xf32, #tpu.memory_space<hbm>>) target(%dma_start3A_4 : memref<128x64xf32, #tpu.memory_space<vmem>>) offsets(%dma_start3A_6 : memref<128xi32, #tpu.memory_space<vmem>>) semaphore(%arg12 : memref<!tpu.dma_semaphore, #tpu.memory_space<semaphore_mem>>)
    %dma_start3A_10 = arith.constant 0 : i32
    %dma_start3A_11 = arith.constant 0 : i32
    %dma_start3A_12 = tpu.memref_slice %arg9[%dma_start3A_10, %dma_start3A_11] : memref<512x16xf32, #tpu.memory_space<vmem>> -> memref<128x16xf32, #tpu.memory_space<vmem>>
    %dma_start3A_13 = arith.constant 0 : i32
    %dma_start3A_14 = tpu.memref_slice %arg11[%dma_start3A_13] : memref<512xi32, #tpu.memory_space<vmem>> -> memref<128xi32, #tpu.memory_space<vmem>>
    %dma_start3A_15 = arith.constant 0 : i32
    %dma_start3A_16 = arith.constant 0 : i32
    %dma_start3A_17 = tpu.memref_slice %arg5[%dma_start3A_15, %dma_start3A_16] : memref<1000x16xf32, #tpu.memory_space<hbm>> -> memref<1000x16xf32, #tpu.memory_space<hbm>>
    tpu.enqueue_indirect_dma source(%dma_start3A_17 : memref<1000x16xf32, #tpu.memory_space<hbm>>) target(%dma_start3A_12 : memref<128x16xf32, #tpu.memory_space<vmem>>) offsets(%dma_start3A_14 : memref<128xi32, #tpu.memory_space<vmem>>) semaphore(%arg13 : memref<!tpu.dma_semaphore, #tpu.memory_space<semaphore_mem>>)
    %dma_start3A_18 = arith.constant 128 : i32
    %dma_start3A_19 = arith.constant 0 : i32
    %dma_start3A_20 = tpu.memref_slice %arg8[%dma_start3A_18, %dma_start3A_19] : memref<512x64xf32, #tpu.memory_space<vmem>> -> memref<128x64xf32, #tpu.memory_space<vmem>>
    %dma_start3A_21 = arith.constant 128 : i32
    %dma_start3A_22 = tpu.memref_slice %arg10[%dma_start3A_21] : memref<512xi32, #tpu.memory_space<vmem>> -> memref<128xi32, #tpu.memory_space<vmem>>
    %dma_start3A_23 = arith.constant 0 : i32
    %dma_start3A_24 = arith.constant 0 : i32
    %dma_start3A_25 = tpu.memref_slice %arg4[%dma_start3A_23, %dma_start3A_24] : memref<1015808x64xf32, #tpu.memory_space<hbm>> -> memref<1015808x64xf32, #tpu.memory_space<hbm>>
    tpu.enqueue_indirect_dma source(%dma_start3A_25 : memref<1015808x64xf32, #tpu.memory_space<hbm>>) target(%dma_start3A_20 : memref<128x64xf32, #tpu.memory_space<vmem>>) offsets(%dma_start3A_22 : memref<128xi32, #tpu.memory_space<vmem>>) semaphore(%arg12 : memref<!tpu.dma_semaphore, #tpu.memory_space<semaphore_mem>>)
    %dma_start3A_26 = arith.constant 128 : i32
    %dma_start3A_27 = arith.constant 0 : i32
    %dma_start3A_28 = tpu.memref_slice %arg9[%dma_start3A_26, %dma_start3A_27] : memref<512x16xf32, #tpu.memory_space<vmem>> -> memref<128x16xf32, #tpu.memory_space<vmem>>
    %dma_start3A_29 = arith.constant 128 : i32
    %dma_start3A_30 = tpu.memref_slice %arg11[%dma_start3A_29] : memref<512xi32, #tpu.memory_space<vmem>> -> memref<128xi32, #tpu.memory_space<vmem>>
    %dma_start3A_31 = arith.constant 0 : i32
    %dma_start3A_32 = arith.constant 0 : i32
    %dma_start3A_33 = tpu.memref_slice %arg5[%dma_start3A_31, %dma_start3A_32] : memref<1000x16xf32, #tpu.memory_space<hbm>> -> memref<1000x16xf32, #tpu.memory_space<hbm>>
    tpu.enqueue_indirect_dma source(%dma_start3A_33 : memref<1000x16xf32, #tpu.memory_space<hbm>>) target(%dma_start3A_28 : memref<128x16xf32, #tpu.memory_space<vmem>>) offsets(%dma_start3A_30 : memref<128xi32, #tpu.memory_space<vmem>>) semaphore(%arg13 : memref<!tpu.dma_semaphore, #tpu.memory_space<semaphore_mem>>)
    %dma_start3A_34 = arith.constant 256 : i32
    %dma_start3A_35 = arith.constant 0 : i32
    %dma_start3A_36 = tpu.memref_slice %arg8[%dma_start3A_34, %dma_start3A_35] : memref<512x64xf32, #tpu.memory_space<vmem>> -> memref<128x64xf32, #tpu.memory_space<vmem>>
    %dma_start3A_37 = arith.constant 256 : i32
    %dma_start3A_38 = tpu.memref_slice %arg10[%dma_start3A_37] : memref<512xi32, #tpu.memory_space<vmem>> -> memref<128xi32, #tpu.memory_space<vmem>>
    %dma_start3A_39 = arith.constant 0 : i32
    %dma_start3A_40 = arith.constant 0 : i32
    %dma_start3A_41 = tpu.memref_slice %arg4[%dma_start3A_39, %dma_start3A_40] : memref<1015808x64xf32, #tpu.memory_space<hbm>> -> memref<1015808x64xf32, #tpu.memory_space<hbm>>
    tpu.enqueue_indirect_dma source(%dma_start3A_41 : memref<1015808x64xf32, #tpu.memory_space<hbm>>) target(%dma_start3A_36 : memref<128x64xf32, #tpu.memory_space<vmem>>) offsets(%dma_start3A_38 : memref<128xi32, #tpu.memory_space<vmem>>) semaphore(%arg12 : memref<!tpu.dma_semaphore, #tpu.memory_space<semaphore_mem>>)
    %dma_start3A_42 = arith.constant 256 : i32
    %dma_start3A_43 = arith.constant 0 : i32
    %dma_start3A_44 = tpu.memref_slice %arg9[%dma_start3A_42, %dma_start3A_43] : memref<512x16xf32, #tpu.memory_space<vmem>> -> memref<128x16xf32, #tpu.memory_space<vmem>>
    %dma_start3A_45 = arith.constant 256 : i32
    %dma_start3A_46 = tpu.memref_slice %arg11[%dma_start3A_45] : memref<512xi32, #tpu.memory_space<vmem>> -> memref<128xi32, #tpu.memory_space<vmem>>
    %dma_start3A_47 = arith.constant 0 : i32
    %dma_start3A_48 = arith.constant 0 : i32
    %dma_start3A_49 = tpu.memref_slice %arg5[%dma_start3A_47, %dma_start3A_48] : memref<1000x16xf32, #tpu.memory_space<hbm>> -> memref<1000x16xf32, #tpu.memory_space<hbm>>
    tpu.enqueue_indirect_dma source(%dma_start3A_49 : memref<1000x16xf32, #tpu.memory_space<hbm>>) target(%dma_start3A_44 : memref<128x16xf32, #tpu.memory_space<vmem>>) offsets(%dma_start3A_46 : memref<128xi32, #tpu.memory_space<vmem>>) semaphore(%arg13 : memref<!tpu.dma_semaphore, #tpu.memory_space<semaphore_mem>>)
    %dma_start3A_50 = arith.constant 384 : i32
    %dma_start3A_51 = arith.constant 0 : i32
    %dma_start3A_52 = tpu.memref_slice %arg8[%dma_start3A_50, %dma_start3A_51] : memref<512x64xf32, #tpu.memory_space<vmem>> -> memref<128x64xf32, #tpu.memory_space<vmem>>
    %dma_start3A_53 = arith.constant 384 : i32
    %dma_start3A_54 = tpu.memref_slice %arg10[%dma_start3A_53] : memref<512xi32, #tpu.memory_space<vmem>> -> memref<128xi32, #tpu.memory_space<vmem>>
    %dma_start3A_55 = arith.constant 0 : i32
    %dma_start3A_56 = arith.constant 0 : i32
    %dma_start3A_57 = tpu.memref_slice %arg4[%dma_start3A_55, %dma_start3A_56] : memref<1015808x64xf32, #tpu.memory_space<hbm>> -> memref<1015808x64xf32, #tpu.memory_space<hbm>>
    tpu.enqueue_indirect_dma source(%dma_start3A_57 : memref<1015808x64xf32, #tpu.memory_space<hbm>>) target(%dma_start3A_52 : memref<128x64xf32, #tpu.memory_space<vmem>>) offsets(%dma_start3A_54 : memref<128xi32, #tpu.memory_space<vmem>>) semaphore(%arg12 : memref<!tpu.dma_semaphore, #tpu.memory_space<semaphore_mem>>)
    %dma_start3A_58 = arith.constant 384 : i32
    %dma_start3A_59 = arith.constant 0 : i32
    %dma_start3A_60 = tpu.memref_slice %arg9[%dma_start3A_58, %dma_start3A_59] : memref<512x16xf32, #tpu.memory_space<vmem>> -> memref<128x16xf32, #tpu.memory_space<vmem>>
    %dma_start3A_61 = arith.constant 384 : i32
    %dma_start3A_62 = tpu.memref_slice %arg11[%dma_start3A_61] : memref<512xi32, #tpu.memory_space<vmem>> -> memref<128xi32, #tpu.memory_space<vmem>>
    %dma_start3A_63 = arith.constant 0 : i32
    %dma_start3A_64 = arith.constant 0 : i32
    %dma_start3A_65 = tpu.memref_slice %arg5[%dma_start3A_63, %dma_start3A_64] : memref<1000x16xf32, #tpu.memory_space<hbm>> -> memref<1000x16xf32, #tpu.memory_space<hbm>>
    tpu.enqueue_indirect_dma source(%dma_start3A_65 : memref<1000x16xf32, #tpu.memory_space<hbm>>) target(%dma_start3A_60 : memref<128x16xf32, #tpu.memory_space<vmem>>) offsets(%dma_start3A_62 : memref<128xi32, #tpu.memory_space<vmem>>) semaphore(%arg13 : memref<!tpu.dma_semaphore, #tpu.memory_space<semaphore_mem>>)
    %dma_wait3A = arith.constant 0 : i32
    %dma_wait3A_66 = arith.constant 0 : i32
    %dma_wait3A_67 = tpu.memref_slice %arg8[%dma_wait3A, %dma_wait3A_66] : memref<512x64xf32, #tpu.memory_space<vmem>> -> memref<128x64xf32, #tpu.memory_space<vmem>>
    %dma_wait3A_68 = arith.constant 0 : i32
    %dma_wait3A_69 = tpu.memref_slice %arg10[%dma_wait3A_68] : memref<512xi32, #tpu.memory_space<vmem>> -> memref<128xi32, #tpu.memory_space<vmem>>
    %dma_wait3A_70 = arith.constant 0 : i32
    %dma_wait3A_71 = arith.constant 0 : i32
    %dma_wait3A_72 = tpu.memref_slice %arg4[%dma_wait3A_70, %dma_wait3A_71] : memref<1015808x64xf32, #tpu.memory_space<hbm>> -> memref<1015808x64xf32, #tpu.memory_space<hbm>>
    tpu.wait_indirect_dma semaphore(%arg12 : memref<!tpu.dma_semaphore, #tpu.memory_space<semaphore_mem>>) src(%dma_wait3A_72 : memref<1015808x64xf32, #tpu.memory_space<hbm>>) dst(%dma_wait3A_67 : memref<128x64xf32, #tpu.memory_space<vmem>>)
    %dma_wait3A_73 = arith.constant 0 : i32
    %dma_wait3A_74 = arith.constant 0 : i32
    %dma_wait3A_75 = tpu.memref_slice %arg9[%dma_wait3A_73, %dma_wait3A_74] : memref<512x16xf32, #tpu.memory_space<vmem>> -> memref<128x16xf32, #tpu.memory_space<vmem>>
    %dma_wait3A_76 = arith.constant 0 : i32
    %dma_wait3A_77 = tpu.memref_slice %arg11[%dma_wait3A_76] : memref<512xi32, #tpu.memory_space<vmem>> -> memref<128xi32, #tpu.memory_space<vmem>>
    %dma_wait3A_78 = arith.constant 0 : i32
    %dma_wait3A_79 = arith.constant 0 : i32
    %dma_wait3A_80 = tpu.memref_slice %arg5[%dma_wait3A_78, %dma_wait3A_79] : memref<1000x16xf32, #tpu.memory_space<hbm>> -> memref<1000x16xf32, #tpu.memory_space<hbm>>
    tpu.wait_indirect_dma semaphore(%arg13 : memref<!tpu.dma_semaphore, #tpu.memory_space<semaphore_mem>>) src(%dma_wait3A_80 : memref<1000x16xf32, #tpu.memory_space<hbm>>) dst(%dma_wait3A_75 : memref<128x16xf32, #tpu.memory_space<vmem>>)
    %dma_wait3A_81 = arith.constant 128 : i32
    %dma_wait3A_82 = arith.constant 0 : i32
    %dma_wait3A_83 = tpu.memref_slice %arg8[%dma_wait3A_81, %dma_wait3A_82] : memref<512x64xf32, #tpu.memory_space<vmem>> -> memref<128x64xf32, #tpu.memory_space<vmem>>
    %dma_wait3A_84 = arith.constant 128 : i32
    %dma_wait3A_85 = tpu.memref_slice %arg10[%dma_wait3A_84] : memref<512xi32, #tpu.memory_space<vmem>> -> memref<128xi32, #tpu.memory_space<vmem>>
    %dma_wait3A_86 = arith.constant 0 : i32
    %dma_wait3A_87 = arith.constant 0 : i32
    %dma_wait3A_88 = tpu.memref_slice %arg4[%dma_wait3A_86, %dma_wait3A_87] : memref<1015808x64xf32, #tpu.memory_space<hbm>> -> memref<1015808x64xf32, #tpu.memory_space<hbm>>
    tpu.wait_indirect_dma semaphore(%arg12 : memref<!tpu.dma_semaphore, #tpu.memory_space<semaphore_mem>>) src(%dma_wait3A_88 : memref<1015808x64xf32, #tpu.memory_space<hbm>>) dst(%dma_wait3A_83 : memref<128x64xf32, #tpu.memory_space<vmem>>)
    %dma_wait3A_89 = arith.constant 128 : i32
    %dma_wait3A_90 = arith.constant 0 : i32
    %dma_wait3A_91 = tpu.memref_slice %arg9[%dma_wait3A_89, %dma_wait3A_90] : memref<512x16xf32, #tpu.memory_space<vmem>> -> memref<128x16xf32, #tpu.memory_space<vmem>>
    %dma_wait3A_92 = arith.constant 128 : i32
    %dma_wait3A_93 = tpu.memref_slice %arg11[%dma_wait3A_92] : memref<512xi32, #tpu.memory_space<vmem>> -> memref<128xi32, #tpu.memory_space<vmem>>
    %dma_wait3A_94 = arith.constant 0 : i32
    %dma_wait3A_95 = arith.constant 0 : i32
    %dma_wait3A_96 = tpu.memref_slice %arg5[%dma_wait3A_94, %dma_wait3A_95] : memref<1000x16xf32, #tpu.memory_space<hbm>> -> memref<1000x16xf32, #tpu.memory_space<hbm>>
    tpu.wait_indirect_dma semaphore(%arg13 : memref<!tpu.dma_semaphore, #tpu.memory_space<semaphore_mem>>) src(%dma_wait3A_96 : memref<1000x16xf32, #tpu.memory_space<hbm>>) dst(%dma_wait3A_91 : memref<128x16xf32, #tpu.memory_space<vmem>>)
    %dma_wait3A_97 = arith.constant 256 : i32
    %dma_wait3A_98 = arith.constant 0 : i32
    %dma_wait3A_99 = tpu.memref_slice %arg8[%dma_wait3A_97, %dma_wait3A_98] : memref<512x64xf32, #tpu.memory_space<vmem>> -> memref<128x64xf32, #tpu.memory_space<vmem>>
    %dma_wait3A_100 = arith.constant 256 : i32
    %dma_wait3A_101 = tpu.memref_slice %arg10[%dma_wait3A_100] : memref<512xi32, #tpu.memory_space<vmem>> -> memref<128xi32, #tpu.memory_space<vmem>>
    %dma_wait3A_102 = arith.constant 0 : i32
    %dma_wait3A_103 = arith.constant 0 : i32
    %dma_wait3A_104 = tpu.memref_slice %arg4[%dma_wait3A_102, %dma_wait3A_103] : memref<1015808x64xf32, #tpu.memory_space<hbm>> -> memref<1015808x64xf32, #tpu.memory_space<hbm>>
    tpu.wait_indirect_dma semaphore(%arg12 : memref<!tpu.dma_semaphore, #tpu.memory_space<semaphore_mem>>) src(%dma_wait3A_104 : memref<1015808x64xf32, #tpu.memory_space<hbm>>) dst(%dma_wait3A_99 : memref<128x64xf32, #tpu.memory_space<vmem>>)
    %dma_wait3A_105 = arith.constant 256 : i32
    %dma_wait3A_106 = arith.constant 0 : i32
    %dma_wait3A_107 = tpu.memref_slice %arg9[%dma_wait3A_105, %dma_wait3A_106] : memref<512x16xf32, #tpu.memory_space<vmem>> -> memref<128x16xf32, #tpu.memory_space<vmem>>
    %dma_wait3A_108 = arith.constant 256 : i32
    %dma_wait3A_109 = tpu.memref_slice %arg11[%dma_wait3A_108] : memref<512xi32, #tpu.memory_space<vmem>> -> memref<128xi32, #tpu.memory_space<vmem>>
    %dma_wait3A_110 = arith.constant 0 : i32
    %dma_wait3A_111 = arith.constant 0 : i32
    %dma_wait3A_112 = tpu.memref_slice %arg5[%dma_wait3A_110, %dma_wait3A_111] : memref<1000x16xf32, #tpu.memory_space<hbm>> -> memref<1000x16xf32, #tpu.memory_space<hbm>>
    tpu.wait_indirect_dma semaphore(%arg13 : memref<!tpu.dma_semaphore, #tpu.memory_space<semaphore_mem>>) src(%dma_wait3A_112 : memref<1000x16xf32, #tpu.memory_space<hbm>>) dst(%dma_wait3A_107 : memref<128x16xf32, #tpu.memory_space<vmem>>)
    %dma_wait3A_113 = arith.constant 384 : i32
    %dma_wait3A_114 = arith.constant 0 : i32
    %dma_wait3A_115 = tpu.memref_slice %arg8[%dma_wait3A_113, %dma_wait3A_114] : memref<512x64xf32, #tpu.memory_space<vmem>> -> memref<128x64xf32, #tpu.memory_space<vmem>>
    %dma_wait3A_116 = arith.constant 384 : i32
    %dma_wait3A_117 = tpu.memref_slice %arg10[%dma_wait3A_116] : memref<512xi32, #tpu.memory_space<vmem>> -> memref<128xi32, #tpu.memory_space<vmem>>
    %dma_wait3A_118 = arith.constant 0 : i32
    %dma_wait3A_119 = arith.constant 0 : i32
    %dma_wait3A_120 = tpu.memref_slice %arg4[%dma_wait3A_118, %dma_wait3A_119] : memref<1015808x64xf32, #tpu.memory_space<hbm>> -> memref<1015808x64xf32, #tpu.memory_space<hbm>>
    tpu.wait_indirect_dma semaphore(%arg12 : memref<!tpu.dma_semaphore, #tpu.memory_space<semaphore_mem>>) src(%dma_wait3A_120 : memref<1015808x64xf32, #tpu.memory_space<hbm>>) dst(%dma_wait3A_115 : memref<128x64xf32, #tpu.memory_space<vmem>>)
    %dma_wait3A_121 = arith.constant 384 : i32
    %dma_wait3A_122 = arith.constant 0 : i32
    %dma_wait3A_123 = tpu.memref_slice %arg9[%dma_wait3A_121, %dma_wait3A_122] : memref<512x16xf32, #tpu.memory_space<vmem>> -> memref<128x16xf32, #tpu.memory_space<vmem>>
    %dma_wait3A_124 = arith.constant 384 : i32
    %dma_wait3A_125 = tpu.memref_slice %arg11[%dma_wait3A_124] : memref<512xi32, #tpu.memory_space<vmem>> -> memref<128xi32, #tpu.memory_space<vmem>>
    %dma_wait3A_126 = arith.constant 0 : i32
    %dma_wait3A_127 = arith.constant 0 : i32
    %dma_wait3A_128 = tpu.memref_slice %arg5[%dma_wait3A_126, %dma_wait3A_127] : memref<1000x16xf32, #tpu.memory_space<hbm>> -> memref<1000x16xf32, #tpu.memory_space<hbm>>
    tpu.wait_indirect_dma semaphore(%arg13 : memref<!tpu.dma_semaphore, #tpu.memory_space<semaphore_mem>>) src(%dma_wait3A_128 : memref<1000x16xf32, #tpu.memory_space<hbm>>) dst(%dma_wait3A_123 : memref<128x16xf32, #tpu.memory_space<vmem>>)
    "tpu.region"() ({
      %run_scoped3A = tpu.sem_alloc : memref<!tpu.dma_semaphore, #tpu.memory_space<semaphore_mem>>
      %dma_start3A_129 = arith.constant 0 : i32
      %dma_start3A_130 = tpu.memref_slice %arg6[%mul3A_2, %dma_start3A_129] : memref<16384x64xf32, #tpu.memory_space<hbm>> -> memref<512x64xf32, #tpu.memory_space<hbm>>
      %dma_start3A_131 = arith.constant 0 : i32
      %dma_start3A_132 = tpu.memref_slice %arg6[%mul3A_2, %dma_start3A_131] : memref<16384x64xf32, #tpu.memory_space<hbm>> -> memref<512x64xf32, #tpu.memory_space<hbm>>
      tpu.enqueue_dma source(%arg8 : memref<512x64xf32, #tpu.memory_space<vmem>>) target(%dma_start3A_132 : memref<512x64xf32, #tpu.memory_space<hbm>>) target_semaphore(%run_scoped3A : memref<!tpu.dma_semaphore, #tpu.memory_space<semaphore_mem>>)
      %dma_wait3A_133 = arith.constant 0 : i32
      %dma_wait3A_134 = tpu.memref_slice %arg6[%mul3A_2, %dma_wait3A_133] : memref<16384x64xf32, #tpu.memory_space<hbm>> -> memref<512x64xf32, #tpu.memory_space<hbm>>
      %dma_wait3A_135 = arith.constant 0 : i32
      %dma_wait3A_136 = tpu.memref_slice %arg6[%mul3A_2, %dma_wait3A_135] : memref<16384x64xf32, #tpu.memory_space<hbm>> -> memref<512x64xf32, #tpu.memory_space<hbm>>
      tpu.wait_dma2 semaphore(%run_scoped3A : memref<!tpu.dma_semaphore, #tpu.memory_space<semaphore_mem>>) src(%arg8 : memref<512x64xf32, #tpu.memory_space<vmem>>) dst(%dma_wait3A_136 : memref<512x64xf32, #tpu.memory_space<hbm>>)
      tpu.yield
    }) : () -> ()
    "tpu.region"() ({
      %run_scoped3A = tpu.sem_alloc : memref<!tpu.dma_semaphore, #tpu.memory_space<semaphore_mem>>
      %dma_start3A_129 = arith.constant 0 : i32
      %dma_start3A_130 = tpu.memref_slice %arg7[%mul3A_2, %dma_start3A_129] : memref<16384x16xf32, #tpu.memory_space<hbm>> -> memref<512x16xf32, #tpu.memory_space<hbm>>
      %dma_start3A_131 = arith.constant 0 : i32
      %dma_start3A_132 = tpu.memref_slice %arg7[%mul3A_2, %dma_start3A_131] : memref<16384x16xf32, #tpu.memory_space<hbm>> -> memref<512x16xf32, #tpu.memory_space<hbm>>
      tpu.enqueue_dma source(%arg9 : memref<512x16xf32, #tpu.memory_space<vmem>>) target(%dma_start3A_132 : memref<512x16xf32, #tpu.memory_space<hbm>>) target_semaphore(%run_scoped3A : memref<!tpu.dma_semaphore, #tpu.memory_space<semaphore_mem>>)
      %dma_wait3A_133 = arith.constant 0 : i32
      %dma_wait3A_134 = tpu.memref_slice %arg7[%mul3A_2, %dma_wait3A_133] : memref<16384x16xf32, #tpu.memory_space<hbm>> -> memref<512x16xf32, #tpu.memory_space<hbm>>
      %dma_wait3A_135 = arith.constant 0 : i32
      %dma_wait3A_136 = tpu.memref_slice %arg7[%mul3A_2, %dma_wait3A_135] : memref<16384x16xf32, #tpu.memory_space<hbm>> -> memref<512x16xf32, #tpu.memory_space<hbm>>
      tpu.wait_dma2 semaphore(%run_scoped3A : memref<!tpu.dma_semaphore, #tpu.memory_space<semaphore_mem>>) src(%arg9 : memref<512x16xf32, #tpu.memory_space<vmem>>) dst(%dma_wait3A_136 : memref<512x16xf32, #tpu.memory_space<hbm>>)
      tpu.yield
    }) : () -> ()
    return
  }
}

module attributes {stable_mosaic.version = 14 : i64} {
  func.func @_conv_body(%arg0: i32, %arg1: memref<64x8192xf32, #tpu.memory_space<vmem>>, %arg2: memref<64x8192xf32, #tpu.memory_space<vmem>>, %arg3: memref<64x64xf32, #tpu.memory_space<vmem>>, %arg4: memref<8192x128xf32, #tpu.memory_space<vmem>>) attributes {dimension_semantics = [#tpu.dimension_semantics<arbitrary>], iteration_bounds = array<i64: 62>, scalar_prefetch = 0 : i64, scratch_operands = 0 : i64, tpu.core_type = #tpu.core_type<tc>, window_params = [{transform_indices = @transform_0, window_bounds = array<i64: 64, 8192>}, {transform_indices = @transform_1, window_bounds = array<i64: 64, 8192>}, {pipeline_mode = #tpu.pipeline_mode<synchronous>, transform_indices = @transform_2, window_bounds = array<i64: 64, 64>}, {transform_indices = @transform_3, window_bounds = array<i64: 8192, 128>}]} {
    %get3A = arith.constant 0 : index
    %get3A_0 = arith.constant 0 : index
    %get3A_1 = vector.load %arg1[%get3A, %get3A_0] : memref<64x8192xf32, #tpu.memory_space<vmem>>, vector<64x8192xf32>
    %get3A_2 = arith.constant 0 : index
    %get3A_3 = arith.constant 0 : index
    %get3A_4 = vector.load %arg3[%get3A_2, %get3A_3] : memref<64x64xf32, #tpu.memory_space<vmem>>, vector<64x64xf32>
    %dot_general3A = arith.constant dense<0.000000e+00> : vector<8192x64xf32>
    %dot_general3A_5 = tpu.matmul %get3A_1, %get3A_4, %dot_general3A {dimension_numbers = #tpu.dot_dimension_numbers<[0], [0], [1], [1], [0, 1, 1, 1], [], []>, transpose_lhs_hint = false} : vector<64x8192xf32>, vector<64x64xf32>, vector<8192x64xf32> -> vector<8192x64xf32>
    %get3A_6 = arith.constant 0 : index
    %get3A_7 = arith.constant 0 : index
    %get3A_8 = vector.load %arg2[%get3A_6, %get3A_7] : memref<64x8192xf32, #tpu.memory_space<vmem>>, vector<64x8192xf32>
    %get3A_9 = arith.constant 0 : index
    %get3A_10 = arith.constant 0 : index
    %get3A_11 = vector.load %arg3[%get3A_9, %get3A_10] : memref<64x64xf32, #tpu.memory_space<vmem>>, vector<64x64xf32>
    %dot_general3A_12 = arith.constant dense<0.000000e+00> : vector<8192x64xf32>
    %dot_general3A_13 = tpu.matmul %get3A_8, %get3A_11, %dot_general3A_12 {dimension_numbers = #tpu.dot_dimension_numbers<[0], [0], [1], [1], [0, 1, 1, 1], [], []>, transpose_lhs_hint = false} : vector<64x8192xf32>, vector<64x64xf32>, vector<8192x64xf32> -> vector<8192x64xf32>
    %concatenate3A = tpu.concatenate %dot_general3A_5, %dot_general3A_13 in 1 : vector<8192x64xf32>, vector<8192x64xf32> -> vector<8192x128xf32>
    %swap3A = arith.constant 0 : index
    %swap3A_14 = arith.constant 0 : index
    %swap3A_15 = vector.load %arg4[%swap3A, %swap3A_14] : memref<8192x128xf32, #tpu.memory_space<vmem>>, vector<8192x128xf32>
    tpu.vector_store %arg4[%swap3A, %swap3A_14], %concatenate3A {strides = array<i32>} : memref<8192x128xf32, #tpu.memory_space<vmem>>, vector<8192x128xf32>,
    return
  }
  func.func @transform_0(%arg0: i32) -> (i32, i32) {
    %c0_i32 = arith.constant 0 : i32
    %c0_i32_0 = arith.constant 0 : i32
    return %c0_i32, %arg0 : i32, i32
  }
  func.func @transform_1(%arg0: i32) -> (i32, i32) {
    %add3A = arith.constant 62 : i32
    %add3A_0 = arith.addi %arg0, %add3A : i32
    %min3A = arith.constant 122 : i32
    %min3A_1 = arith.minsi %add3A_0, %min3A : i32
    %c0_i32 = arith.constant 0 : i32
    %c0_i32_2 = arith.constant 0 : i32
    return %c0_i32, %min3A_1 : i32, i32
  }
  func.func @transform_2(%arg0: i32) -> (i32, i32) {
    %c0_i32 = arith.constant 0 : i32
    %c0_i32_0 = arith.constant 0 : i32
    %c0_i32_1 = arith.constant 0 : i32
    return %c0_i32, %c0_i32_0 : i32, i32
  }
  func.func @transform_3(%arg0: i32) -> (i32, i32) {
    %c0_i32 = arith.constant 0 : i32
    %c0_i32_0 = arith.constant 0 : i32
    return %arg0, %c0_i32 : i32, i32
  }
}

module attributes {stable_mosaic.version = 14 : i64} {
  func.func @_conv_body(%arg0: i32, %arg1: memref<64x8192xf32, #tpu.memory_space<vmem>>, %arg2: memref<64x8192xf32, #tpu.memory_space<vmem>>, %arg3: memref<64x64xf32, #tpu.memory_space<vmem>>, %arg4: memref<8192x128xf32, #tpu.memory_space<vmem>>) attributes {dimension_semantics = [#tpu.dimension_semantics<arbitrary>], iteration_bounds = array<i64: 7>, scalar_prefetch = 0 : i64, scratch_operands = 0 : i64, tpu.core_type = #tpu.core_type<tc>, window_params = [{transform_indices = @transform_0, window_bounds = array<i64: 64, 8192>}, {transform_indices = @transform_1, window_bounds = array<i64: 64, 8192>}, {pipeline_mode = #tpu.pipeline_mode<synchronous>, transform_indices = @transform_2, window_bounds = array<i64: 64, 64>}, {transform_indices = @transform_3, window_bounds = array<i64: 8192, 128>}]} {
    %get3A = arith.constant 0 : index
    %get3A_0 = arith.constant 0 : index
    %get3A_1 = vector.load %arg1[%get3A, %get3A_0] : memref<64x8192xf32, #tpu.memory_space<vmem>>, vector<64x8192xf32>
    %get3A_2 = arith.constant 0 : index
    %get3A_3 = arith.constant 0 : index
    %get3A_4 = vector.load %arg3[%get3A_2, %get3A_3] : memref<64x64xf32, #tpu.memory_space<vmem>>, vector<64x64xf32>
    %dot_general3A = arith.constant dense<0.000000e+00> : vector<8192x64xf32>
    %dot_general3A_5 = tpu.matmul %get3A_1, %get3A_4, %dot_general3A {dimension_numbers = #tpu.dot_dimension_numbers<[0], [0], [1], [1], [0, 1, 1, 1], [], []>, transpose_lhs_hint = false} : vector<64x8192xf32>, vector<64x64xf32>, vector<8192x64xf32> -> vector<8192x64xf32>
    %get3A_6 = arith.constant 0 : index
    %get3A_7 = arith.constant 0 : index
    %get3A_8 = vector.load %arg2[%get3A_6, %get3A_7] : memref<64x8192xf32, #tpu.memory_space<vmem>>, vector<64x8192xf32>
    %get3A_9 = arith.constant 0 : index
    %get3A_10 = arith.constant 0 : index
    %get3A_11 = vector.load %arg3[%get3A_9, %get3A_10] : memref<64x64xf32, #tpu.memory_space<vmem>>, vector<64x64xf32>
    %dot_general3A_12 = arith.constant dense<0.000000e+00> : vector<8192x64xf32>
    %dot_general3A_13 = tpu.matmul %get3A_8, %get3A_11, %dot_general3A_12 {dimension_numbers = #tpu.dot_dimension_numbers<[0], [0], [1], [1], [0, 1, 1, 1], [], []>, transpose_lhs_hint = false} : vector<64x8192xf32>, vector<64x64xf32>, vector<8192x64xf32> -> vector<8192x64xf32>
    %concatenate3A = tpu.concatenate %dot_general3A_5, %dot_general3A_13 in 1 : vector<8192x64xf32>, vector<8192x64xf32> -> vector<8192x128xf32>
    %swap3A = arith.constant 0 : index
    %swap3A_14 = arith.constant 0 : index
    %swap3A_15 = vector.load %arg4[%swap3A, %swap3A_14] : memref<8192x128xf32, #tpu.memory_space<vmem>>, vector<8192x128xf32>
    tpu.vector_store %arg4[%swap3A, %swap3A_14], %concatenate3A {strides = array<i32>} : memref<8192x128xf32, #tpu.memory_space<vmem>>, vector<8192x128xf32>,
    return
  }
  func.func @transform_0(%arg0: i32) -> (i32, i32) {
    %c0_i32 = arith.constant 0 : i32
    %c0_i32_0 = arith.constant 0 : i32
    return %c0_i32, %arg0 : i32, i32
  }
  func.func @transform_1(%arg0: i32) -> (i32, i32) {
    %add3A = arith.constant 7 : i32
    %add3A_0 = arith.addi %arg0, %add3A : i32
    %min3A = arith.constant 12 : i32
    %min3A_1 = arith.minsi %add3A_0, %min3A : i32
    %c0_i32 = arith.constant 0 : i32
    %c0_i32_2 = arith.constant 0 : i32
    return %c0_i32, %min3A_1 : i32, i32
  }
  func.func @transform_2(%arg0: i32) -> (i32, i32) {
    %c0_i32 = arith.constant 0 : i32
    %c0_i32_0 = arith.constant 0 : i32
    %c0_i32_1 = arith.constant 0 : i32
    return %c0_i32, %c0_i32_0 : i32, i32
  }
  func.func @transform_3(%arg0: i32) -> (i32, i32) {
    %c0_i32 = arith.constant 0 : i32
    %c0_i32_0 = arith.constant 0 : i32
    return %arg0, %c0_i32 : i32, i32
  }
}

module attributes {stable_mosaic.version = 14 : i64} {
  func.func @_mlp_body(%arg0: i32, %arg1: memref<2048x8xi32, #tpu.memory_space<vmem>>, %arg2: memref<2048x20xi32, #tpu.memory_space<vmem>>, %arg3: memref<2048x64xf32, #tpu.memory_space<vmem>>, %arg4: memref<2048x64xf32, #tpu.memory_space<vmem>>, %arg5: memref<2048x16xf32, #tpu.memory_space<vmem>>, %arg6: memref<2048x64xf32, #tpu.memory_space<vmem>>, %arg7: memref<64x128xf32, #tpu.memory_space<vmem>>, %arg8: memref<64x128xf32, #tpu.memory_space<vmem>>, %arg9: memref<16x128xf32, #tpu.memory_space<vmem>>, %arg10: memref<64x128xf32, #tpu.memory_space<vmem>>, %arg11: memref<1x128xf32, #tpu.memory_space<vmem>>, %arg12: memref<128x64xf32, #tpu.memory_space<vmem>>, %arg13: memref<1x64xf32, #tpu.memory_space<vmem>>, %arg14: memref<64x64xf32, #tpu.memory_space<vmem>>, %arg15: memref<64x1xf32, #tpu.memory_space<vmem>>, %arg16: memref<64x2048xf32, #tpu.memory_space<vmem>>) attributes {dimension_semantics = [#tpu.dimension_semantics<arbitrary>], iteration_bounds = array<i64: 8>, scalar_prefetch = 0 : i64, scratch_operands = 0 : i64, tpu.core_type = #tpu.core_type<tc>, window_params = [{transform_indices = @transform_0, window_bounds = array<i64: 2048, 8>}, {transform_indices = @transform_1, window_bounds = array<i64: 2048, 20>}, {transform_indices = @transform_2, window_bounds = array<i64: 2048, 64>}, {transform_indices = @transform_3, window_bounds = array<i64: 2048, 64>}, {transform_indices = @transform_4, window_bounds = array<i64: 2048, 16>}, {transform_indices = @transform_5, window_bounds = array<i64: 2048, 64>}, {pipeline_mode = #tpu.pipeline_mode<synchronous>, transform_indices = @transform_6, window_bounds = array<i64: 64, 128>}, {pipeline_mode = #tpu.pipeline_mode<synchronous>, transform_indices = @transform_7, window_bounds = array<i64: 64, 128>}, {pipeline_mode = #tpu.pipeline_mode<synchronous>, transform_indices = @transform_8, window_bounds = array<i64: 16, 128>}, {pipeline_mode = #tpu.pipeline_mode<synchronous>, transform_indices = @transform_9, window_bounds = array<i64: 64, 128>}, {pipeline_mode = #tpu.pipeline_mode<synchronous>, transform_indices = @transform_10, window_bounds = array<i64: 1, 128>}, {pipeline_mode = #tpu.pipeline_mode<synchronous>, transform_indices = @transform_11, window_bounds = array<i64: 128, 64>}, {pipeline_mode = #tpu.pipeline_mode<synchronous>, transform_indices = @transform_12, window_bounds = array<i64: 1, 64>}, {pipeline_mode = #tpu.pipeline_mode<synchronous>, transform_indices = @transform_13, window_bounds = array<i64: 64, 64>}, {pipeline_mode = #tpu.pipeline_mode<synchronous>, transform_indices = @transform_14, window_bounds = array<i64: 64, 1>}, {transform_indices = @transform_15, window_bounds = array<i64: 64, 2048>}]} {
    %get3A = arith.constant 0 : index
    %get3A_0 = arith.constant 0 : index
    %get3A_1 = vector.load %arg1[%get3A, %get3A_0] : memref<2048x8xi32, #tpu.memory_space<vmem>>, vector<2048x8xi32>
    %ne3A = arith.constant 0 : i32
    %ne3A_2 = vector.broadcast %ne3A : i32 to vector<2048x8xi32>
    %ne3A_3 = arith.cmpi ne, %get3A_1, %ne3A_2 : vector<2048x8xi32>
    %convert_element_type3A = arith.extui %ne3A_3 : vector<2048x8xi1> to vector<2048x8xi32>
    %convert_element_type3A_4 = arith.sitofp %convert_element_type3A : vector<2048x8xi32> to vector<2048x8xf32>
    %reduce_sum3A = arith.constant dense<0.000000e+00> : vector<2048xf32>
    %reduce_sum3A_5 = vector.multi_reduction <add>, %convert_element_type3A_4, %reduce_sum3A [1] : vector<2048x8xf32> to vector<2048xf32>
    %broadcast_in_dim3A = vector.shape_cast %reduce_sum3A_5 : vector<2048xf32> to vector<2048x1xf32>
    %get3A_6 = arith.constant 0 : index
    %get3A_7 = arith.constant 0 : index
    %get3A_8 = vector.load %arg2[%get3A_6, %get3A_7] : memref<2048x20xi32, #tpu.memory_space<vmem>>, vector<2048x20xi32>
    %ne3A_9 = arith.constant 0 : i32
    %ne3A_10 = vector.broadcast %ne3A_9 : i32 to vector<2048x20xi32>
    %ne3A_11 = arith.cmpi ne, %get3A_8, %ne3A_10 : vector<2048x20xi32>
    %convert_element_type3A_12 = arith.extui %ne3A_11 : vector<2048x20xi1> to vector<2048x20xi32>
    %convert_element_type3A_13 = arith.sitofp %convert_element_type3A_12 : vector<2048x20xi32> to vector<2048x20xf32>
    %reduce_sum3A_14 = arith.constant dense<0.000000e+00> : vector<2048xf32>
    %reduce_sum3A_15 = vector.multi_reduction <add>, %convert_element_type3A_13, %reduce_sum3A_14 [1] : vector<2048x20xf32> to vector<2048xf32>
    %broadcast_in_dim3A_16 = vector.shape_cast %reduce_sum3A_15 : vector<2048xf32> to vector<2048x1xf32>
    %get3A_17 = arith.constant 0 : index
    %get3A_18 = arith.constant 0 : index
    %get3A_19 = vector.load %arg4[%get3A_17, %get3A_18] : memref<2048x64xf32, #tpu.memory_space<vmem>>, vector<2048x64xf32>
    %max3A = arith.constant 9.99999971E-10 : f32
    %max3A_20 = vector.broadcast %max3A : f32 to vector<2048x1xf32>
    %max3A_21 = arith.maximumf %broadcast_in_dim3A, %max3A_20 : vector<2048x1xf32>
    %div3A = vector.broadcast %max3A_21 : vector<2048x1xf32> to vector<2048x64xf32>
    %div3A_22 = arith.divf %get3A_19, %div3A : vector<2048x64xf32>
    %get3A_23 = arith.constant 0 : index
    %get3A_24 = arith.constant 0 : index
    %get3A_25 = vector.load %arg6[%get3A_23, %get3A_24] : memref<2048x64xf32, #tpu.memory_space<vmem>>, vector<2048x64xf32>
    %max3A_26 = arith.constant 9.99999971E-10 : f32
    %max3A_27 = vector.broadcast %max3A_26 : f32 to vector<2048x1xf32>
    %max3A_28 = arith.maximumf %broadcast_in_dim3A_16, %max3A_27 : vector<2048x1xf32>
    %div3A_29 = vector.broadcast %max3A_28 : vector<2048x1xf32> to vector<2048x64xf32>
    %div3A_30 = arith.divf %get3A_25, %div3A_29 : vector<2048x64xf32>
    %get3A_31 = arith.constant 0 : index
    %get3A_32 = arith.constant 0 : index
    %get3A_33 = vector.load %arg3[%get3A_31, %get3A_32] : memref<2048x64xf32, #tpu.memory_space<vmem>>, vector<2048x64xf32>
    %get3A_34 = arith.constant 0 : index
    %get3A_35 = arith.constant 0 : index
    %get3A_36 = vector.load %arg7[%get3A_34, %get3A_35] : memref<64x128xf32, #tpu.memory_space<vmem>>, vector<64x128xf32>
    %dot_general3A = arith.constant dense<0.000000e+00> : vector<2048x128xf32>
    %dot_general3A_37 = tpu.matmul %get3A_33, %get3A_36, %dot_general3A {dimension_numbers = #tpu.dot_dimension_numbers<[1], [0], [0], [1], [0, 0, 1, 1], [], []>, transpose_lhs_hint = false} : vector<2048x64xf32>, vector<64x128xf32>, vector<2048x128xf32> -> vector<2048x128xf32>
    %get3A_38 = arith.constant 0 : index
    %get3A_39 = arith.constant 0 : index
    %get3A_40 = vector.load %arg8[%get3A_38, %get3A_39] : memref<64x128xf32, #tpu.memory_space<vmem>>, vector<64x128xf32>
    %dot_general3A_41 = arith.constant dense<0.000000e+00> : vector<2048x128xf32>
    %dot_general3A_42 = tpu.matmul %div3A_22, %get3A_40, %dot_general3A_41 {dimension_numbers = #tpu.dot_dimension_numbers<[1], [0], [0], [1], [0, 0, 1, 1], [], []>, transpose_lhs_hint = false} : vector<2048x64xf32>, vector<64x128xf32>, vector<2048x128xf32> -> vector<2048x128xf32>
    %add3A = arith.addf %dot_general3A_37, %dot_general3A_42 : vector<2048x128xf32>
    %get3A_43 = arith.constant 0 : index
    %get3A_44 = arith.constant 0 : index
    %get3A_45 = vector.load %arg5[%get3A_43, %get3A_44] : memref<2048x16xf32, #tpu.memory_space<vmem>>, vector<2048x16xf32>
    %get3A_46 = arith.constant 0 : index
    %get3A_47 = arith.constant 0 : index
    %get3A_48 = vector.load %arg9[%get3A_46, %get3A_47] : memref<16x128xf32, #tpu.memory_space<vmem>>, vector<16x128xf32>
    %dot_general3A_49 = arith.constant dense<0.000000e+00> : vector<2048x128xf32>
    %dot_general3A_50 = tpu.matmul %get3A_45, %get3A_48, %dot_general3A_49 {dimension_numbers = #tpu.dot_dimension_numbers<[1], [0], [0], [1], [0, 0, 1, 1], [], []>, transpose_lhs_hint = false} : vector<2048x16xf32>, vector<16x128xf32>, vector<2048x128xf32> -> vector<2048x128xf32>
    %add3A_51 = arith.addf %add3A, %dot_general3A_50 : vector<2048x128xf32>
    %get3A_52 = arith.constant 0 : index
    %get3A_53 = arith.constant 0 : index
    %get3A_54 = vector.load %arg10[%get3A_52, %get3A_53] : memref<64x128xf32, #tpu.memory_space<vmem>>, vector<64x128xf32>
    %dot_general3A_55 = arith.constant dense<0.000000e+00> : vector<2048x128xf32>
    %dot_general3A_56 = tpu.matmul %div3A_30, %get3A_54, %dot_general3A_55 {dimension_numbers = #tpu.dot_dimension_numbers<[1], [0], [0], [1], [0, 0, 1, 1], [], []>, transpose_lhs_hint = false} : vector<2048x64xf32>, vector<64x128xf32>, vector<2048x128xf32> -> vector<2048x128xf32>
    %add3A_57 = arith.addf %add3A_51, %dot_general3A_56 : vector<2048x128xf32>
    %get3A_58 = arith.constant 0 : index
    %get3A_59 = arith.constant 0 : index
    %get3A_60 = vector.load %arg11[%get3A_58, %get3A_59] : memref<1x128xf32, #tpu.memory_space<vmem>>, vector<1x128xf32>
    %add3A_61 = vector.broadcast %get3A_60 : vector<1x128xf32> to vector<2048x128xf32>
    %add3A_62 = arith.addf %add3A_57, %add3A_61 : vector<2048x128xf32>
    %max3A_63 = arith.constant 0.000000e+00 : f32
    %max3A_64 = vector.broadcast %max3A_63 : f32 to vector<2048x128xf32>
    %max3A_65 = arith.maximumf %add3A_62, %max3A_64 : vector<2048x128xf32>
    %get3A_66 = arith.constant 0 : index
    %get3A_67 = arith.constant 0 : index
    %get3A_68 = vector.load %arg12[%get3A_66, %get3A_67] : memref<128x64xf32, #tpu.memory_space<vmem>>, vector<128x64xf32>
    %dot_general3A_69 = arith.constant dense<0.000000e+00> : vector<2048x64xf32>
    %dot_general3A_70 = tpu.matmul %max3A_65, %get3A_68, %dot_general3A_69 {dimension_numbers = #tpu.dot_dimension_numbers<[1], [0], [0], [1], [0, 0, 1, 1], [], []>, transpose_lhs_hint = false} : vector<2048x128xf32>, vector<128x64xf32>, vector<2048x64xf32> -> vector<2048x64xf32>
    %get3A_71 = arith.constant 0 : index
    %get3A_72 = arith.constant 0 : index
    %get3A_73 = vector.load %arg13[%get3A_71, %get3A_72] : memref<1x64xf32, #tpu.memory_space<vmem>>, vector<1x64xf32>
    %add3A_74 = vector.broadcast %get3A_73 : vector<1x64xf32> to vector<2048x64xf32>
    %add3A_75 = arith.addf %dot_general3A_70, %add3A_74 : vector<2048x64xf32>
    %max3A_76 = arith.constant 0.000000e+00 : f32
    %max3A_77 = vector.broadcast %max3A_76 : f32 to vector<2048x64xf32>
    %max3A_78 = arith.maximumf %add3A_75, %max3A_77 : vector<2048x64xf32>
    %get3A_79 = arith.constant 0 : index
    %get3A_80 = arith.constant 0 : index
    %get3A_81 = vector.load %arg14[%get3A_79, %get3A_80] : memref<64x64xf32, #tpu.memory_space<vmem>>, vector<64x64xf32>
    %dot_general3A_82 = arith.constant dense<0.000000e+00> : vector<64x2048xf32>
    %dot_general3A_83 = tpu.matmul %get3A_81, %max3A_78, %dot_general3A_82 {dimension_numbers = #tpu.dot_dimension_numbers<[0], [1], [1], [0], [0, 1, 1, 0], [], []>, transpose_lhs_hint = false} : vector<64x64xf32>, vector<2048x64xf32>, vector<64x2048xf32> -> vector<64x2048xf32>
    %get3A_84 = arith.constant 0 : index
    %get3A_85 = arith.constant 0 : index
    %get3A_86 = vector.load %arg15[%get3A_84, %get3A_85] : memref<64x1xf32, #tpu.memory_space<vmem>>, vector<64x1xf32>
    %add3A_87 = vector.broadcast %get3A_86 : vector<64x1xf32> to vector<64x2048xf32>
    %add3A_88 = arith.addf %dot_general3A_83, %add3A_87 : vector<64x2048xf32>
    %swap3A = arith.constant 0 : index
    %swap3A_89 = arith.constant 0 : index
    %swap3A_90 = vector.load %arg16[%swap3A, %swap3A_89] : memref<64x2048xf32, #tpu.memory_space<vmem>>, vector<64x2048xf32>
    tpu.vector_store %arg16[%swap3A, %swap3A_89], %add3A_88 {strides = array<i32>} : memref<64x2048xf32, #tpu.memory_space<vmem>>, vector<64x2048xf32>,
    return
  }
  func.func @transform_0(%arg0: i32) -> (i32, i32) {
    %c0_i32 = arith.constant 0 : i32
    %c0_i32_0 = arith.constant 0 : i32
    return %arg0, %c0_i32 : i32, i32
  }
  func.func @transform_1(%arg0: i32) -> (i32, i32) {
    %c0_i32 = arith.constant 0 : i32
    %c0_i32_0 = arith.constant 0 : i32
    return %arg0, %c0_i32 : i32, i32
  }
  func.func @transform_2(%arg0: i32) -> (i32, i32) {
    %c0_i32 = arith.constant 0 : i32
    %c0_i32_0 = arith.constant 0 : i32
    return %arg0, %c0_i32 : i32, i32
  }
  func.func @transform_3(%arg0: i32) -> (i32, i32) {
    %c0_i32 = arith.constant 0 : i32
    %c0_i32_0 = arith.constant 0 : i32
    return %arg0, %c0_i32 : i32, i32
  }
  func.func @transform_4(%arg0: i32) -> (i32, i32) {
    %c0_i32 = arith.constant 0 : i32
    %c0_i32_0 = arith.constant 0 : i32
    return %arg0, %c0_i32 : i32, i32
  }
  func.func @transform_5(%arg0: i32) -> (i32, i32) {
    %c0_i32 = arith.constant 0 : i32
    %c0_i32_0 = arith.constant 0 : i32
    return %arg0, %c0_i32 : i32, i32
  }
  func.func @transform_6(%arg0: i32) -> (i32, i32) {
    %c0_i32 = arith.constant 0 : i32
    %c0_i32_0 = arith.constant 0 : i32
    %c0_i32_1 = arith.constant 0 : i32
    return %c0_i32, %c0_i32_0 : i32, i32
  }
  func.func @transform_7(%arg0: i32) -> (i32, i32) {
    %c0_i32 = arith.constant 0 : i32
    %c0_i32_0 = arith.constant 0 : i32
    %c0_i32_1 = arith.constant 0 : i32
    return %c0_i32, %c0_i32_0 : i32, i32
  }
  func.func @transform_8(%arg0: i32) -> (i32, i32) {
    %c0_i32 = arith.constant 0 : i32
    %c0_i32_0 = arith.constant 0 : i32
    %c0_i32_1 = arith.constant 0 : i32
    return %c0_i32, %c0_i32_0 : i32, i32
  }
  func.func @transform_9(%arg0: i32) -> (i32, i32) {
    %c0_i32 = arith.constant 0 : i32
    %c0_i32_0 = arith.constant 0 : i32
    %c0_i32_1 = arith.constant 0 : i32
    return %c0_i32, %c0_i32_0 : i32, i32
  }
  func.func @transform_10(%arg0: i32) -> (i32, i32) {
    %c0_i32 = arith.constant 0 : i32
    %c0_i32_0 = arith.constant 0 : i32
    %c0_i32_1 = arith.constant 0 : i32
    return %c0_i32, %c0_i32_0 : i32, i32
  }
  func.func @transform_11(%arg0: i32) -> (i32, i32) {
    %c0_i32 = arith.constant 0 : i32
    %c0_i32_0 = arith.constant 0 : i32
    %c0_i32_1 = arith.constant 0 : i32
    return %c0_i32, %c0_i32_0 : i32, i32
  }
  func.func @transform_12(%arg0: i32) -> (i32, i32) {
    %c0_i32 = arith.constant 0 : i32
    %c0_i32_0 = arith.constant 0 : i32
    %c0_i32_1 = arith.constant 0 : i32
    return %c0_i32, %c0_i32_0 : i32, i32
  }
  func.func @transform_13(%arg0: i32) -> (i32, i32) {
    %c0_i32 = arith.constant 0 : i32
    %c0_i32_0 = arith.constant 0 : i32
    %c0_i32_1 = arith.constant 0 : i32
    return %c0_i32, %c0_i32_0 : i32, i32
  }
  func.func @transform_14(%arg0: i32) -> (i32, i32) {
    %c0_i32 = arith.constant 0 : i32
    %c0_i32_0 = arith.constant 0 : i32
    %c0_i32_1 = arith.constant 0 : i32
    return %c0_i32, %c0_i32_0 : i32, i32
  }
  func.func @transform_15(%arg0: i32) -> (i32, i32) {
    %c0_i32 = arith.constant 0 : i32
    %c0_i32_0 = arith.constant 0 : i32
    return %c0_i32, %arg0 : i32, i32
  }
}

</mosaic_0001>

<sc_bundles>
// kernel: kernel.10.cloned.1.call-start
scs
__scs_entry_jumppad:
0x0: {  	(pc) =	sbr.rel $0x88, $3  }
0x1: {  	(tag) =	ssettag $0x0;
	lr =	simm.s32 $0x1  }
0x2: {  	[smem:$0x3F93] =	sst lr;
	_ =	strace $0xD0000000  }
0x3: {  	_ = 	snop  }
0x4: {  	_ = 	snop  }
0x5: {  	_ = 	snop  }
0x6: {  	_ = 	snop  }
0x7: {  	_ = 	snop  }
__scs_overlays_trampoline_lowered:
0x8: {  	[smem:$0x3FA2] =	sst s0  }
0x9: {  	[smem:$0x3FA3] =	sst s1  }
0xa: {  	[smem:$0x3FA4] =	sst s2  }
0xb: {  	[smem:$0x3FA5] =	sst s3  }
0xc: {  	[smem:$0x3FA6] =	sst s4  }
0xd: {  	[smem:$0x3FA7] =	sst s5  }
0xe: {  	[smem:$0x3FA8] =	sst s6  }
0xf: {  	[smem:$0x3FA9] =	sst s7  }
0x10: {  	[smem:$0x3FAA] =	sst s8  }
0x11: {  	[smem:$0x3FAB] =	sst s9;
	s0 =	simm.s32 @!p0 $0x0  }
0x12: {  	s1 =	sld [smem:$0x3F91];
	s0 =	simm.s32 @p0 $0x1  }
0x13: {  	[smem:$0x3FAC] =	sst s0;
	s0 =	simm.s32 @!p1 $0x0  }
0x14: {  	s2 =	sld [smem:$0x3F90];
	s0 =	simm.s32 @p1 $0x1  }
0x15: {  	[smem:$0x3FAD] =	sst s0;
	s0 =	simm.s32 @!p2 $0x0  }
0x16: {  	s3 =	sld [smem:$0x3FDB];
	s0 =	simm.s32 @p2 $0x1  }
0x17: {  	s4 =	simm.s32 $0x1BF5;
	[smem:$0x3FAF] =	sst s0  }
0x18: {  	s0 =	sld [smem:$0x3F92];
	_ =	swait.ge [sflag:s4], $0x0  }
0x19: {  	s7 =	sld [smem:$0x3F93]  }
0x1a: {  	s8 =	sadd.s32 $0xFFFFE003, lr  }
0x1b: {  	s9 =	sadd.s32 $0xFFFFFEF7, lr;
	s5 =	simm.s32 $0xFFFFFFFF;
	p2 =	slt.u32 s8, $0xFFFFF086  }
0x1c: {  	p1 =	slt.u32 s9, $0xF7A;
	s5 =	simm.s32 @!p2 $0x0  }
0x1d: {  	s5 =	simm.s32 @p1 $0x1;
	p0 =	seq.s32 s7, s2  }
0x1e: {  	s7 =	smul.u32 @!p0 $0xF7A, s2;
	p2 =	seq.s32 @!p0 s5, $0x0  }
0x1f: {  	s9 =	smul.u32 $0xF7A, s1;
	s8 =	simm.s32 @!p0 $0x1BF5;
	p2 =	por !p2, p0  }
0x20: {  	[sflag:s8] =	ssyncset.s32 @!p0 $0xFFFFF086;
	s6 =	sadd.s32 @!p0 s3, s7;
	s7 =	simm.s32 @!p0 $0x108  }
0x21: {  	s3 =	sadd.s32 s3, s9;
	s6 =	sadd.s32 @!p0 $0x88, s6;
	s7 =	simm.s32 @p2 $0x1082  }
0x22: {  	[simem:s7], [sflag:s8] =	dma.local @!p0 [hbm:s6], $0xF7A  }
0x23: {  	s9 =	sor.u32 $0xD0000000, s2;
	s6 =	simm.s32 $0x108;
	_ =	swait.ge @!p0 [sflag:s8], $0x0  }
0x24: {  	s3 =	sadd.s32 $0x88, s3;
	s6 =	simm.s32 @!p1 $0x1082;
	[sflag:s4] =	ssyncset.s32 $0xFFFFF086  }
0x25: {  	[simem:s6], [sflag:s4] =	dma.local [hbm:s3], $0xF7A  }
0x26: {  	[smem:$0x3F93] =	sst s1;
	(tag) =	ssettag s2;
	_ =	strace s9  }
0x27: {  	s1 =	sld [smem:$0x3FA3]  }
0x28: {  	s2 =	sld [smem:$0x3FA4]  }
0x29: {  	s4 =	sld [smem:$0x3FA6]  }
0x2a: {  	p0 =	seq.s32 s5, $0x0;
	s5 =	sld [smem:$0x3FA7]  }
0x2b: {  	s6 =	sld [smem:$0x3FA8]  }
0x2c: {  	s7 =	sld [smem:$0x3FA9]  }
0x2d: {  	s3 =	simm.s32 $0x108;
	s8 =	sld [smem:$0x3FAA]  }
0x2e: {  	s3 =	simm.s32 @!p0 $0x1082;
	s9 =	sld [smem:$0x3FAB]  }
0x2f: {  	lr =	sadd.s32 s0, s3;
	s0 =	sld [smem:$0x3FA2]  }
0x30: {  	s3 =	sld [smem:$0x3FA5]  }
0x31: {  	[smem:$0x3FAE] =	sst s10  }
0x32: {  	s10 =	sld [smem:$0x3FAC];
	_ =	sdelay $0x3  }
0x33: {  	p0 =	seq.s32 s10, $0x1;
	s10 =	sld [smem:$0x3FAE];
	_ =	sdelay $0x3  }
0x34: {  	[smem:$0x3FAE] =	sst s10  }
0x35: {  	s10 =	sld [smem:$0x3FAD];
	_ =	sdelay $0x3  }
0x36: {  	p1 =	seq.s32 s10, $0x1;
	s10 =	sld [smem:$0x3FAE];
	_ =	sdelay $0x3  }
0x37: {  	[smem:$0x3FAE] =	sst s10  }
0x38: {  	s10 =	sld [smem:$0x3FAF]  }
0x39: {  	_ = 	snop;
	(pc) =	sbr.ind lr, $3  }
0x3a: {  	_ = 	snop  }
0x3b: {  	_ = 	snop  }
0x3c: {  	p2 =	seq.s32 s10, $0x1;
	s10 =	sld [smem:$0x3FAE]  }
0x3d: {  	_ =	shalt  }
0x3e: {  	_ =	shalt  }
0x3f: {  	_ =	shalt  }
0x40: {  	_ =	shalt  }
0x41: {  	_ =	shalt  }
0x42: {  	_ =	shalt  }
0x43: {  	_ =	shalt  }
0x44: {  	_ =	shalt  }
0x45: {  	_ =	shalt  }
0x46: {  	_ =	shalt  }
0x47: {  	_ =	shalt  }
0x48: {  	_ =	shalt  }
0x49: {  	_ =	shalt  }
0x4a: {  	_ =	shalt  }
0x4b: {  	_ =	shalt  }
0x4c: {  	_ =	shalt  }
0x4d: {  	_ =	shalt  }
0x4e: {  	_ =	shalt  }
0x4f: {  	_ =	shalt  }
0x50: {  	_ =	shalt  }
0x51: {  	_ =	shalt  }
0x52: {  	_ =	shalt  }
0x53: {  	_ =	shalt  }
0x54: {  	_ =	shalt  }
0x55: {  	_ =	shalt  }
0x56: {  	_ =	shalt  }
0x57: {  	_ =	shalt  }
0x58: {  	_ =	shalt  }
0x59: {  	_ =	shalt  }
0x5a: {  	_ =	shalt  }
0x5b: {  	_ =	shalt  }
0x5c: {  	_ =	shalt  }
0x5d: {  	_ =	shalt  }
0x5e: {  	_ =	shalt  }
0x5f: {  	_ =	shalt  }
0x60: {  	_ =	shalt  }
0x61: {  	_ =	shalt  }
0x62: {  	_ =	shalt  }
0x63: {  	_ =	shalt  }
0x64: {  	_ =	shalt  }
0x65: {  	_ =	shalt  }
0x66: {  	_ =	shalt  }
0x67: {  	_ =	shalt  }
0x68: {  	_ =	shalt  }
0x69: {  	_ =	shalt  }
0x6a: {  	_ =	shalt  }
0x6b: {  	_ =	shalt  }
0x6c: {  	_ =	shalt  }
0x6d: {  	_ =	shalt  }
0x6e: {  	_ =	shalt  }
0x6f: {  	_ =	shalt  }
0x70: {  	_ =	shalt  }
0x71: {  	_ =	shalt  }
0x72: {  	_ =	shalt  }
0x73: {  	_ =	shalt  }
0x74: {  	_ =	shalt  }
0x75: {  	_ =	shalt  }
0x76: {  	_ =	shalt  }
0x77: {  	_ =	shalt  }
0x78: {  	_ =	shalt  }
0x79: {  	_ =	shalt  }
0x7a: {  	_ =	shalt  }
0x7b: {  	_ =	shalt  }
0x7c: {  	_ =	shalt  }
0x7d: {  	_ =	shalt  }
0x7e: {  	_ =	shalt  }
0x7f: {  	_ =	shalt  }
0x80: {  	_ =	shalt  }
0x81: {  	_ =	shalt  }
0x82: {  	_ =	shalt  }
0x83: {  	_ =	shalt  }
0x84: {  	_ =	shalt  }
0x85: {  	_ =	shalt  }
0x86: {  	_ =	shalt  }
0x87: {  	_ =	shalt  }
.Lfunc_end0:
.L_simem_size_0:
called_computation.1_lowered:
.L_overlay_start_0:
0x88: {  	s2 =	sld [smem:$0x3FD9]  }
0x89: {  	s3 =	sld [smem:$0x3FFE];
	_ =	sdelay $0x1  }
0x8a: {  	s1 =	srdreg.scid  }
0x8b: {  	s0 =	sand.u32 $0x1, s1  }
0x8c: {  	s17 =	sshll.u32 s0, $0xA;
	s2 =	sadd.s32 s3, s2  }
0x8d: {  	s2 =	sadd.s32 s2, s17  }
0x8e: {  	[smem:$0x3FBA] =	sst s2  }
0x8f: {  	_ = 	snop  }
0x90: {  	s2 =	sld [smem:$0x3FC7];
	(tm) =	ssettm $0x1  }
0x91: {  	s18 =	sld [smem:$0x3FFB];
	_ =	sdelay $0x3  }
0x92: {  	_ =	strace s18  }
0x93: {  	s3 =	sld [smem:$0x3FFC];
	_ =	sdelay $0x3  }
0x94: {  	_ =	strace s3  }
0x95: {  	s3 =	sld [smem:$0x3FFD];
	_ =	sdelay $0x3  }
0x96: {  	_ =	strace s3  }
0x97: {  	_ =	strace $0x8FFFFFFF  }
0x98: {  	s19 =	sld [smem:$0x3FDB];
	_ =	sdelay $0x1  }
0x99: {  	s4 =	simm.s32 $_scs_section_size  }
0x9a: {  	s5 =	simm.s32 $_size__tile_overlayer_lowered;
	s6 =	simm.s32 $_tile_overlayer_lowered  }
0x9b: {  	s22 =	simm.s32 $0x1BFF;
	s21 =	sshll.u32 s6, $0x1;
	s3 =	sadd.s32 s4, s19  }
0x9c: {  	s7 =	simm.s32 $0x0;
	s20 =	sshll.u32 s5, $0x1;
	s5 =	sadd.s32 s21, s3  }
0x9d: {  	[timem:s7], [sflag:s22] =	dma.local [hbm:s5], s20  }
0x9e: {  	_ =	swait.ge [sflag:s22], s20  }
0x9f: {  	s4 =	ssub.s32 $0x0, s20;
	[sflag:s22] =	ssyncset.done $0x0  }
0xa0: {  	[sflag:s22] =	ssyncadd.s32 s4;
	_ =	sdelay $0x1  }
0xa1: {  	s23 =	simm.s32 $0x1B8B  }
0xa2: {  	_ =	swait.ge [sflag:s23], $0x1  }
0xa3: {  	[sflag:s23] =	ssyncset.done $0x0  }
0xa4: {  	s25 =	simm.s32 $0x1B8E;
	s24 =	sld [smem:$0x3FFE];
	[sflag:s23] =	ssyncadd.s32 $0xFFFFFFFF  }
0xa5: {  	s26 =	simm.s32 $execute0_lowered;
	[smem:$0x3FD2] =	sst s25  }
0xa6: {  	s5 =	sshll.u32 s26, $0x1;
	_ =	strace $0x80000046;
	[dreg:$0x1] =	wrdreg $0xFFFFFFFF  }
0xa7: {  	s28 =	simm.s32 $_size_execute0_lowered;
	s3 =	sadd.s32 s3, s5;
	[dreg:$0x0] =	wrdreg $0x0  }
0xa8: {  	s5 =	sshll.u32 s28, $0x1;
	[dreg:$0x2] =	wrdreg s3  }
0xa9: {  	[dreg:$0x3] =	wrdreg s5  }
0xaa: {  	[dreg:$0x4] =	wrdreg $0xC0  }
0xab: {  	_ =	task [dreg:s7], $0x5FFFF  }
0xac: {  	[dreg:$0x1] =	wrdreg $0xFFFFFFFF  }
0xad: {  	[dreg:$0x0] =	wrdreg $0x60  }
0xae: {  	[dreg:$0x2] =	wrdreg s24  }
0xaf: {  	[dreg:$0x3] =	wrdreg s2  }
0xb0: {  	[dreg:$0x4] =	wrdreg $0xA  }
0xb1: {  	_ =	task.clear_ibuf [dreg:s7], $0x5FFFF;
	_ =	strace $0x90000046  }
0xb2: {  	s29 =	simm.s32 $0xA;
	_ =	strace $0x80000048  }
0xb3: {  	_ =	swait.ge [sflag:s29], $0x1  }
0xb4: {  	[sflag:s29] =	ssyncadd.s32 $0xFFFFFFFF  }
0xb5: {  	_ =	strace $0x90000048  }
0xb6: {  	_ =	sfence  }
0xb7: {  	s30 =	sld [smem:$0x0];
	_ =	sdelay $0x2  }
0xb8: {  	s31 =	sshll.u32 s1, $0xD;
	s1 =	sshrl.u32 s1, $0x2  }
0xb9: {  	s3 =	sand.u32 $0x4000, s31;
	s1 =	sadd.s32 s1, s30  }
0xba: {  	s0 =	sor.u32 s3, s0;
	s1 =	sshll.u32 s1, $0x11  }
0xbb: {  	s0 =	sor.u32 s1, s0  }
0xbc: {  	s0 =	sadd.s32 $0x8F2B, s0  }
0xbd: {  	[sflag:s0] =	ssyncadd.remote.s32 $0x1  }
0xbe: {  	_ =	sfence.sel $0xFFFF  }
0xbf: {  	[dreg:$0x0] =	wrdreg $0xFFFFFFFF;
	(pc) =	sbr.abs _section_cstart, $3  }
0xc0: {  	[dreg:$0x1] =	wrdreg $0xFFFFFFFF  }
0xc1: {  	_ =	task.clear_ibuf [dreg:s7], $0x2FFFF;
	_ =	strace $0x9FFFFFFF  }
0xc2: {  	(tm) =	ssettm $0x7FFFFFFF  }
0xc3: {  	_ =	shalt  }
tec
execute0_lowered:
.L_overlay_start_1:
0x0: {  	(tag) =	ssettag $0x1  }
0x1: {  	s1 =	srdreg.scid  }
0x2: {  	s0 =	stileid.u32;
	s26 =	sand.u32 $0x1, s1  }
0x3: {  	s28 =	rddreg [dreg:$0x0];
	s3 =	sshll.u32 s0, $0xA;
	s4 =	sshll.u32 s26, $0x9  }
0x4: {  	s6 =	rddreg [dreg:$0x1];
	s29 =	sor.u32 s4, s3  }
0x5: {  	s2 =	simm.s32 $0x0;
	s1 =	rddreg [dreg:$0x2];
	s7 =	sshrl.u32 s29, $0x3  }
0x6: {  	s5 =	simm.s32 $0xA000;
	[smem:$0x7FF] =	sst s2;
	s31 =	sadd.s32 s7, s28  }
0x7: {  	_ =	strace $0x80000047;
	s4 =	simm.s32 $0x3;
	s3 =	sadd.s32 $0x3400, s31  }
0x8: {  	[tilespmem:s5], [sflag:$0x3] =	stream.linear.gather [hbm4b:s3+s2], $0x200, $0x38;
	[tilespmem:$0xA400] =	vst v63  }
0x9: {  	_ =	swait.ge [sflag:s4], $0x200  }
0xa: {  	[sflag:s4] =	ssyncset.done $0x0  }
0xb: {  	s6 =	sadd.s32 s6, s7;
	s7 =	simm.s32 $0xA200;
	[sflag:s4] =	ssyncadd.s32 $0xFFFFFE00  }
0xc: {  	[tilespmem:s7], [sflag:$0x3] =	stream.linear.gather [hbm4b:s6+s2], $0x200, $0x38;
	[tilespmem:$0xA400] =	vst v63  }
0xd: {  	_ =	swait.ge [sflag:s4], $0x200  }
0xe: {  	[sflag:s4] =	ssyncset.done $0x0  }
0xf: {  	s9 =	simm.s32 $0x80;
	s8 =	sadd.s32 $0x3C00, s28;
	[sflag:s4] =	ssyncadd.s32 $0xFFFFFE00  }
0x10: {  	[tilespmem:s2], [sflag:$0x1] =	stream.indirect.gather [hbm4b:s8+s9], $0x40, s5, s9, $0xb8;
	[tilespmem:$0xA400] =	vst v63  }
0x11: {  	s11 =	simm.s32 $0x8000;
	s10 =	sadd.s32 $0x2C00, s28  }
0x12: {  	[tilespmem:s11], [sflag:$0x2] =	stream.indirect.gather [hbm4b:s10+s9], $0x10, s7, s9, $0xb8;
	[tilespmem:$0xA400] =	vst v63  }
0x13: {  	s12 =	simm.s32 $0xA080;
	s13 =	simm.s32 $0x2000  }
0x14: {  	[tilespmem:s13], [sflag:$0x1] =	stream.indirect.gather [hbm4b:s8+s9], $0x40, s12, s9, $0xb8;
	[tilespmem:$0xA400] =	vst v63  }
0x15: {  	s14 =	simm.s32 $0xA280;
	s15 =	simm.s32 $0x8800  }
0x16: {  	[tilespmem:s15], [sflag:$0x2] =	stream.indirect.gather [hbm4b:s10+s9], $0x10, s14, s9, $0xb8;
	[tilespmem:$0xA400] =	vst v63  }
0x17: {  	s16 =	simm.s32 $0xA100;
	s17 =	simm.s32 $0x4000  }
0x18: {  	[tilespmem:s17], [sflag:$0x1] =	stream.indirect.gather [hbm4b:s8+s9], $0x40, s16, s9, $0xb8;
	[tilespmem:$0xA400] =	vst v63  }
0x19: {  	s18 =	simm.s32 $0xA300;
	s19 =	simm.s32 $0x9000  }
0x1a: {  	[tilespmem:s19], [sflag:$0x2] =	stream.indirect.gather [hbm4b:s10+s9], $0x10, s18, s9, $0xb8;
	[tilespmem:$0xA400] =	vst v63  }
0x1b: {  	s20 =	simm.s32 $0xA180;
	s21 =	simm.s32 $0x6000  }
0x1c: {  	[tilespmem:s21], [sflag:$0x1] =	stream.indirect.gather [hbm4b:s8+s9], $0x40, s20, s9, $0xb8;
	[tilespmem:$0xA400] =	vst v63  }
0x1d: {  	s22 =	simm.s32 $0xA380;
	s23 =	simm.s32 $0x9800;
	s24 =	simm.s32 $0x1  }
0x1e: {  	[tilespmem:s23], [sflag:$0x2] =	stream.indirect.gather [hbm4b:s10+s9], $0x10, s22, s9, $0xb8;
	[tilespmem:$0xA400] =	vst v63  }
0x1f: {  	_ =	swait.ge [sflag:s24], $0x2000  }
0x20: {  	[sflag:s24] =	ssyncset.done $0x0  }
0x21: {  	s25 =	simm.s32 $0x2;
	[sflag:s24] =	ssyncadd.s32 $0xFFFFE000  }
0x22: {  	_ =	swait.ge [sflag:s25], $0x800  }
0x23: {  	[sflag:s25] =	ssyncset.done $0x0  }
0x24: {  	[sflag:s25] =	ssyncadd.s32 $0xFFFFF800  }
0x25: {  	_ =	swait.ge [sflag:s24], $0x2000  }
0x26: {  	[sflag:s24] =	ssyncset.done $0x0  }
0x27: {  	[sflag:s24] =	ssyncadd.s32 $0xFFFFE000  }
0x28: {  	_ =	swait.ge [sflag:s25], $0x800  }
0x29: {  	[sflag:s25] =	ssyncset.done $0x0  }
0x2a: {  	[sflag:s25] =	ssyncadd.s32 $0xFFFFF800  }
0x2b: {  	_ =	swait.ge [sflag:s24], $0x2000  }
0x2c: {  	[sflag:s24] =	ssyncset.done $0x0  }
0x2d: {  	[sflag:s24] =	ssyncadd.s32 $0xFFFFE000  }
0x2e: {  	_ =	swait.ge [sflag:s25], $0x800  }
0x2f: {  	[sflag:s25] =	ssyncset.done $0x0  }
0x30: {  	[sflag:s25] =	ssyncadd.s32 $0xFFFFF800  }
0x31: {  	_ =	swait.ge [sflag:s24], $0x2000  }
0x32: {  	s30 =	sshll.u32 s29, $0x3;
	s29 =	sshll.u32 s29, $0x1;
	[sflag:s24] =	ssyncset.done $0x0  }
0x33: {  	s30 =	sadd.s32 s30, s28;
	s31 =	ssub.s32 $0x2, s26;
	[sflag:s24] =	ssyncadd.s32 $0xFFFFE000  }
0x34: {  	s26 =	sadd.s32 $0x7CBC00, s30;
	s30 =	sshrl.u32 s31, $0x1;
	_ =	swait.ge [sflag:s25], $0x800  }
0x35: {  	s28 =	sadd.s32 s29, s28;
	s29 =	ssub.s32 s31, s30;
	[sflag:s25] =	ssyncset.done $0x0  }
0x36: {  	s29 =	smax.u32 s29, $0x1;
	[sflag:s25] =	ssyncadd.s32 $0xFFFFF800  }
0x37: {  	[hbm4b:s26+s2] =	stream.linear.scatter [tilespmem:s2], [sflag:$0x3], $0x8000, $0x38;
	[tilespmem:$0xA400] =	vst v63  }
0x38: {  	p0 =	sne.s32 s29, $0x1;
	_ =	swait.ge [sflag:s4], $0x8000  }
.Ltmp0:
0x39: {  	[sflag:s4] =	ssyncset.done $0x0;
	(pc) =	sbr.rel @!p0 .LBB2_2-.Ltmp0, $4  }
0x3a: {  	s28 =	sadd.s32 $0x7C3C00, s28;
	[sflag:s4] =	ssyncadd.s32 $0xFFFF8000  }
0x3b: {  	[hbm4b:s28+s2] =	stream.linear.scatter [tilespmem:s11], [sflag:$0x3], $0x2000, $0x38;
	[tilespmem:$0xA400] =	vst v63  }
0x3c: {  	_ =	swait.ge [sflag:s4], $0x2000  }
0x3d: {  	s29 =	sadd.s32 $0xFFFFFFFF, s29;
	[sflag:s4] =	ssyncset.done $0x0  }
.LBB2_1:
0x3e: {  	p0 =	sne.s32 s29, $0x1;
	s29 =	sadd.s32 $0xFFFFFFFF, s29;
	[sflag:s4] =	ssyncadd.s32 $0xFFFFE000  }
0x3f: {  	[tilespmem:s5], [sflag:$0x3] =	stream.linear.gather [hbm4b:s3+s2], $0x200, $0x38;
	[tilespmem:$0xA400] =	vst v63  }
0x40: {  	_ =	swait.ge [sflag:s4], $0x200  }
0x41: {  	[sflag:s4] =	ssyncset.done $0x0  }
0x42: {  	[sflag:s4] =	ssyncadd.s32 $0xFFFFFE00  }
0x43: {  	[tilespmem:s7], [sflag:$0x3] =	stream.linear.gather [hbm4b:s6+s2], $0x200, $0x38;
	[tilespmem:$0xA400] =	vst v63  }
0x44: {  	_ =	swait.ge [sflag:s4], $0x200  }
0x45: {  	[sflag:s4] =	ssyncset.done $0x0  }
0x46: {  	[sflag:s4] =	ssyncadd.s32 $0xFFFFFE00  }
0x47: {  	[tilespmem:s2], [sflag:$0x1] =	stream.indirect.gather [hbm4b:s8+s9], $0x40, s5, s9, $0xb8;
	[tilespmem:$0xA400] =	vst v63  }
0x48: {  	_ = 	snop  }
0x49: {  	[tilespmem:s11], [sflag:$0x2] =	stream.indirect.gather [hbm4b:s10+s9], $0x10, s7, s9, $0xb8;
	[tilespmem:$0xA400] =	vst v63  }
0x4a: {  	_ = 	snop  }
0x4b: {  	[tilespmem:s13], [sflag:$0x1] =	stream.indirect.gather [hbm4b:s8+s9], $0x40, s12, s9, $0xb8;
	[tilespmem:$0xA400] =	vst v63  }
0x4c: {  	_ = 	snop  }
0x4d: {  	[tilespmem:s15], [sflag:$0x2] =	stream.indirect.gather [hbm4b:s10+s9], $0x10, s14, s9, $0xb8;
	[tilespmem:$0xA400] =	vst v63  }
0x4e: {  	_ = 	snop  }
0x4f: {  	[tilespmem:s17], [sflag:$0x1] =	stream.indirect.gather [hbm4b:s8+s9], $0x40, s16, s9, $0xb8;
	[tilespmem:$0xA400] =	vst v63  }
0x50: {  	_ = 	snop  }
0x51: {  	[tilespmem:s19], [sflag:$0x2] =	stream.indirect.gather [hbm4b:s10+s9], $0x10, s18, s9, $0xb8;
	[tilespmem:$0xA400] =	vst v63  }
0x52: {  	_ = 	snop  }
0x53: {  	[tilespmem:s21], [sflag:$0x1] =	stream.indirect.gather [hbm4b:s8+s9], $0x40, s20, s9, $0xb8;
	[tilespmem:$0xA400] =	vst v63  }
0x54: {  	_ = 	snop  }
0x55: {  	[tilespmem:s23], [sflag:$0x2] =	stream.indirect.gather [hbm4b:s10+s9], $0x10, s22, s9, $0xb8;
	[tilespmem:$0xA400] =	vst v63  }
0x56: {  	_ =	swait.ge [sflag:s24], $0x2000  }
0x57: {  	[sflag:s24] =	ssyncset.done $0x0  }
0x58: {  	[sflag:s24] =	ssyncadd.s32 $0xFFFFE000  }
0x59: {  	_ =	swait.ge [sflag:s25], $0x800  }
0x5a: {  	[sflag:s25] =	ssyncset.done $0x0  }
0x5b: {  	[sflag:s25] =	ssyncadd.s32 $0xFFFFF800  }
0x5c: {  	_ =	swait.ge [sflag:s24], $0x2000  }
0x5d: {  	[sflag:s24] =	ssyncset.done $0x0  }
0x5e: {  	[sflag:s24] =	ssyncadd.s32 $0xFFFFE000  }
0x5f: {  	_ =	swait.ge [sflag:s25], $0x800  }
0x60: {  	[sflag:s25] =	ssyncset.done $0x0  }
0x61: {  	[sflag:s25] =	ssyncadd.s32 $0xFFFFF800  }
0x62: {  	_ =	swait.ge [sflag:s24], $0x2000  }
0x63: {  	[sflag:s24] =	ssyncset.done $0x0  }
0x64: {  	[sflag:s24] =	ssyncadd.s32 $0xFFFFE000  }
0x65: {  	_ =	swait.ge [sflag:s25], $0x800  }
0x66: {  	[sflag:s25] =	ssyncset.done $0x0  }
0x67: {  	[sflag:s25] =	ssyncadd.s32 $0xFFFFF800  }
0x68: {  	_ =	swait.ge [sflag:s24], $0x2000  }
0x69: {  	[sflag:s24] =	ssyncset.done $0x0  }
0x6a: {  	[sflag:s24] =	ssyncadd.s32 $0xFFFFE000  }
0x6b: {  	_ =	swait.ge [sflag:s25], $0x800  }
0x6c: {  	[sflag:s25] =	ssyncset.done $0x0  }
0x6d: {  	[sflag:s25] =	ssyncadd.s32 $0xFFFFF800  }
0x6e: {  	[hbm4b:s26+s2] =	stream.linear.scatter [tilespmem:s2], [sflag:$0x3], $0x8000, $0x38;
	[tilespmem:$0xA400] =	vst v63  }
0x6f: {  	_ =	swait.ge [sflag:s4], $0x8000  }
.Ltmp1:
0x70: {  	[sflag:s4] =	ssyncset.done $0x0;
	(pc) =	sbr.rel @p0 .LBB2_1-.Ltmp1, $4  }
0x71: {  	[sflag:s4] =	ssyncadd.s32 $0xFFFF8000  }
0x72: {  	[hbm4b:s28+s2] =	stream.linear.scatter [tilespmem:s11], [sflag:$0x3], $0x2000, $0x38;
	[tilespmem:$0xA400] =	vst v63  }
0x73: {  	_ =	swait.ge [sflag:s4], $0x2000  }
0x74: {  	[sflag:s4] =	ssyncset.done $0x0  }
.LBB2_2:
0x75: {  	[sflag:s4] =	ssyncadd.s32 $0xFFFFE000  }
0x76: {  	_ =	sfence.sel $0x180000  }
0x77: {  	[bflag:$0x0] =	sbarrier.arrive $0xFFFF  }
0x78: {  	p0 =	sne.s32 s0, $0x0;
	_ =	strace $0x90000047  }
0x79: {  	s0 =	sadd.s32 @!p0 $0x100000, s1;
	[bflag:$0x2] =	sbarrier.arrive $0xFFFF  }
0x7a: {  	[sflag:s0] =	ssyncadd.tile.s32 @!p0 $0x1;
	_ =	shalt  }
.Lfunc_end2:
_tile_overlayer_lowered:
.L_overlay_start_2:
0x7b: {  	(tag) =	ssettag $0x2  }
0x7c: {  	s0 =	rddreg [dreg:$0x0];
	s2 =	stileid.u32  }
0x7d: {  	s1 =	rddreg [dreg:$0x1];
	p0 =	sne.s32 s2, $0x0  }
0x7e: {  	s3 =	rddreg [dreg:$0x2];
	[bflag:$0x3] =	sbarrier.arrive $0xFFFF;
	s2 =	simm.s32 @!p0 $0x1C03  }
0x7f: {  	[timem:s3], [sflag:s2] =	dma.local @!p0 [hbm:s0], s1  }
0x80: {  	s0 =	simm.s32 @!p0 $0x3  }
0x81: {  	_ =	swait.ge @!p0 [sflag:s0], s1  }
0x82: {  	s1 =	ssub.s32 @!p0 $0x0, s1;
	[sflag:s0] =	ssyncset.done @!p0 $0x0  }
0x83: {  	[sflag:s0] =	ssyncadd.s32 @!p0 s1  }
0x84: {  	[bflag:$0x3] =	sbarrier.arrive $0xFFFF  }
0x85: {  	_ =	shalt  }

// kernel: kernel.7.cloned.1.call-start
scs
__scs_entry_jumppad:
0x0: {  	(pc) =	sbr.rel $0x88, $3  }
0x1: {  	(tag) =	ssettag $0x0;
	lr =	simm.s32 $0x1  }
0x2: {  	[smem:$0x3F93] =	sst lr;
	_ =	strace $0xD0000000  }
0x3: {  	_ = 	snop  }
0x4: {  	_ = 	snop  }
0x5: {  	_ = 	snop  }
0x6: {  	_ = 	snop  }
0x7: {  	_ = 	snop  }
__scs_overlays_trampoline_lowered:
0x8: {  	[smem:$0x3FA2] =	sst s0  }
0x9: {  	[smem:$0x3FA3] =	sst s1  }
0xa: {  	[smem:$0x3FA4] =	sst s2  }
0xb: {  	[smem:$0x3FA5] =	sst s3  }
0xc: {  	[smem:$0x3FA6] =	sst s4  }
0xd: {  	[smem:$0x3FA7] =	sst s5  }
0xe: {  	[smem:$0x3FA8] =	sst s6  }
0xf: {  	[smem:$0x3FA9] =	sst s7  }
0x10: {  	[smem:$0x3FAA] =	sst s8  }
0x11: {  	[smem:$0x3FAB] =	sst s9;
	s0 =	simm.s32 @!p0 $0x0  }
0x12: {  	s1 =	sld [smem:$0x3F91];
	s0 =	simm.s32 @p0 $0x1  }
0x13: {  	[smem:$0x3FAC] =	sst s0;
	s0 =	simm.s32 @!p1 $0x0  }
0x14: {  	s2 =	sld [smem:$0x3F90];
	s0 =	simm.s32 @p1 $0x1  }
0x15: {  	[smem:$0x3FAD] =	sst s0;
	s0 =	simm.s32 @!p2 $0x0  }
0x16: {  	s3 =	sld [smem:$0x3FDB];
	s0 =	simm.s32 @p2 $0x1  }
0x17: {  	s4 =	simm.s32 $0x1BF5;
	[smem:$0x3FAF] =	sst s0  }
0x18: {  	s0 =	sld [smem:$0x3F92];
	_ =	swait.ge [sflag:s4], $0x0  }
0x19: {  	s7 =	sld [smem:$0x3F93]  }
0x1a: {  	s8 =	sadd.s32 $0xFFFFE003, lr  }
0x1b: {  	s9 =	sadd.s32 $0xFFFFFEF7, lr;
	s5 =	simm.s32 $0xFFFFFFFF;
	p2 =	slt.u32 s8, $0xFFFFF086  }
0x1c: {  	p1 =	slt.u32 s9, $0xF7A;
	s5 =	simm.s32 @!p2 $0x0  }
0x1d: {  	s5 =	simm.s32 @p1 $0x1;
	p0 =	seq.s32 s7, s2  }
0x1e: {  	s7 =	smul.u32 @!p0 $0xF7A, s2;
	p2 =	seq.s32 @!p0 s5, $0x0  }
0x1f: {  	s9 =	smul.u32 $0xF7A, s1;
	s8 =	simm.s32 @!p0 $0x1BF5;
	p2 =	por !p2, p0  }
0x20: {  	[sflag:s8] =	ssyncset.s32 @!p0 $0xFFFFF086;
	s6 =	sadd.s32 @!p0 s3, s7;
	s7 =	simm.s32 @!p0 $0x108  }
0x21: {  	s3 =	sadd.s32 s3, s9;
	s6 =	sadd.s32 @!p0 $0x88, s6;
	s7 =	simm.s32 @p2 $0x1082  }
0x22: {  	[simem:s7], [sflag:s8] =	dma.local @!p0 [hbm:s6], $0xF7A  }
0x23: {  	s9 =	sor.u32 $0xD0000000, s2;
	s6 =	simm.s32 $0x108;
	_ =	swait.ge @!p0 [sflag:s8], $0x0  }
0x24: {  	s3 =	sadd.s32 $0x88, s3;
	s6 =	simm.s32 @!p1 $0x1082;
	[sflag:s4] =	ssyncset.s32 $0xFFFFF086  }
0x25: {  	[simem:s6], [sflag:s4] =	dma.local [hbm:s3], $0xF7A  }
0x26: {  	[smem:$0x3F93] =	sst s1;
	(tag) =	ssettag s2;
	_ =	strace s9  }
0x27: {  	s1 =	sld [smem:$0x3FA3]  }
0x28: {  	s2 =	sld [smem:$0x3FA4]  }
0x29: {  	s4 =	sld [smem:$0x3FA6]  }
0x2a: {  	p0 =	seq.s32 s5, $0x0;
	s5 =	sld [smem:$0x3FA7]  }
0x2b: {  	s6 =	sld [smem:$0x3FA8]  }
0x2c: {  	s7 =	sld [smem:$0x3FA9]  }
0x2d: {  	s3 =	simm.s32 $0x108;
	s8 =	sld [smem:$0x3FAA]  }
0x2e: {  	s3 =	simm.s32 @!p0 $0x1082;
	s9 =	sld [smem:$0x3FAB]  }
0x2f: {  	lr =	sadd.s32 s0, s3;
	s0 =	sld [smem:$0x3FA2]  }
0x30: {  	s3 =	sld [smem:$0x3FA5]  }
0x31: {  	[smem:$0x3FAE] =	sst s10  }
0x32: {  	s10 =	sld [smem:$0x3FAC];
	_ =	sdelay $0x3  }
0x33: {  	p0 =	seq.s32 s10, $0x1;
	s10 =	sld [smem:$0x3FAE];
	_ =	sdelay $0x3  }
0x34: {  	[smem:$0x3FAE] =	sst s10  }
0x35: {  	s10 =	sld [smem:$0x3FAD];
	_ =	sdelay $0x3  }
0x36: {  	p1 =	seq.s32 s10, $0x1;
	s10 =	sld [smem:$0x3FAE];
	_ =	sdelay $0x3  }
0x37: {  	[smem:$0x3FAE] =	sst s10  }
0x38: {  	s10 =	sld [smem:$0x3FAF]  }
0x39: {  	_ = 	snop;
	(pc) =	sbr.ind lr, $3  }
0x3a: {  	_ = 	snop  }
0x3b: {  	_ = 	snop  }
0x3c: {  	p2 =	seq.s32 s10, $0x1;
	s10 =	sld [smem:$0x3FAE]  }
0x3d: {  	_ =	shalt  }
0x3e: {  	_ =	shalt  }
0x3f: {  	_ =	shalt  }
0x40: {  	_ =	shalt  }
0x41: {  	_ =	shalt  }
0x42: {  	_ =	shalt  }
0x43: {  	_ =	shalt  }
0x44: {  	_ =	shalt  }
0x45: {  	_ =	shalt  }
0x46: {  	_ =	shalt  }
0x47: {  	_ =	shalt  }
0x48: {  	_ =	shalt  }
0x49: {  	_ =	shalt  }
0x4a: {  	_ =	shalt  }
0x4b: {  	_ =	shalt  }
0x4c: {  	_ =	shalt  }
0x4d: {  	_ =	shalt  }
0x4e: {  	_ =	shalt  }
0x4f: {  	_ =	shalt  }
0x50: {  	_ =	shalt  }
0x51: {  	_ =	shalt  }
0x52: {  	_ =	shalt  }
0x53: {  	_ =	shalt  }
0x54: {  	_ =	shalt  }
0x55: {  	_ =	shalt  }
0x56: {  	_ =	shalt  }
0x57: {  	_ =	shalt  }
0x58: {  	_ =	shalt  }
0x59: {  	_ =	shalt  }
0x5a: {  	_ =	shalt  }
0x5b: {  	_ =	shalt  }
0x5c: {  	_ =	shalt  }
0x5d: {  	_ =	shalt  }
0x5e: {  	_ =	shalt  }
0x5f: {  	_ =	shalt  }
0x60: {  	_ =	shalt  }
0x61: {  	_ =	shalt  }
0x62: {  	_ =	shalt  }
0x63: {  	_ =	shalt  }
0x64: {  	_ =	shalt  }
0x65: {  	_ =	shalt  }
0x66: {  	_ =	shalt  }
0x67: {  	_ =	shalt  }
0x68: {  	_ =	shalt  }
0x69: {  	_ =	shalt  }
0x6a: {  	_ =	shalt  }
0x6b: {  	_ =	shalt  }
0x6c: {  	_ =	shalt  }
0x6d: {  	_ =	shalt  }
0x6e: {  	_ =	shalt  }
0x6f: {  	_ =	shalt  }
0x70: {  	_ =	shalt  }
0x71: {  	_ =	shalt  }
0x72: {  	_ =	shalt  }
0x73: {  	_ =	shalt  }
0x74: {  	_ =	shalt  }
0x75: {  	_ =	shalt  }
0x76: {  	_ =	shalt  }
0x77: {  	_ =	shalt  }
0x78: {  	_ =	shalt  }
0x79: {  	_ =	shalt  }
0x7a: {  	_ =	shalt  }
0x7b: {  	_ =	shalt  }
0x7c: {  	_ =	shalt  }
0x7d: {  	_ =	shalt  }
0x7e: {  	_ =	shalt  }
0x7f: {  	_ =	shalt  }
0x80: {  	_ =	shalt  }
0x81: {  	_ =	shalt  }
0x82: {  	_ =	shalt  }
0x83: {  	_ =	shalt  }
0x84: {  	_ =	shalt  }
0x85: {  	_ =	shalt  }
0x86: {  	_ =	shalt  }
0x87: {  	_ =	shalt  }
.Lfunc_end0:
.L_simem_size_0:
called_computation_lowered:
.L_overlay_start_0:
0x88: {  	s2 =	sld [smem:$0x3FD9]  }
0x89: {  	s3 =	sld [smem:$0x3FFE];
	_ =	sdelay $0x1  }
0x8a: {  	s1 =	srdreg.scid  }
0x8b: {  	s0 =	sand.u32 $0x1, s1  }
0x8c: {  	s17 =	sshll.u32 s0, $0xA;
	s2 =	sadd.s32 s3, s2  }
0x8d: {  	s2 =	sadd.s32 s2, s17  }
0x8e: {  	[smem:$0x3FBA] =	sst s2  }
0x8f: {  	_ = 	snop  }
0x90: {  	s18 =	sld [smem:$0x3FD0];
	(tm) =	ssettm $0x1  }
0x91: {  	s19 =	sld [smem:$0x3FFB];
	_ =	sdelay $0x3  }
0x92: {  	_ =	strace s19  }
0x93: {  	s2 =	sld [smem:$0x3FFC];
	_ =	sdelay $0x3  }
0x94: {  	_ =	strace s2  }
0x95: {  	s2 =	sld [smem:$0x3FFD];
	_ =	sdelay $0x3  }
0x96: {  	_ =	strace s2  }
0x97: {  	_ =	strace $0x8FFFFFFF  }
0x98: {  	s20 =	sld [smem:$0x3FDB];
	_ =	sdelay $0x1  }
0x99: {  	s4 =	simm.s32 $_scs_section_size  }
0x9a: {  	s5 =	simm.s32 $_size__tile_overlayer_lowered;
	s6 =	simm.s32 $_tile_overlayer_lowered  }
0x9b: {  	s7 =	simm.s32 $0x1BFF;
	s21 =	sshll.u32 s6, $0x1;
	s4 =	sadd.s32 s4, s20  }
0x9c: {  	s22 =	simm.s32 $0x0;
	s5 =	sshll.u32 s5, $0x1;
	s6 =	sadd.s32 s21, s4  }
0x9d: {  	[timem:s22], [sflag:s7] =	dma.local [hbm:s6], s5  }
0x9e: {  	_ =	swait.ge [sflag:s7], s5  }
0x9f: {  	s5 =	ssub.s32 $0x0, s5;
	[sflag:s7] =	ssyncset.done $0x0  }
0xa0: {  	[sflag:s7] =	ssyncadd.s32 s5;
	_ =	sdelay $0x1  }
0xa1: {  	s23 =	simm.s32 $0x1B8B  }
0xa2: {  	_ =	swait.ge [sflag:s23], $0x1  }
0xa3: {  	[sflag:s23] =	ssyncset.done $0x0  }
0xa4: {  	[sflag:s23] =	ssyncadd.s32 $0xFFFFFFFF  }
0xa5: {  	s5 =	sld [smem:$0x0]  }
0xa6: {  	s6 =	sand.u32 $0xFFFFFFFE, s1  }
0xa7: {  	p0 =	sne.s32 s1, s6  }
0xa8: {  	s6 =	sshll.u32 @p0 s6, $0xE  }
0xa9: {  	s6 =	sadd.s32 @p0 $0x11B8D, s6;
	s7 =	sshll.u32 @p0 s5, $0x11  }
0xaa: {  	s6 =	sor.u32 @p0 s7, s6  }
0xab: {  	[sflag:s6] =	ssyncadd.remote.s32 @p0 $0x1;
	_ =	sdelay $0x1  }
0xac: {  	s6 =	simm.s32 @p0 $0x1B8D  }
0xad: {  	_ =	swait.eq @p0 [sflag:s6], $0x1  }
0xae: {  	[sflag:s6] =	ssyncadd.s32 @p0 $0xFFFFFFFF  }
0xaf: {  	s7 =	sshll.u32 @!p0 s1, $0xE  }
0xb0: {  	s7 =	sor.u32 @!p0 $0x4000, s7;
	s6 =	simm.s32 @!p0 $0x1B8D  }
0xb1: {  	s5 =	sshll.u32 @!p0 s5, $0x11;
	s7 =	sadd.s32 @!p0 $0x11B8D, s7;
	_ =	swait.eq @!p0 [sflag:s6], $0x1  }
0xb2: {  	s5 =	sor.u32 @!p0 s5, s7;
	[sflag:s6] =	ssyncadd.s32 @!p0 $0xFFFFFFFF  }
0xb3: {  	s25 =	simm.s32 $0x1B8E;
	s24 =	sld [smem:$0x3FFE];
	[sflag:s5] =	ssyncadd.remote.s32 @!p0 $0x1  }
0xb4: {  	s26 =	simm.s32 $execute0_lowered;
	[smem:$0x3FD2] =	sst s25  }
0xb5: {  	s6 =	sshll.u32 s26, $0x1;
	_ =	strace $0x80000049;
	[dreg:$0x1] =	wrdreg $0xFFFFFFFF  }
0xb6: {  	s28 =	simm.s32 $_size_execute0_lowered;
	s4 =	sadd.s32 s4, s6;
	[dreg:$0x0] =	wrdreg $0x0  }
0xb7: {  	s6 =	sshll.u32 s28, $0x1;
	[dreg:$0x2] =	wrdreg s4  }
0xb8: {  	[dreg:$0x3] =	wrdreg s6  }
0xb9: {  	[dreg:$0x4] =	wrdreg $0xC0  }
0xba: {  	_ =	task [dreg:s22], $0x5FFFF  }
0xbb: {  	[dreg:$0x1] =	wrdreg $0xFFFFFFFF  }
0xbc: {  	[dreg:$0x0] =	wrdreg $0x60  }
0xbd: {  	[dreg:$0x2] =	wrdreg s24  }
0xbe: {  	[dreg:$0x3] =	wrdreg s18  }
0xbf: {  	[dreg:$0x4] =	wrdreg $0x9  }
0xc0: {  	_ =	task.clear_ibuf [dreg:s22], $0x5FFFF;
	_ =	strace $0x90000049  }
0xc1: {  	s29 =	simm.s32 $0x9;
	_ =	strace $0x8000004B  }
0xc2: {  	_ =	swait.ge [sflag:s29], $0x1  }
0xc3: {  	[sflag:s29] =	ssyncadd.s32 $0xFFFFFFFF  }
0xc4: {  	_ =	strace $0x9000004B  }
0xc5: {  	_ =	sfence  }
0xc6: {  	s30 =	sld [smem:$0x0];
	_ =	sdelay $0x2  }
0xc7: {  	s31 =	sshll.u32 s1, $0xD;
	s1 =	sshrl.u32 s1, $0x2  }
0xc8: {  	s4 =	sand.u32 $0x4000, s31;
	s1 =	sadd.s32 s1, s30  }
0xc9: {  	s0 =	sor.u32 s4, s0;
	s1 =	sshll.u32 s1, $0x11  }
0xca: {  	s0 =	sor.u32 s1, s0  }
0xcb: {  	s0 =	sadd.s32 $0x8F2B, s0  }
0xcc: {  	[sflag:s0] =	ssyncadd.remote.s32 $0x1  }
0xcd: {  	_ =	sfence.sel $0xFFFF  }
0xce: {  	[dreg:$0x0] =	wrdreg $0xFFFFFFFF;
	(pc) =	sbr.abs _section_cstart, $3  }
0xcf: {  	[dreg:$0x1] =	wrdreg $0xFFFFFFFF  }
0xd0: {  	_ =	task.clear_ibuf [dreg:s22], $0x2FFFF;
	_ =	strace $0x9FFFFFFF  }
0xd1: {  	(tm) =	ssettm $0x7FFFFFFF  }
tec
execute0_lowered:
.L_overlay_start_1:
0x0: {  	(tag) =	ssettag $0x1  }
0x1: {  	s0 =	srdreg.scid  }
0x2: {  	s1 =	rddreg [dreg:$0x0];
	s2 =	stileid.u32;
	s5 =	simm.s32 $0x0  }
0x3: {  	s12 =	simm.s32 $0x4000;
	s14 =	simm.s32 $0x2;
	s16 =	simm.s32 $0x40  }
0x4: {  	s17 =	simm.s32 $0x1000;
	s18 =	simm.s32 $0x2000;
	s19 =	simm.s32 $0x3000  }
0x5: {  	s20 =	simm.s32 $0x5000;
	s21 =	simm.s32 $0x6000;
	s22 =	simm.s32 $0x7000  }
0x6: {  	s23 =	simm.s32 $0x1;
	s15 =	simm.s32 $0x11000;
	s11 =	simm.s32 $0x12000  }
0x7: {  	s8 =	simm.s32 $0x13000;
	s9 =	simm.s32 $0x15000;
	s0 =	sand.u32 $0x1, s0  }
0x8: {  	s2 =	sshll.u32 s2, $0xA;
	s3 =	sshll.u32 s0, $0x9;
	s0 =	ssub.s32 $0x2, s0  }
0x9: {  	s13 =	simm.s32 $0x14000;
	s4 =	sor.u32 s3, s2;
	s29 =	sshrl.u32 s0, $0x1  }
0xa: {  	[smem:$0x7FF] =	sst s5;
	s2 =	sshrl.u32 s4, $0x3;
	s0 =	ssub.s32 s0, s29  }
0xb: {  	s5 =	sadd.s32 $0x8D5C00, s1;
	s2 =	sadd.s32 s2, s1;
	s0 =	smax.u32 s0, $0x1  }
0xc: {  	_ =	strace $0x8000004A;
	s30 =	sadd.s32 $0x8D7C00, s2;
	[dreg:$0x5] =	wrdreg s0  }
0xd: {  	s6 =	sadd.s32 $0x7EBC00, s1;
	s31 =	sadd.s32 $0x8CBC00, s2;
	[dreg:$0x3] =	wrdreg s30  }
0xe: {  	s7 =	sadd.s32 $0x8DBC00, s1;
	s1 =	simm.s32 $0x0;
	[dreg:$0x4] =	wrdreg s31  }
.LBB2_1:
0xf: {  	[dreg:$0x6] =	wrdreg s1  }
0x10: {  	s0 =	rddreg [dreg:$0x3];
	s29 =	simm.s32 $0x200;
	s2 =	simm.s32 $0x18800  }
0x11: {  	[tilespmem:s2], [sflag:$0x2] =	stream.strided.gather [hbm4b:s0+s29], $0x1000, s12, s29, $0x38;
	[tilespmem:$0x19800] =	vst v63  }
0x12: {  	_ =	swait.ge [sflag:s14], $0x1000  }
0x13: {  	[sflag:s14] =	ssyncset.done $0x0  }
0x14: {  	s31 =	simm.s32 $0x16000;
	s30 =	rddreg [dreg:$0x4];
	[sflag:s14] =	ssyncadd.s32 $0xFFFFF000  }
0x15: {  	[tilespmem:s31], [sflag:$0x2] =	stream.strided.gather [hbm4b:s30+s29], $0x2800, s12, s29, $0x38;
	[tilespmem:$0x19800] =	vst v63  }
0x16: {  	_ =	swait.ge [sflag:s14], $0x2800  }
0x17: {  	[sflag:s14] =	ssyncset.done $0x0  }
0x18: {  	s10 =	simm.s32 $0x0;
	[sflag:s14] =	ssyncadd.s32 $0xFFFFD800  }
.LBB2_2:
0x19: {  	s3 =	sshll.u32 s10, $0x6  }
0x1a: {  	s1 =	simm.s32 $0x0;
	s0 =	sadd.s32 $0x18800, s3  }
0x1b: {  	[tilespmem:s1], [sflag:$0x1] =	stream.indirect.gather [hbm4b:s5+s16], $0x40, s0, s16, $0xb8;
	[tilespmem:$0x19800] =	vst v63  }
0x1c: {  	s25 =	sadd.s32 $0x18A00, s3  }
0x1d: {  	[tilespmem:s17], [sflag:$0x1] =	stream.indirect.gather [hbm4b:s5+s16], $0x40, s25, s16, $0xb8;
	[tilespmem:$0x19800] =	vst v63  }
0x1e: {  	s26 =	sadd.s32 $0x18C00, s3  }
0x1f: {  	[tilespmem:s18], [sflag:$0x1] =	stream.indirect.gather [hbm4b:s5+s16], $0x40, s26, s16, $0xb8;
	[tilespmem:$0x19800] =	vst v63  }
0x20: {  	s1 =	sadd.s32 $0x18E00, s3  }
0x21: {  	[tilespmem:s19], [sflag:$0x1] =	stream.indirect.gather [hbm4b:s5+s16], $0x40, s1, s16, $0xb8;
	[tilespmem:$0x19800] =	vst v63  }
0x22: {  	s2 =	sadd.s32 $0x19000, s3  }
0x23: {  	[tilespmem:s12], [sflag:$0x1] =	stream.indirect.gather [hbm4b:s5+s16], $0x40, s2, s16, $0xb8;
	[tilespmem:$0x19800] =	vst v63  }
0x24: {  	s24 =	sadd.s32 $0x19200, s3  }
0x25: {  	[tilespmem:s20], [sflag:$0x1] =	stream.indirect.gather [hbm4b:s5+s16], $0x40, s24, s16, $0xb8;
	[tilespmem:$0x19800] =	vst v63  }
0x26: {  	s25 =	sadd.s32 $0x19400, s3  }
0x27: {  	[tilespmem:s21], [sflag:$0x1] =	stream.indirect.gather [hbm4b:s5+s16], $0x40, s25, s16, $0xb8;
	[tilespmem:$0x19800] =	vst v63  }
0x28: {  	s26 =	sadd.s32 $0x19600, s3  }
0x29: {  	[tilespmem:s22], [sflag:$0x1] =	stream.indirect.gather [hbm4b:s5+s16], $0x40, s26, s16, $0xb8;
	[tilespmem:$0x19800] =	vst v63  }
0x2a: {  	_ =	swait.ge [sflag:s23], $0x1000  }
0x2b: {  	[sflag:s23] =	ssyncset.done $0x0  }
0x2c: {  	[sflag:s23] =	ssyncadd.s32 $0xFFFFF000  }
0x2d: {  	_ =	swait.ge [sflag:s23], $0x1000  }
0x2e: {  	[sflag:s23] =	ssyncset.done $0x0  }
0x2f: {  	[sflag:s23] =	ssyncadd.s32 $0xFFFFF000  }
0x30: {  	_ =	swait.ge [sflag:s23], $0x1000  }
0x31: {  	[sflag:s23] =	ssyncset.done $0x0  }
0x32: {  	[sflag:s23] =	ssyncadd.s32 $0xFFFFF000  }
0x33: {  	_ =	swait.ge [sflag:s23], $0x1000  }
0x34: {  	[sflag:s23] =	ssyncset.done $0x0  }
0x35: {  	[sflag:s23] =	ssyncadd.s32 $0xFFFFF000  }
0x36: {  	_ =	swait.ge [sflag:s23], $0x1000  }
0x37: {  	[sflag:s23] =	ssyncset.done $0x0  }
0x38: {  	[sflag:s23] =	ssyncadd.s32 $0xFFFFF000  }
0x39: {  	_ =	swait.ge [sflag:s23], $0x1000  }
0x3a: {  	[sflag:s23] =	ssyncset.done $0x0  }
0x3b: {  	[sflag:s23] =	ssyncadd.s32 $0xFFFFF000  }
0x3c: {  	_ =	swait.ge [sflag:s23], $0x1000  }
0x3d: {  	[sflag:s23] =	ssyncset.done $0x0  }
0x3e: {  	[sflag:s23] =	ssyncadd.s32 $0xFFFFF000  }
0x3f: {  	_ =	swait.ge [sflag:s23], $0x1000  }
0x40: {  	[sflag:s23] =	ssyncset.done $0x0  }
0x41: {  	s2 =	simm.s32 $0x0;
	[sflag:s23] =	ssyncadd.s32 $0xFFFFF000  }
0x42: {  	v0 =	vld [tilespmem:s2+$0x30]  }
0x43: {  	v1 =	vld [tilespmem:s2+$0x1030]  }
0x44: {  	v2 =	vld [tilespmem:s2+$0x0]  }
0x45: {  	v3 =	vld [tilespmem:s2+$0x2030]  }
0x46: {  	v4 =	vld [tilespmem:s2+$0x1000]  }
0x47: {  	v5 =	vld [tilespmem:s2+$0x3030]  }
0x48: {  	v6 =	vld [tilespmem:s2+$0x10]  }
0x49: {  	v7 =	vld [tilespmem:s2+$0x1010]  }
0x4a: {  	v8 =	vld [tilespmem:s2+$0x20]  }
0x4b: {  	v9 =	vld [tilespmem:s2+$0x1020];
	v0 =	vadd.f32 v1, v0  }
0x4c: {  	v1 =	vld [tilespmem:s2+$0x4030]  }
0x4d: {  	v10 =	vld [tilespmem:s2+$0x2000];
	v0 =	vadd.f32 v3, v0  }
0x4e: {  	v3 =	vld [tilespmem:s2+$0x5030]  }
0x4f: {  	v11 =	vld [tilespmem:s2+$0x2020];
	v0 =	vadd.f32 v5, v0  }
0x50: {  	v5 =	vld [tilespmem:s2+$0x6030]  }
0x51: {  	v12 =	vld [tilespmem:s2+$0x3010];
	v0 =	vadd.f32 v1, v0  }
0x52: {  	v1 =	vld [tilespmem:s2+$0x7030]  }
0x53: {  	v13 =	vld [tilespmem:s2+$0x4000];
	v0 =	vadd.f32 v3, v0  }
0x54: {  	v62 =	vld [tilespmem:s2+$0x5020]  }
0x55: {  	v3 =	vld [tilespmem:s2+$0x2010];
	v0 =	vadd.f32 v5, v0  }
0x56: {  	v2 =	vadd.f32 v4, v2;
	v4 =	vadd.f32 v7, v6;
	v6 =	vld [tilespmem:s2+$0x4020]  }
0x57: {  	v5 =	vld [tilespmem:s2+$0x3000];
	v0 =	vadd.f32 v1, v0  }
0x58: {  	v1 =	vld [tilespmem:s2+$0x3020]  }
0x59: {  	v7 =	vadd.f32 v9, v8;
	[tilespmem:s2+$0x14030] =	vst v0;
	v0 =	vld [tilespmem:s2+$0x4010]  }
0x5a: {  	v8 =	vld [tilespmem:s2+$0x5000];
	v2 =	vadd.f32 v10, v2;
	v3 =	vadd.f32 v3, v4  }
0x5b: {  	v7 =	vadd.f32 v11, v7;
	v4 =	vld [tilespmem:s2+$0x5010]  }
0x5c: {  	v63 =	vld [tilespmem:s2+$0x6000];
	v2 =	vadd.f32 v5, v2;
	v3 =	vadd.f32 v12, v3  }
0x5d: {  	v1 =	vadd.f32 v1, v7;
	v7 =	vld [tilespmem:s2+$0x6010]  }
0x5e: {  	v2 =	vadd.f32 v13, v2;
	v3 =	vadd.f32 v0, v3;
	v0 =	vld [tilespmem:s2+$0x6020]  }
0x5f: {  	v5 =	vadd.f32 v6, v1;
	v1 =	vld [tilespmem:s2+$0x7000]  }
0x60: {  	s28 =	sor.u32 $0x200, s3;
	s29 =	sor.u32 $0x800, s3;
	s31 =	sor.u32 $0xC00, s3;
	v2 =	vadd.f32 v8, v2;
	v8 =	vadd.f32 v4, v3;
	v3 =	vld [tilespmem:s2+$0x7010]  }
0x61: {  	s30 =	sor.u32 $0xE00, s3;
	s0 =	simm.s32 $0x200;
	s1 =	simm.s32 $0x40;
	v5 =	vadd.f32 v62, v5;
	v4 =	vld [tilespmem:s2+$0x7020]  }
0x62: {  	s24 =	sor.u32 $0x600, s3;
	s25 =	sor.u32 $0x400, s3;
	s26 =	sor.u32 $0xA00, s3;
	v6 =	vadd.f32 v63, v2;
	v2 =	vld [tilespmem:s1+$0x30];
	v7 =	vadd.f32 v7, v8  }
.LBB2_3:
0x63: {  	p0 =	sne.s32 s0, $0x3F00;
	v8 =	vld [tilespmem:s1+$0x1030];
	v0 =	vadd.f32 v0, v5  }
0x64: {  	v5 =	vld [tilespmem:s1+$0x0];
	v1 =	vadd.f32 v1, v6  }
0x65: {  	v6 =	vld [tilespmem:s1+$0x2030];
	v3 =	vadd.f32 v3, v7  }
0x66: {  	v7 =	vld [tilespmem:s1+$0x1000];
	[tilespmem:s2+$0x14000] =	vst v1;
	v0 =	vadd.f32 v4, v0  }
0x67: {  	v1 =	vld [tilespmem:s1+$0x3030];
	[tilespmem:s2+$0x14010] =	vst v3  }
0x68: {  	v3 =	vld [tilespmem:s1+$0x10];
	v2 =	vadd.f32 v8, v2;
	[tilespmem:s2+$0x14020] =	vst v0;
	s2 =	smov.u32 s1  }
0x69: {  	v0 =	vld [tilespmem:s2+$0x4030]  }
0x6a: {  	v4 =	vld [tilespmem:s2+$0x1010];
	v2 =	vadd.f32 v6, v2  }
0x6b: {  	v5 =	vadd.f32 v7, v5;
	v6 =	vld [tilespmem:s2+$0x5030]  }
0x6c: {  	v7 =	vld [tilespmem:s2+$0x20];
	v1 =	vadd.f32 v1, v2  }
0x6d: {  	v2 =	vld [tilespmem:s2+$0x6030]  }
0x6e: {  	v8 =	vld [tilespmem:s2+$0x1020];
	v0 =	vadd.f32 v0, v1  }
0x6f: {  	v1 =	vadd.f32 v4, v3;
	v3 =	vld [tilespmem:s2+$0x7030]  }
0x70: {  	v4 =	vld [tilespmem:s2+$0x2000];
	v0 =	vadd.f32 v6, v0  }
0x71: {  	v6 =	vld [tilespmem:s2+$0x2010]  }
0x72: {  	v9 =	vld [tilespmem:s2+$0x2020];
	v0 =	vadd.f32 v2, v0  }
0x73: {  	v2 =	vld [tilespmem:s2+$0x3000];
	v7 =	vadd.f32 v8, v7  }
0x74: {  	v8 =	vld [tilespmem:s2+$0x3010];
	v0 =	vadd.f32 v3, v0  }
0x75: {  	v3 =	vadd.f32 v4, v5;
	v4 =	vld [tilespmem:s2+$0x3020]  }
0x76: {  	v5 =	vld [tilespmem:s2+$0x4000];
	v1 =	vadd.f32 v6, v1;
	[tilespmem:s2+$0x14030] =	vst v0  }
0x77: {  	v0 =	vld [tilespmem:s2+$0x4010];
	v6 =	vadd.f32 v9, v7  }
0x78: {  	v2 =	vadd.f32 v2, v3;
	v3 =	vld [tilespmem:s2+$0x4020]  }
0x79: {  	v7 =	vld [tilespmem:s2+$0x5000];
	v1 =	vadd.f32 v8, v1  }
0x7a: {  	v8 =	vld [tilespmem:s2+$0x5010];
	v4 =	vadd.f32 v4, v6  }
0x7b: {  	v2 =	vadd.f32 v5, v2;
	v5 =	vld [tilespmem:s2+$0x5020]  }
0x7c: {  	v6 =	vld [tilespmem:s2+$0x6000];
	v9 =	vadd.f32 v0, v1  }
0x7d: {  	v10 =	vld [tilespmem:s2+$0x6010];
	v4 =	vadd.f32 v3, v4  }
.Ltmp0:
0x7e: {  	v2 =	vadd.f32 v7, v2;
	v0 =	vld [tilespmem:s2+$0x6020];
	(pc) =	sbr.rel @p0 .LBB2_3-.Ltmp0, $4  }
0x7f: {  	v1 =	vld [tilespmem:s2+$0x7000];
	v7 =	vadd.f32 v8, v9  }
0x80: {  	v3 =	vld [tilespmem:s2+$0x7010];
	v5 =	vadd.f32 v5, v4  }
0x81: {  	s1 =	sshra.s32 s0, $0x2;
	v6 =	vadd.f32 v6, v2;
	v4 =	vld [tilespmem:s2+$0x7020]  }
0x82: {  	s0 =	sadd.s32 $0x100, s0;
	v2 =	vld [tilespmem:s1+$0x30];
	v7 =	vadd.f32 v10, v7  }
0x83: {  	v8 =	vld [tilespmem:s1+$0x1030]  }
0x84: {  	v9 =	vld [tilespmem:s1+$0x0];
	v0 =	vadd.f32 v0, v5;
	v1 =	vadd.f32 v1, v6  }
0x85: {  	v10 =	vld [tilespmem:s1+$0x1000];
	v3 =	vadd.f32 v3, v7  }
0x86: {  	v6 =	vld [tilespmem:s1+$0x2030];
	[tilespmem:s2+$0x14000] =	vst v1;
	v0 =	vadd.f32 v4, v0  }
0x87: {  	v1 =	vld [tilespmem:s1+$0x3030];
	[tilespmem:s2+$0x14010] =	vst v3  }
0x88: {  	v3 =	vld [tilespmem:s1+$0x10];
	[tilespmem:s2+$0x14020] =	vst v0  }
0x89: {  	v0 =	vadd.f32 v8, v2;
	v2 =	vld [tilespmem:s1+$0x4030]  }
0x8a: {  	v4 =	vld [tilespmem:s1+$0x1010]  }
0x8b: {  	v5 =	vld [tilespmem:s1+$0x5030]  }
0x8c: {  	v7 =	vld [tilespmem:s1+$0x1020]  }
0x8d: {  	v8 =	vld [tilespmem:s1+$0x2000]  }
0x8e: {  	v11 =	vld [tilespmem:s1+$0x2020];
	v0 =	vadd.f32 v6, v0  }
0x8f: {  	v12 =	vld [tilespmem:s1+$0x3010]  }
0x90: {  	v13 =	vld [tilespmem:s1+$0x4000];
	v0 =	vadd.f32 v1, v0  }
0x91: {  	v1 =	vld [tilespmem:s1+$0x6030]  }
0x92: {  	v41 =	vld [tilespmem:s1+$0x4020];
	v0 =	vadd.f32 v2, v0  }
0x93: {  	v2 =	vld [tilespmem:s1+$0x7030]  }
0x94: {  	v42 =	vld [tilespmem:s1+$0x6010];
	v0 =	vadd.f32 v5, v0  }
0x95: {  	v6 =	vld [tilespmem:s1+$0x20]  }
0x96: {  	v5 =	vld [tilespmem:s1+$0x2010];
	v0 =	vadd.f32 v1, v0  }
0x97: {  	v9 =	vadd.f32 v10, v9;
	v1 =	vld [tilespmem:s1+$0x3000]  }
0x98: {  	v3 =	vadd.f32 v4, v3;
	v4 =	vld [tilespmem:s1+$0x5000];
	v0 =	vadd.f32 v2, v0  }
0x99: {  	v2 =	vld [tilespmem:s1+$0x3020]  }
0x9a: {  	v6 =	vadd.f32 v7, v6;
	v7 =	vadd.f32 v8, v9;
	[tilespmem:s1+$0x14030] =	vst v0;
	v0 =	vld [tilespmem:s1+$0x4010]  }
0x9b: {  	v8 =	vld [tilespmem:s1+$0x5010];
	v3 =	vadd.f32 v5, v3  }
0x9c: {  	v6 =	vadd.f32 v11, v6;
	v5 =	vld [tilespmem:s1+$0x5020];
	v1 =	vadd.f32 v1, v7  }
0x9d: {  	v7 =	vld [tilespmem:s1+$0x6000];
	v3 =	vadd.f32 v12, v3  }
0x9e: {  	v2 =	vadd.f32 v2, v6;
	v1 =	vadd.f32 v13, v1;
	v6 =	vld [tilespmem:s1+$0x6020]  }
0x9f: {  	v0 =	vadd.f32 v0, v3;
	v3 =	vld [tilespmem:s1+$0x7000]  }
0xa0: {  	v2 =	vadd.f32 v41, v2;
	v1 =	vadd.f32 v4, v1;
	v4 =	vld [tilespmem:s1+$0x7010]  }
0xa1: {  	v0 =	vadd.f32 v8, v0;
	v8 =	vld [tilespmem:s1+$0x7020]  }
0xa2: {  	v2 =	vadd.f32 v5, v2;
	v1 =	vadd.f32 v7, v1  }
0xa3: {  	v0 =	vadd.f32 v42, v0  }
0xa4: {  	v2 =	vadd.f32 v6, v2;
	v1 =	vadd.f32 v3, v1  }
0xa5: {  	v0 =	vadd.f32 v4, v0  }
0xa6: {  	[tilespmem:s1+$0x14000] =	vst v1;
	v1 =	vadd.f32 v8, v2  }
0xa7: {  	s0 =	sor.u32 s4, s3;
	[tilespmem:s1+$0x14010] =	vst v0  }
0xa8: {  	s2 =	sshll.u32 s0, $0x3;
	[tilespmem:s1+$0x14020] =	vst v1;
	s1 =	rddreg [dreg:$0x1]  }
0xa9: {  	s0 =	sadd.s32 s1, s2;
	s1 =	simm.s32 $0x0  }
0xaa: {  	[hbm4b:s0+s1] =	stream.linear.scatter [tilespmem:s13], [sflag:$0x2], $0x1000, $0x38;
	[tilespmem:$0x19800] =	vst v63  }
0xab: {  	_ =	swait.ge [sflag:s14], $0x1000  }
0xac: {  	[sflag:s14] =	ssyncset.done $0x0  }
0xad: {  	s0 =	sadd.s32 $0x16000, s3;
	[sflag:s14] =	ssyncadd.s32 $0xFFFFF000  }
0xae: {  	[tilespmem:s1], [sflag:$0x1] =	stream.indirect.gather [hbm4b:s6+s16], $0x40, s0, s16, $0xb8;
	[tilespmem:$0x19800] =	vst v63  }
0xaf: {  	s28 =	sadd.s32 $0x16000, s28  }
0xb0: {  	[tilespmem:s17], [sflag:$0x1] =	stream.indirect.gather [hbm4b:s6+s16], $0x40, s28, s16, $0xb8;
	[tilespmem:$0x19800] =	vst v63  }
0xb1: {  	s1 =	sadd.s32 $0x16000, s25  }
0xb2: {  	[tilespmem:s18], [sflag:$0x1] =	stream.indirect.gather [hbm4b:s6+s16], $0x40, s1, s16, $0xb8;
	[tilespmem:$0x19800] =	vst v63  }
0xb3: {  	s25 =	sadd.s32 $0x16000, s24  }
0xb4: {  	[tilespmem:s19], [sflag:$0x1] =	stream.indirect.gather [hbm4b:s6+s16], $0x40, s25, s16, $0xb8;
	[tilespmem:$0x19800] =	vst v63  }
0xb5: {  	s28 =	sadd.s32 $0x16000, s29  }
0xb6: {  	[tilespmem:s12], [sflag:$0x1] =	stream.indirect.gather [hbm4b:s6+s16], $0x40, s28, s16, $0xb8;
	[tilespmem:$0x19800] =	vst v63  }
0xb7: {  	s29 =	sadd.s32 $0x16000, s26  }
0xb8: {  	[tilespmem:s20], [sflag:$0x1] =	stream.indirect.gather [hbm4b:s6+s16], $0x40, s29, s16, $0xb8;
	[tilespmem:$0x19800] =	vst v63  }
0xb9: {  	s1 =	sadd.s32 $0x16000, s31  }
0xba: {  	[tilespmem:s21], [sflag:$0x1] =	stream.indirect.gather [hbm4b:s6+s16], $0x40, s1, s16, $0xb8;
	[tilespmem:$0x19800] =	vst v63  }
0xbb: {  	s24 =	sadd.s32 $0x16000, s30  }
0xbc: {  	[tilespmem:s22], [sflag:$0x1] =	stream.indirect.gather [hbm4b:s6+s16], $0x40, s24, s16, $0xb8;
	[tilespmem:$0x19800] =	vst v63  }
0xbd: {  	s26 =	simm.s32 $0x8000;
	s25 =	sadd.s32 $0x17000, s3  }
0xbe: {  	[tilespmem:s26], [sflag:$0x1] =	stream.indirect.gather [hbm4b:s6+s16], $0x40, s25, s16, $0xb8;
	[tilespmem:$0x19800] =	vst v63  }
0xbf: {  	s28 =	sadd.s32 $0x17200, s3;
	s29 =	simm.s32 $0x9000  }
0xc0: {  	[tilespmem:s29], [sflag:$0x1] =	stream.indirect.gather [hbm4b:s6+s16], $0x40, s28, s16, $0xb8;
	[tilespmem:$0x19800] =	vst v63  }
0xc1: {  	s30 =	sadd.s32 $0x17400, s3;
	s31 =	simm.s32 $0xA000  }
0xc2: {  	[tilespmem:s31], [sflag:$0x1] =	stream.indirect.gather [hbm4b:s6+s16], $0x40, s30, s16, $0xb8;
	[tilespmem:$0x19800] =	vst v63  }
0xc3: {  	s1 =	sadd.s32 $0x17600, s3;
	s24 =	simm.s32 $0xB000  }
0xc4: {  	[tilespmem:s24], [sflag:$0x1] =	stream.indirect.gather [hbm4b:s6+s16], $0x40, s1, s16, $0xb8;
	[tilespmem:$0x19800] =	vst v63  }
0xc5: {  	s25 =	sadd.s32 $0x17800, s3;
	s26 =	simm.s32 $0xC000  }
0xc6: {  	[tilespmem:s26], [sflag:$0x1] =	stream.indirect.gather [hbm4b:s6+s16], $0x40, s25, s16, $0xb8;
	[tilespmem:$0x19800] =	vst v63  }
0xc7: {  	s28 =	sadd.s32 $0x17A00, s3;
	s29 =	simm.s32 $0xD000  }
0xc8: {  	[tilespmem:s29], [sflag:$0x1] =	stream.indirect.gather [hbm4b:s6+s16], $0x40, s28, s16, $0xb8;
	[tilespmem:$0x19800] =	vst v63  }
0xc9: {  	s30 =	sadd.s32 $0x17C00, s3;
	s31 =	simm.s32 $0xE000  }
0xca: {  	[tilespmem:s31], [sflag:$0x1] =	stream.indirect.gather [hbm4b:s6+s16], $0x40, s30, s16, $0xb8;
	[tilespmem:$0x19800] =	vst v63  }
0xcb: {  	s24 =	sadd.s32 $0x17E00, s3;
	s25 =	simm.s32 $0xF000  }
0xcc: {  	[tilespmem:s25], [sflag:$0x1] =	stream.indirect.gather [hbm4b:s6+s16], $0x40, s24, s16, $0xb8;
	[tilespmem:$0x19800] =	vst v63  }
0xcd: {  	s26 =	sadd.s32 $0x18000, s3;
	s28 =	simm.s32 $0x10000  }
0xce: {  	[tilespmem:s28], [sflag:$0x1] =	stream.indirect.gather [hbm4b:s6+s16], $0x40, s26, s16, $0xb8;
	[tilespmem:$0x19800] =	vst v63  }
0xcf: {  	s29 =	sadd.s32 $0x18200, s3  }
0xd0: {  	[tilespmem:s15], [sflag:$0x1] =	stream.indirect.gather [hbm4b:s6+s16], $0x40, s29, s16, $0xb8;
	[tilespmem:$0x19800] =	vst v63  }
0xd1: {  	s30 =	sadd.s32 $0x18400, s3  }
0xd2: {  	[tilespmem:s11], [sflag:$0x1] =	stream.indirect.gather [hbm4b:s6+s16], $0x40, s30, s16, $0xb8;
	[tilespmem:$0x19800] =	vst v63  }
0xd3: {  	s31 =	sadd.s32 $0x18600, s3  }
0xd4: {  	[tilespmem:s8], [sflag:$0x1] =	stream.indirect.gather [hbm4b:s6+s16], $0x40, s31, s16, $0xb8;
	[tilespmem:$0x19800] =	vst v63  }
0xd5: {  	_ =	swait.ge [sflag:s23], $0x1000  }
0xd6: {  	[sflag:s23] =	ssyncset.done $0x0  }
0xd7: {  	[sflag:s23] =	ssyncadd.s32 $0xFFFFF000  }
0xd8: {  	_ =	swait.ge [sflag:s23], $0x1000  }
0xd9: {  	[sflag:s23] =	ssyncset.done $0x0  }
0xda: {  	[sflag:s23] =	ssyncadd.s32 $0xFFFFF000  }
0xdb: {  	_ =	swait.ge [sflag:s23], $0x1000  }
0xdc: {  	[sflag:s23] =	ssyncset.done $0x0  }
0xdd: {  	[sflag:s23] =	ssyncadd.s32 $0xFFFFF000  }
0xde: {  	_ =	swait.ge [sflag:s23], $0x1000  }
0xdf: {  	[sflag:s23] =	ssyncset.done $0x0  }
0xe0: {  	[sflag:s23] =	ssyncadd.s32 $0xFFFFF000  }
0xe1: {  	_ =	swait.ge [sflag:s23], $0x1000  }
0xe2: {  	[sflag:s23] =	ssyncset.done $0x0  }
0xe3: {  	[sflag:s23] =	ssyncadd.s32 $0xFFFFF000  }
0xe4: {  	_ =	swait.ge [sflag:s23], $0x1000  }
0xe5: {  	[sflag:s23] =	ssyncset.done $0x0  }
0xe6: {  	[sflag:s23] =	ssyncadd.s32 $0xFFFFF000  }
0xe7: {  	_ =	swait.ge [sflag:s23], $0x1000  }
0xe8: {  	[sflag:s23] =	ssyncset.done $0x0  }
0xe9: {  	[sflag:s23] =	ssyncadd.s32 $0xFFFFF000  }
0xea: {  	_ =	swait.ge [sflag:s23], $0x1000  }
0xeb: {  	[sflag:s23] =	ssyncset.done $0x0  }
0xec: {  	[sflag:s23] =	ssyncadd.s32 $0xFFFFF000  }
0xed: {  	_ =	swait.ge [sflag:s23], $0x1000  }
0xee: {  	[sflag:s23] =	ssyncset.done $0x0  }
0xef: {  	[sflag:s23] =	ssyncadd.s32 $0xFFFFF000  }
0xf0: {  	_ =	swait.ge [sflag:s23], $0x1000  }
0xf1: {  	[sflag:s23] =	ssyncset.done $0x0  }
0xf2: {  	[sflag:s23] =	ssyncadd.s32 $0xFFFFF000  }
0xf3: {  	_ =	swait.ge [sflag:s23], $0x1000  }
0xf4: {  	[sflag:s23] =	ssyncset.done $0x0  }
0xf5: {  	[sflag:s23] =	ssyncadd.s32 $0xFFFFF000  }
0xf6: {  	_ =	swait.ge [sflag:s23], $0x1000  }
0xf7: {  	[sflag:s23] =	ssyncset.done $0x0  }
0xf8: {  	[sflag:s23] =	ssyncadd.s32 $0xFFFFF000  }
0xf9: {  	_ =	swait.ge [sflag:s23], $0x1000  }
0xfa: {  	[sflag:s23] =	ssyncset.done $0x0  }
0xfb: {  	[sflag:s23] =	ssyncadd.s32 $0xFFFFF000  }
0xfc: {  	_ =	swait.ge [sflag:s23], $0x1000  }
0xfd: {  	[sflag:s23] =	ssyncset.done $0x0  }
0xfe: {  	[sflag:s23] =	ssyncadd.s32 $0xFFFFF000  }
0xff: {  	_ =	swait.ge [sflag:s23], $0x1000  }
0x100: {  	[sflag:s23] =	ssyncset.done $0x0  }
0x101: {  	[sflag:s23] =	ssyncadd.s32 $0xFFFFF000  }
0x102: {  	_ =	swait.ge [sflag:s23], $0x1000  }
0x103: {  	[sflag:s23] =	ssyncset.done $0x0  }
0x104: {  	[sflag:s23] =	ssyncadd.s32 $0xFFFFF000  }
0x105: {  	_ =	swait.ge [sflag:s23], $0x1000  }
0x106: {  	[sflag:s23] =	ssyncset.done $0x0  }
0x107: {  	[sflag:s23] =	ssyncadd.s32 $0xFFFFF000  }
0x108: {  	_ =	swait.ge [sflag:s23], $0x1000  }
0x109: {  	[sflag:s23] =	ssyncset.done $0x0  }
0x10a: {  	[sflag:s23] =	ssyncadd.s32 $0xFFFFF000  }
0x10b: {  	_ =	swait.ge [sflag:s23], $0x1000  }
0x10c: {  	[sflag:s23] =	ssyncset.done $0x0  }
0x10d: {  	[sflag:s23] =	ssyncadd.s32 $0xFFFFF000  }
0x10e: {  	_ =	swait.ge [sflag:s23], $0x1000  }
0x10f: {  	[sflag:s23] =	ssyncset.done $0x0  }
0x110: {  	s3 =	simm.s32 $0x0;
	[sflag:s23] =	ssyncadd.s32 $0xFFFFF000  }
0x111: {  	v0 =	vld [tilespmem:s3+$0x30]  }
0x112: {  	v1 =	vld [tilespmem:s3+$0x1030]  }
0x113: {  	v2 =	vld [tilespmem:s3+$0x0]  }
0x114: {  	v3 =	vld [tilespmem:s3+$0x2030]  }
0x115: {  	v4 =	vld [tilespmem:s3+$0x1000]  }
0x116: {  	v5 =	vld [tilespmem:s3+$0x3030]  }
0x117: {  	v6 =	vld [tilespmem:s3+$0x10]  }
0x118: {  	v7 =	vld [tilespmem:s3+$0x1010]  }
0x119: {  	v8 =	vld [tilespmem:s3+$0x20]  }
0x11a: {  	v43 =	vld [tilespmem:s3+$0x1020]  }
0x11b: {  	v44 =	vld [tilespmem:s3+$0x2000]  }
0x11c: {  	v45 =	vld [tilespmem:s3+$0x2010]  }
0x11d: {  	v46 =	vld [tilespmem:s3+$0x2020]  }
0x11e: {  	v47 =	vld [tilespmem:s3+$0x3000]  }
0x11f: {  	v14 =	vld [tilespmem:s3+$0x3010]  }
0x120: {  	v15 =	vld [tilespmem:s3+$0x3020]  }
0x121: {  	v16 =	vld [tilespmem:s3+$0x4000]  }
0x122: {  	v17 =	vld [tilespmem:s3+$0x4010];
	v0 =	vadd.f32 v1, v0  }
0x123: {  	v1 =	vld [tilespmem:s3+$0x4030]  }
0x124: {  	v18 =	vld [tilespmem:s3+$0x4020];
	v0 =	vadd.f32 v3, v0  }
0x125: {  	v3 =	vld [tilespmem:s3+$0x5030]  }
0x126: {  	v19 =	vld [tilespmem:s3+$0x5000];
	v0 =	vadd.f32 v5, v0  }
0x127: {  	v5 =	vld [tilespmem:s3+$0x6030]  }
0x128: {  	v20 =	vld [tilespmem:s3+$0x5010];
	v0 =	vadd.f32 v1, v0  }
0x129: {  	v1 =	vld [tilespmem:s3+$0x7030]  }
0x12a: {  	v21 =	vld [tilespmem:s3+$0x5020];
	v0 =	vadd.f32 v3, v0  }
0x12b: {  	v3 =	vld [tilespmem:s3+$0x8030]  }
0x12c: {  	v22 =	vld [tilespmem:s3+$0x6000];
	v0 =	vadd.f32 v5, v0  }
0x12d: {  	v5 =	vld [tilespmem:s3+$0x9030]  }
0x12e: {  	v23 =	vld [tilespmem:s3+$0x6020];
	v0 =	vadd.f32 v1, v0  }
0x12f: {  	v1 =	vld [tilespmem:s3+$0xA030]  }
0x130: {  	v24 =	vld [tilespmem:s3+$0x7010];
	v0 =	vadd.f32 v3, v0  }
0x131: {  	v3 =	vld [tilespmem:s3+$0xB030]  }
0x132: {  	v25 =	vld [tilespmem:s3+$0x8000];
	v0 =	vadd.f32 v5, v0  }
0x133: {  	v5 =	vld [tilespmem:s3+$0xC030]  }
0x134: {  	v48 =	vld [tilespmem:s3+$0x9010];
	v0 =	vadd.f32 v1, v0  }
0x135: {  	v1 =	vld [tilespmem:s3+$0xD030]  }
0x136: {  	v49 =	vld [tilespmem:s3+$0x9020];
	v0 =	vadd.f32 v3, v0  }
0x137: {  	v3 =	vld [tilespmem:s3+$0xE030]  }
0x138: {  	v50 =	vld [tilespmem:s3+$0xA000];
	v0 =	vadd.f32 v5, v0  }
0x139: {  	v5 =	vld [tilespmem:s3+$0xF030]  }
0x13a: {  	v51 =	vld [tilespmem:s3+$0xA010];
	v0 =	vadd.f32 v1, v0  }
0x13b: {  	v1 =	vld [tilespmem:s3+$0x10030]  }
0x13c: {  	v52 =	vld [tilespmem:s3+$0xA020];
	v0 =	vadd.f32 v3, v0  }
0x13d: {  	v3 =	vld [tilespmem:s3+$0x11030]  }
0x13e: {  	v53 =	vld [tilespmem:s3+$0xB000];
	v0 =	vadd.f32 v5, v0  }
0x13f: {  	v2 =	vadd.f32 v4, v2;
	v4 =	vadd.f32 v7, v6;
	v5 =	vld [tilespmem:s3+$0x12030]  }
0x140: {  	v54 =	vld [tilespmem:s3+$0xB010];
	v7 =	vadd.f32 v43, v8;
	v0 =	vadd.f32 v1, v0  }
0x141: {  	v2 =	vadd.f32 v44, v2;
	v4 =	vadd.f32 v45, v4;
	v1 =	vld [tilespmem:s3+$0x13030]  }
0x142: {  	v55 =	vld [tilespmem:s3+$0xB020];
	v7 =	vadd.f32 v46, v7;
	v0 =	vadd.f32 v3, v0  }
0x143: {  	v56 =	vld [tilespmem:s3+$0xC010];
	v2 =	vadd.f32 v47, v2;
	v4 =	vadd.f32 v14, v4  }
0x144: {  	v7 =	vadd.f32 v15, v7;
	v3 =	vld [tilespmem:s3+$0x6010];
	v0 =	vadd.f32 v5, v0  }
0x145: {  	v57 =	vld [tilespmem:s3+$0xE010];
	v2 =	vadd.f32 v16, v2;
	v4 =	vadd.f32 v17, v4  }
0x146: {  	v7 =	vadd.f32 v18, v7;
	v5 =	vld [tilespmem:s3+$0x7000];
	v0 =	vadd.f32 v1, v0  }
0x147: {  	v2 =	vadd.f32 v19, v2;
	v4 =	vadd.f32 v20, v4;
	v1 =	vld [tilespmem:s3+$0x7020]  }
0x148: {  	v7 =	vadd.f32 v21, v7;
	[tilespmem:s3+$0x15030] =	vst v0;
	v0 =	vld [tilespmem:s3+$0x8010]  }
0x149: {  	v6 =	vld [tilespmem:s3+$0x8020];
	v2 =	vadd.f32 v22, v2;
	v3 =	vadd.f32 v3, v4  }
0x14a: {  	v8 =	vld [tilespmem:s3+$0x9000];
	v7 =	vadd.f32 v23, v7  }
0x14b: {  	v58 =	vld [tilespmem:s3+$0xE020];
	v2 =	vadd.f32 v5, v2;
	v3 =	vadd.f32 v24, v3  }
0x14c: {  	v59 =	vld [tilespmem:s3+$0xF000];
	v1 =	vadd.f32 v1, v7  }
0x14d: {  	v60 =	vld [tilespmem:s3+$0xF010];
	v2 =	vadd.f32 v25, v2;
	v0 =	vadd.f32 v0, v3  }
0x14e: {  	v61 =	vld [tilespmem:s3+$0xF020];
	v1 =	vadd.f32 v6, v1  }
0x14f: {  	v4 =	vld [tilespmem:s3+$0xC000];
	v2 =	vadd.f32 v8, v2;
	v0 =	vadd.f32 v48, v0  }
0x150: {  	v5 =	vld [tilespmem:s3+$0xC020];
	v1 =	vadd.f32 v49, v1  }
0x151: {  	v7 =	vld [tilespmem:s3+$0xD000];
	v2 =	vadd.f32 v50, v2;
	v0 =	vadd.f32 v51, v0  }
0x152: {  	v3 =	vld [tilespmem:s3+$0xD010];
	v1 =	vadd.f32 v52, v1  }
0x153: {  	v6 =	vld [tilespmem:s3+$0xD020];
	v2 =	vadd.f32 v53, v2;
	v0 =	vadd.f32 v54, v0  }
0x154: {  	v8 =	vld [tilespmem:s3+$0xE000];
	v1 =	vadd.f32 v55, v1  }
0x155: {  	v62 =	vld [tilespmem:s3+$0x12000];
	v2 =	vadd.f32 v4, v2;
	v0 =	vadd.f32 v56, v0  }
0x156: {  	v4 =	vld [tilespmem:s3+$0x10000];
	v1 =	vadd.f32 v5, v1  }
0x157: {  	v5 =	vld [tilespmem:s3+$0x10010];
	v2 =	vadd.f32 v7, v2;
	v0 =	vadd.f32 v3, v0  }
0x158: {  	v7 =	vld [tilespmem:s3+$0x11010];
	v1 =	vadd.f32 v6, v1  }
0x159: {  	v3 =	vld [tilespmem:s3+$0x10020];
	v2 =	vadd.f32 v8, v2;
	v0 =	vadd.f32 v57, v0  }
0x15a: {  	v6 =	vld [tilespmem:s3+$0x11000];
	v1 =	vadd.f32 v58, v1  }
0x15b: {  	v8 =	vld [tilespmem:s3+$0x11020];
	v2 =	vadd.f32 v59, v2;
	v0 =	vadd.f32 v60, v0  }
0x15c: {  	v63 =	vld [tilespmem:s3+$0x12010];
	v10 =	vadd.f32 v61, v1  }
0x15d: {  	v2 =	vadd.f32 v4, v2;
	v1 =	vld [tilespmem:s3+$0x12020];
	v0 =	vadd.f32 v5, v0  }
0x15e: {  	v4 =	vadd.f32 v3, v10;
	v3 =	vld [tilespmem:s3+$0x13000]  }
0x15f: {  	v6 =	vadd.f32 v6, v2;
	v2 =	vld [tilespmem:s3+$0x13010];
	v7 =	vadd.f32 v7, v0  }
0x160: {  	s25 =	simm.s32 $0x40;
	v5 =	vadd.f32 v8, v4;
	v4 =	vld [tilespmem:s3+$0x13020]  }
0x161: {  	s24 =	simm.s32 $0x200;
	v6 =	vadd.f32 v62, v6;
	v0 =	vld [tilespmem:s25+$0x30];
	v7 =	vadd.f32 v63, v7  }
.LBB2_5:
0x162: {  	p0 =	sne.s32 s24, $0x3F00;
	v8 =	vld [tilespmem:s25+$0x1030];
	v1 =	vadd.f32 v1, v5  }
0x163: {  	v5 =	vld [tilespmem:s25+$0x0];
	v3 =	vadd.f32 v3, v6  }
0x164: {  	v6 =	vld [tilespmem:s25+$0x2030];
	v2 =	vadd.f32 v2, v7  }
0x165: {  	v7 =	vld [tilespmem:s25+$0x1000];
	[tilespmem:s3+$0x15000] =	vst v3;
	v1 =	vadd.f32 v4, v1  }
0x166: {  	v3 =	vld [tilespmem:s25+$0x3030];
	[tilespmem:s3+$0x15010] =	vst v2  }
0x167: {  	v2 =	vld [tilespmem:s25+$0x10];
	v0 =	vadd.f32 v8, v0;
	[tilespmem:s3+$0x15020] =	vst v1;
	s3 =	smov.u32 s25  }
0x168: {  	v1 =	vld [tilespmem:s3+$0x4030]  }
0x169: {  	v4 =	vld [tilespmem:s3+$0x1010];
	v0 =	vadd.f32 v6, v0  }
0x16a: {  	v5 =	vadd.f32 v7, v5;
	v6 =	vld [tilespmem:s3+$0x5030]  }
0x16b: {  	v7 =	vld [tilespmem:s3+$0x20];
	v0 =	vadd.f32 v3, v0  }
0x16c: {  	v3 =	vld [tilespmem:s3+$0x6030]  }
0x16d: {  	v8 =	vld [tilespmem:s3+$0x1020];
	v0 =	vadd.f32 v1, v0  }
0x16e: {  	v1 =	vadd.f32 v4, v2;
	v2 =	vld [tilespmem:s3+$0x7030]  }
0x16f: {  	v4 =	vld [tilespmem:s3+$0x2000];
	v0 =	vadd.f32 v6, v0  }
0x170: {  	v6 =	vld [tilespmem:s3+$0x8030]  }
0x171: {  	v9 =	vld [tilespmem:s3+$0x2010];
	v0 =	vadd.f32 v3, v0  }
0x172: {  	v3 =	vadd.f32 v8, v7;
	v7 =	vld [tilespmem:s3+$0x9030]  }
0x173: {  	v8 =	vld [tilespmem:s3+$0x2020];
	v0 =	vadd.f32 v2, v0  }
0x174: {  	v2 =	vadd.f32 v4, v5;
	v4 =	vld [tilespmem:s3+$0xA030]  }
0x175: {  	v5 =	vld [tilespmem:s3+$0x3000];
	v0 =	vadd.f32 v6, v0  }
0x176: {  	v1 =	vadd.f32 v9, v1;
	v6 =	vld [tilespmem:s3+$0xB030]  }
0x177: {  	v9 =	vld [tilespmem:s3+$0x3010];
	v0 =	vadd.f32 v7, v0  }
0x178: {  	v3 =	vadd.f32 v8, v3;
	v7 =	vld [tilespmem:s3+$0xC030]  }
0x179: {  	v8 =	vld [tilespmem:s3+$0x3020];
	v0 =	vadd.f32 v4, v0  }
0x17a: {  	v2 =	vadd.f32 v5, v2;
	v4 =	vld [tilespmem:s3+$0xD030]  }
0x17b: {  	v5 =	vld [tilespmem:s3+$0x4000];
	v0 =	vadd.f32 v6, v0  }
0x17c: {  	v1 =	vadd.f32 v9, v1;
	v6 =	vld [tilespmem:s3+$0xE030]  }
0x17d: {  	v9 =	vld [tilespmem:s3+$0x4010];
	v0 =	vadd.f32 v7, v0  }
0x17e: {  	v3 =	vadd.f32 v8, v3;
	v7 =	vld [tilespmem:s3+$0xF030]  }
0x17f: {  	v8 =	vld [tilespmem:s3+$0x4020];
	v0 =	vadd.f32 v4, v0  }
0x180: {  	v2 =	vadd.f32 v5, v2;
	v4 =	vld [tilespmem:s3+$0x10030]  }
0x181: {  	v5 =	vld [tilespmem:s3+$0x5000];
	v0 =	vadd.f32 v6, v0  }
0x182: {  	v1 =	vadd.f32 v9, v1;
	v6 =	vld [tilespmem:s3+$0x11030]  }
0x183: {  	v9 =	vld [tilespmem:s3+$0x5010];
	v0 =	vadd.f32 v7, v0  }
0x184: {  	v3 =	vadd.f32 v8, v3;
	v7 =	vld [tilespmem:s3+$0x12030]  }
0x185: {  	v8 =	vld [tilespmem:s3+$0x5020];
	v0 =	vadd.f32 v4, v0  }
0x186: {  	v2 =	vadd.f32 v5, v2;
	v4 =	vld [tilespmem:s3+$0x13030]  }
0x187: {  	v5 =	vld [tilespmem:s3+$0x6000];
	v0 =	vadd.f32 v6, v0  }
0x188: {  	v1 =	vadd.f32 v9, v1;
	v6 =	vld [tilespmem:s3+$0x6010]  }
0x189: {  	v9 =	vld [tilespmem:s3+$0x6020];
	v0 =	vadd.f32 v7, v0  }
0x18a: {  	v7 =	vld [tilespmem:s3+$0x7000];
	v3 =	vadd.f32 v8, v3  }
0x18b: {  	v8 =	vld [tilespmem:s3+$0x7010];
	v0 =	vadd.f32 v4, v0  }
0x18c: {  	v2 =	vadd.f32 v5, v2;
	v4 =	vld [tilespmem:s3+$0x7020]  }
0x18d: {  	v5 =	vld [tilespmem:s3+$0x8000];
	v1 =	vadd.f32 v6, v1;
	[tilespmem:s3+$0x15030] =	vst v0  }
0x18e: {  	v0 =	vld [tilespmem:s3+$0x8010];
	v3 =	vadd.f32 v9, v3  }
0x18f: {  	v2 =	vadd.f32 v7, v2;
	v6 =	vld [tilespmem:s3+$0x8020]  }
0x190: {  	v7 =	vld [tilespmem:s3+$0x9000];
	v1 =	vadd.f32 v8, v1  }
0x191: {  	v8 =	vld [tilespmem:s3+$0x9010];
	v3 =	vadd.f32 v4, v3  }
0x192: {  	v2 =	vadd.f32 v5, v2;
	v4 =	vld [tilespmem:s3+$0x9020]  }
0x193: {  	v5 =	vld [tilespmem:s3+$0xA000];
	v0 =	vadd.f32 v0, v1  }
0x194: {  	v1 =	vld [tilespmem:s3+$0xA010];
	v3 =	vadd.f32 v6, v3  }
0x195: {  	v2 =	vadd.f32 v7, v2;
	v6 =	vld [tilespmem:s3+$0xA020]  }
0x196: {  	v7 =	vld [tilespmem:s3+$0xB000];
	v0 =	vadd.f32 v8, v0  }
0x197: {  	v8 =	vld [tilespmem:s3+$0xB010];
	v3 =	vadd.f32 v4, v3  }
0x198: {  	v2 =	vadd.f32 v5, v2;
	v4 =	vld [tilespmem:s3+$0xB020]  }
0x199: {  	v5 =	vld [tilespmem:s3+$0xC000];
	v0 =	vadd.f32 v1, v0  }
0x19a: {  	v1 =	vld [tilespmem:s3+$0xC010];
	v3 =	vadd.f32 v6, v3  }
0x19b: {  	v2 =	vadd.f32 v7, v2;
	v6 =	vld [tilespmem:s3+$0xC020]  }
0x19c: {  	v7 =	vld [tilespmem:s3+$0xD000];
	v0 =	vadd.f32 v8, v0  }
0x19d: {  	v8 =	vld [tilespmem:s3+$0xD010];
	v3 =	vadd.f32 v4, v3  }
0x19e: {  	v2 =	vadd.f32 v5, v2;
	v4 =	vld [tilespmem:s3+$0xD020]  }
0x19f: {  	v5 =	vld [tilespmem:s3+$0xE000];
	v0 =	vadd.f32 v1, v0  }
0x1a0: {  	v1 =	vld [tilespmem:s3+$0xE010];
	v3 =	vadd.f32 v6, v3  }
0x1a1: {  	v2 =	vadd.f32 v7, v2;
	v6 =	vld [tilespmem:s3+$0xE020]  }
0x1a2: {  	v7 =	vld [tilespmem:s3+$0xF000];
	v0 =	vadd.f32 v8, v0  }
0x1a3: {  	v8 =	vld [tilespmem:s3+$0xF010];
	v3 =	vadd.f32 v4, v3  }
0x1a4: {  	v2 =	vadd.f32 v5, v2;
	v4 =	vld [tilespmem:s3+$0xF020]  }
0x1a5: {  	v5 =	vld [tilespmem:s3+$0x10000];
	v0 =	vadd.f32 v1, v0  }
0x1a6: {  	v1 =	vld [tilespmem:s3+$0x10010];
	v3 =	vadd.f32 v6, v3  }
0x1a7: {  	v2 =	vadd.f32 v7, v2;
	v6 =	vld [tilespmem:s3+$0x10020]  }
0x1a8: {  	v7 =	vld [tilespmem:s3+$0x11000];
	v0 =	vadd.f32 v8, v0  }
0x1a9: {  	v8 =	vld [tilespmem:s3+$0x11010];
	v3 =	vadd.f32 v4, v3  }
0x1aa: {  	v2 =	vadd.f32 v5, v2;
	v4 =	vld [tilespmem:s3+$0x11020]  }
0x1ab: {  	v9 =	vld [tilespmem:s3+$0x12000];
	v0 =	vadd.f32 v1, v0  }
0x1ac: {  	v10 =	vld [tilespmem:s3+$0x12010];
	v5 =	vadd.f32 v6, v3  }
.Ltmp1:
0x1ad: {  	v6 =	vadd.f32 v7, v2;
	v1 =	vld [tilespmem:s3+$0x12020];
	(pc) =	sbr.rel @p0 .LBB2_5-.Ltmp1, $4  }
0x1ae: {  	v3 =	vld [tilespmem:s3+$0x13000];
	v7 =	vadd.f32 v8, v0  }
0x1af: {  	v2 =	vld [tilespmem:s3+$0x13010];
	v5 =	vadd.f32 v4, v5  }
0x1b0: {  	s25 =	sshra.s32 s24, $0x2;
	v6 =	vadd.f32 v9, v6;
	v4 =	vld [tilespmem:s3+$0x13020]  }
0x1b1: {  	s24 =	sadd.s32 $0x100, s24;
	v0 =	vld [tilespmem:s25+$0x30];
	v7 =	vadd.f32 v10, v7  }
0x1b2: {  	v8 =	vld [tilespmem:s25+$0x1030]  }
0x1b3: {  	v9 =	vld [tilespmem:s25+$0x0];
	v1 =	vadd.f32 v1, v5;
	v3 =	vadd.f32 v3, v6  }
0x1b4: {  	v41 =	vld [tilespmem:s25+$0x2030];
	v2 =	vadd.f32 v2, v7  }
0x1b5: {  	v10 =	vld [tilespmem:s25+$0x1000];
	[tilespmem:s3+$0x15000] =	vst v3;
	v1 =	vadd.f32 v4, v1  }
0x1b6: {  	v3 =	vld [tilespmem:s25+$0x3030];
	[tilespmem:s3+$0x15010] =	vst v2  }
0x1b7: {  	v2 =	vld [tilespmem:s25+$0x10];
	[tilespmem:s3+$0x15020] =	vst v1  }
0x1b8: {  	v1 =	vld [tilespmem:s25+$0x4030]  }
0x1b9: {  	v42 =	vld [tilespmem:s25+$0x1010]  }
0x1ba: {  	v43 =	vld [tilespmem:s25+$0x5030]  }
0x1bb: {  	v44 =	vld [tilespmem:s25+$0x20]  }
0x1bc: {  	v45 =	vld [tilespmem:s25+$0x6030]  }
0x1bd: {  	v46 =	vld [tilespmem:s25+$0x1020]  }
0x1be: {  	v47 =	vld [tilespmem:s25+$0x7030]  }
0x1bf: {  	v48 =	vld [tilespmem:s25+$0x2000]  }
0x1c0: {  	v49 =	vld [tilespmem:s25+$0x8030]  }
0x1c1: {  	v11 =	vld [tilespmem:s25+$0x2010]  }
0x1c2: {  	v50 =	vld [tilespmem:s25+$0x9030]  }
0x1c3: {  	v12 =	vld [tilespmem:s25+$0x2020]  }
0x1c4: {  	v51 =	vld [tilespmem:s25+$0xA030]  }
0x1c5: {  	v13 =	vld [tilespmem:s25+$0x3000]  }
0x1c6: {  	v52 =	vld [tilespmem:s25+$0xB030]  }
0x1c7: {  	v14 =	vld [tilespmem:s25+$0x3010]  }
0x1c8: {  	v53 =	vld [tilespmem:s25+$0xC030]  }
0x1c9: {  	v0 =	vadd.f32 v8, v0;
	v15 =	vld [tilespmem:s25+$0x3020]  }
0x1ca: {  	v54 =	vld [tilespmem:s25+$0xD030]  }
0x1cb: {  	v16 =	vld [tilespmem:s25+$0x4000];
	v0 =	vadd.f32 v41, v0  }
0x1cc: {  	v55 =	vld [tilespmem:s25+$0xE030]  }
0x1cd: {  	v17 =	vld [tilespmem:s25+$0x4010];
	v0 =	vadd.f32 v3, v0  }
0x1ce: {  	v56 =	vld [tilespmem:s25+$0xF030]  }
0x1cf: {  	v18 =	vld [tilespmem:s25+$0x4020];
	v0 =	vadd.f32 v1, v0  }
0x1d0: {  	v57 =	vld [tilespmem:s25+$0x10030]  }
0x1d1: {  	v19 =	vld [tilespmem:s25+$0x5000];
	v0 =	vadd.f32 v43, v0  }
0x1d2: {  	v58 =	vld [tilespmem:s25+$0x11030]  }
0x1d3: {  	v20 =	vld [tilespmem:s25+$0x5010];
	v0 =	vadd.f32 v45, v0  }
0x1d4: {  	v59 =	vld [tilespmem:s25+$0x12030]  }
0x1d5: {  	v21 =	vld [tilespmem:s25+$0x5020];
	v0 =	vadd.f32 v47, v0  }
0x1d6: {  	v60 =	vld [tilespmem:s25+$0x13030]  }
0x1d7: {  	v22 =	vld [tilespmem:s25+$0x6000];
	v0 =	vadd.f32 v49, v0  }
0x1d8: {  	v61 =	vld [tilespmem:s25+$0x6010]  }
0x1d9: {  	v23 =	vld [tilespmem:s25+$0x6020];
	v0 =	vadd.f32 v50, v0  }
0x1da: {  	v62 =	vld [tilespmem:s25+$0x7000]  }
0x1db: {  	v24 =	vld [tilespmem:s25+$0x7010];
	v0 =	vadd.f32 v51, v0  }
0x1dc: {  	v63 =	vld [tilespmem:s25+$0x7020]  }
0x1dd: {  	v25 =	vld [tilespmem:s25+$0x8000];
	v0 =	vadd.f32 v52, v0  }
0x1de: {  	v27 =	vld [tilespmem:s25+$0x8010]  }
0x1df: {  	v28 =	vld [tilespmem:s25+$0x8020];
	v6 =	vadd.f32 v46, v44;
	v0 =	vadd.f32 v53, v0  }
0x1e0: {  	v9 =	vadd.f32 v10, v9;
	v29 =	vld [tilespmem:s25+$0x9000];
	v2 =	vadd.f32 v42, v2  }
0x1e1: {  	v31 =	vld [tilespmem:s25+$0x9010];
	v6 =	vadd.f32 v12, v6;
	v0 =	vadd.f32 v54, v0  }
0x1e2: {  	v32 =	vld [tilespmem:s25+$0x9020];
	v30 =	vadd.f32 v48, v9;
	v2 =	vadd.f32 v11, v2  }
0x1e3: {  	v33 =	vld [tilespmem:s25+$0xA000];
	v6 =	vadd.f32 v15, v6;
	v0 =	vadd.f32 v55, v0  }
0x1e4: {  	v34 =	vld [tilespmem:s25+$0xA010];
	v7 =	vadd.f32 v13, v30;
	v2 =	vadd.f32 v14, v2  }
0x1e5: {  	v35 =	vld [tilespmem:s25+$0xA020];
	v6 =	vadd.f32 v18, v6;
	v0 =	vadd.f32 v56, v0  }
0x1e6: {  	v36 =	vld [tilespmem:s25+$0xB000];
	v7 =	vadd.f32 v16, v7;
	v2 =	vadd.f32 v17, v2  }
0x1e7: {  	v37 =	vld [tilespmem:s25+$0xB010];
	v6 =	vadd.f32 v21, v6;
	v0 =	vadd.f32 v57, v0  }
0x1e8: {  	v38 =	vld [tilespmem:s25+$0xB020];
	v7 =	vadd.f32 v19, v7;
	v2 =	vadd.f32 v20, v2  }
0x1e9: {  	v39 =	vld [tilespmem:s25+$0xC000];
	v6 =	vadd.f32 v23, v6;
	v0 =	vadd.f32 v58, v0  }
0x1ea: {  	v40 =	vld [tilespmem:s25+$0xC010];
	v7 =	vadd.f32 v22, v7;
	v2 =	vadd.f32 v61, v2  }
0x1eb: {  	v41 =	vld [tilespmem:s25+$0xC020];
	v1 =	vadd.f32 v63, v6;
	v0 =	vadd.f32 v59, v0  }
0x1ec: {  	v42 =	vld [tilespmem:s25+$0xD000];
	v3 =	vadd.f32 v62, v7;
	v2 =	vadd.f32 v24, v2  }
0x1ed: {  	v44 =	vld [tilespmem:s25+$0xD020];
	v1 =	vadd.f32 v28, v1;
	v0 =	vadd.f32 v60, v0  }
0x1ee: {  	v46 =	vld [tilespmem:s25+$0xE010];
	v3 =	vadd.f32 v25, v3  }
0x1ef: {  	v48 =	vld [tilespmem:s25+$0xF000];
	v1 =	vadd.f32 v32, v1;
	[tilespmem:s25+$0x15030] =	vst v0;
	v0 =	vadd.f32 v27, v2  }
0x1f0: {  	v43 =	vld [tilespmem:s25+$0xD010];
	v3 =	vadd.f32 v29, v3  }
0x1f1: {  	v45 =	vld [tilespmem:s25+$0xE000];
	v1 =	vadd.f32 v35, v1;
	v0 =	vadd.f32 v31, v0  }
0x1f2: {  	v47 =	vld [tilespmem:s25+$0xE020];
	v3 =	vadd.f32 v33, v3  }
0x1f3: {  	v49 =	vld [tilespmem:s25+$0xF010];
	v1 =	vadd.f32 v38, v1;
	v0 =	vadd.f32 v34, v0  }
0x1f4: {  	v50 =	vld [tilespmem:s25+$0xF020];
	v3 =	vadd.f32 v36, v3  }
0x1f5: {  	v51 =	vld [tilespmem:s25+$0x10000];
	v1 =	vadd.f32 v41, v1;
	v0 =	vadd.f32 v37, v0  }
0x1f6: {  	v63 =	vld [tilespmem:s25+$0x13020];
	v3 =	vadd.f32 v39, v3  }
0x1f7: {  	v52 =	vld [tilespmem:s25+$0x10010];
	v1 =	vadd.f32 v44, v1;
	v0 =	vadd.f32 v40, v0  }
0x1f8: {  	v53 =	vld [tilespmem:s25+$0x10020];
	v3 =	vadd.f32 v42, v3  }
0x1f9: {  	v54 =	vld [tilespmem:s25+$0x11000];
	v1 =	vadd.f32 v47, v1;
	v0 =	vadd.f32 v43, v0  }
0x1fa: {  	v55 =	vadd.f32 v45, v3;
	v57 =	vld [tilespmem:s25+$0x11020]  }
0x1fb: {  	v56 =	vld [tilespmem:s25+$0x11010];
	v1 =	vadd.f32 v50, v1;
	v0 =	vadd.f32 v46, v0  }
0x1fc: {  	v60 =	vld [tilespmem:s25+$0x12020];
	v2 =	vadd.f32 v48, v55  }
0x1fd: {  	v58 =	vld [tilespmem:s25+$0x12000];
	v1 =	vadd.f32 v53, v1;
	v0 =	vadd.f32 v49, v0  }
0x1fe: {  	v59 =	vld [tilespmem:s25+$0x12010];
	v2 =	vadd.f32 v51, v2  }
0x1ff: {  	v61 =	vld [tilespmem:s25+$0x13000];
	v1 =	vadd.f32 v57, v1;
	v0 =	vadd.f32 v52, v0  }
0x200: {  	v62 =	vld [tilespmem:s25+$0x13010];
	v2 =	vadd.f32 v54, v2  }
0x201: {  	v1 =	vadd.f32 v60, v1;
	v0 =	vadd.f32 v56, v0  }
0x202: {  	v2 =	vadd.f32 v58, v2  }
0x203: {  	v1 =	vadd.f32 v63, v1;
	v0 =	vadd.f32 v59, v0  }
0x204: {  	v2 =	vadd.f32 v61, v2  }
0x205: {  	s10 =	sadd.s32 $0x1, s10;
	[tilespmem:s25+$0x15020] =	vst v1;
	v0 =	vadd.f32 v62, v0  }
0x206: {  	p0 =	sne.s32 s10, $0x8;
	[tilespmem:s25+$0x15000] =	vst v2  }
.Ltmp2:
0x207: {  	s0 =	sadd.s32 s7, s2;
	s1 =	simm.s32 $0x0;
	[tilespmem:s25+$0x15010] =	vst v0;
	(pc) =	sbr.rel @p0 .LBB2_2-.Ltmp2, $4  }
0x208: {  	[hbm4b:s0+s1] =	stream.linear.scatter [tilespmem:s9], [sflag:$0x2], $0x1000, $0x38;
	[tilespmem:$0x19800] =	vst v63  }
0x209: {  	_ =	swait.ge [sflag:s14], $0x1000  }
0x20a: {  	[sflag:s14] =	ssyncset.done $0x0  }
0x20b: {  	[sflag:s14] =	ssyncadd.s32 $0xFFFFF000  }
0x20c: {  	s1 =	rddreg [dreg:$0x6]  }
0x20d: {  	s0 =	rddreg [dreg:$0x5];
	s1 =	sadd.s32 $0x1, s1  }
0x20e: {  	p0 =	sne.s32 s1, s0  }
.Ltmp3:
0x20f: {  	_ = 	snop;
	(pc) =	sbr.rel @p0 .LBB2_1-.Ltmp3, $1  }
0x210: {  	_ =	sdelay $0x3  }
0x211: {  	_ =	sfence.sel $0x180000  }
0x212: {  	[bflag:$0x0] =	sbarrier.arrive $0xFFFF  }
0x213: {  	_ =	strace $0x9000004A  }
0x214: {  	s0 =	stileid.u32;
	[bflag:$0x2] =	sbarrier.arrive $0xFFFF  }
0x215: {  	p0 =	sne.s32 s0, $0x0;
	s0 =	rddreg [dreg:$0x2]  }
0x216: {  	s0 =	sadd.s32 @!p0 $0x100000, s0  }
0x217: {  	[sflag:s0] =	ssyncadd.tile.s32 @!p0 $0x1;
	_ =	shalt  }
.Lfunc_end2:
_tile_overlayer_lowered:
.L_overlay_start_2:
0x218: {  	(tag) =	ssettag $0x2  }
0x219: {  	s0 =	rddreg [dreg:$0x0];
	s2 =	stileid.u32  }
0x21a: {  	s1 =	rddreg [dreg:$0x1];
	p0 =	sne.s32 s2, $0x0  }
0x21b: {  	s3 =	rddreg [dreg:$0x2];
	[bflag:$0x3] =	sbarrier.arrive $0xFFFF;
	s2 =	simm.s32 @!p0 $0x1C02  }
0x21c: {  	[timem:s3], [sflag:s2] =	dma.local @!p0 [hbm:s0], s1  }
0x21d: {  	s0 =	simm.s32 @!p0 $0x2  }
0x21e: {  	_ =	swait.ge @!p0 [sflag:s0], s1  }
0x21f: {  	s1 =	ssub.s32 @!p0 $0x0, s1;
	[sflag:s0] =	ssyncset.done @!p0 $0x0  }
0x220: {  	[sflag:s0] =	ssyncadd.s32 @!p0 s1  }
0x221: {  	[bflag:$0x3] =	sbarrier.arrive $0xFFFF  }
0x222: {  	_ =	shalt  }

</sc_bundles>
